<compile_context>
chip_gen: v7x
topology: tpu7x:2x2x1
jax: 0.10.2.dev20260603
libtpu: 0.0.44.dev20260713+nightly
codegen_flags: <defaults>
</compile_context>

<pallas_src>
import functools
import math

import jax
import jax.numpy as jnp
from jax import lax
from jax.experimental import pallas as pl
from jax.experimental.pallas import tpu as pltpu
from jax.experimental.pallas import tpu_sc as plsc

D = 128
SCALE = math.sqrt(float(D))
NC = 2
NS = 16
NW = NC * NS
B = 1024 * 200
B_PER_W = B // NW
CHUNK = 64
NCHUNK = B_PER_W // CHUNK
NIN = 6
NOUT = 6
UNROLL = NIN * NOUT // math.gcd(NIN, NOUT)


def _emb_body(x_hbm, table_hbm, out_hbm, idx_v, *scratch):
    in_bufs = scratch[:NIN]
    out_bufs = scratch[NIN:NIN + NOUT]
    in_sems = scratch[NIN + NOUT:2 * NIN + NOUT]
    out_sems = scratch[2 * NIN + NOUT:2 * NIN + 2 * NOUT]

    c = lax.axis_index("c")
    s = lax.axis_index("s")
    wid = s * NC + c
    base = wid * B_PER_W

    pltpu.sync_copy(x_hbm.at[wid], idx_v)

    def gather(chunk, bi):
        return pltpu.make_async_copy(
            table_hbm.at[idx_v.at[chunk]], in_bufs[bi], in_sems[bi])

    def put(chunk, bo):
        return pltpu.make_async_copy(
            out_bufs[bo], out_hbm.at[pl.ds(base + chunk * CHUNK, CHUNK)],
            out_sems[bo])

    for bi in range(NIN):
        gather(jnp.int32(bi), bi).start()

    def slot(chunk, bi, bo):
        gather(chunk, bi).wait()
        @pl.when(chunk >= NOUT)
        def _():
            put(chunk - NOUT, bo).wait()

        def row(r, carry):
            for cc in range(D // 16):
                out_bufs[bo][r, pl.ds(cc * 16, 16)] = (
                    in_bufs[bi][r, pl.ds(cc * 16, 16)] * SCALE)
            return carry
        lax.fori_loop(0, CHUNK, row, 0)

        @pl.when(chunk + NIN < NCHUNK)
        def _():
            gather(chunk + NIN, bi).start()

        put(chunk, bo).start()

    full, rem = divmod(NCHUNK, UNROLL)

    def outer(j, carry):
        for k in range(UNROLL):
            slot(j * UNROLL + k, k % NIN, k % NOUT)
        return carry
    lax.fori_loop(0, full, outer, 0)
    for k in range(rem):
        chunk = full * UNROLL + k
        slot(jnp.int32(chunk), chunk % NIN, chunk % NOUT)

    for chunk in range(NCHUNK - NOUT, NCHUNK):
        put(jnp.int32(chunk), chunk % NOUT).wait()


def kernel(x, table):
    mesh = plsc.VectorSubcoreMesh(core_axis_name="c", subcore_axis_name="s")
    scratch = (
        [pltpu.VMEM((NCHUNK, CHUNK), jnp.int32)]
        + [pltpu.VMEM((CHUNK, D), jnp.float32) for _ in range(NIN + NOUT)]
        + [pltpu.SemaphoreType.DMA for _ in range(NIN + NOUT)]
    )
    run = functools.partial(
        pl.kernel,
        mesh=mesh,
        out_type=jax.ShapeDtypeStruct((B, D), jnp.float32),
        scratch_types=scratch,
    )(_emb_body)
    x3d = x.reshape(NW, NCHUNK, CHUNK).astype(jnp.int32)
    out = run(x3d, table)
    return out.reshape(x.shape[0], x.shape[1], D)

# --- scband reference (transcript-rebuilt; emitter-appended) ---
"""Pipeline reference for scband-input-embeddings-40879498728880 (READ-ONLY COPY).

The authoritative reference and input builder live on the scoring server;
editing this copy changes nothing except your own understanding.
"""

import jax, jax.numpy as jnp
import numpy as np
import math

VOCAB = 100000
EMBED_DIM = 128

def setup_inputs(seed: int = 0) -> dict:
    key = jax.random.key(seed)
    k1, k2 = jax.random.split(key)
    x = jax.random.randint(k1, (1024, 200), 0, VOCAB, dtype=jnp.int64 if jax.config.jax_enable_x64 else jnp.int32)
    table = jax.random.normal(k2, (VOCAB, EMBED_DIM), dtype=jnp.float32)
    return {"x": x, "table": table}

def reference(x, table):
    # nn.Embedding lookup followed by sqrt(d_model) scaling
    out = jnp.take(table, x, axis=0) * math.sqrt(EMBED_DIM)
    return out

if __name__ == "__main__":
    import jax
    _d = setup_inputs()
    print(jax.jit(kernel)(*tuple(_d.values())))

</pallas_src>

<mosaic_0001>
#map = affine_map<(d0, d1) -> (0, 0, 0)>
#map1 = affine_map<(d0, d1) -> (0, 0)>
module attributes {stable_mosaic.version = 14 : i64} {
  func.func @_emb_body(%arg0: i32, %arg1: i32, %arg2: memref<32x100x64xi32, #tpu.memory_space<hbm>>, %arg3: memref<100000x128xf32, #tpu.memory_space<hbm>>, %arg4: memref<204800x128xf32, #tpu.memory_space<hbm>>, %arg5: memref<100x64xi32, #tpu.memory_space<vmem>>, %arg6: memref<64x128xf32, #tpu.memory_space<vmem>>, %arg7: memref<64x128xf32, #tpu.memory_space<vmem>>, %arg8: memref<64x128xf32, #tpu.memory_space<vmem>>, %arg9: memref<64x128xf32, #tpu.memory_space<vmem>>, %arg10: memref<64x128xf32, #tpu.memory_space<vmem>>, %arg11: memref<64x128xf32, #tpu.memory_space<vmem>>, %arg12: memref<64x128xf32, #tpu.memory_space<vmem>>, %arg13: memref<64x128xf32, #tpu.memory_space<vmem>>, %arg14: memref<64x128xf32, #tpu.memory_space<vmem>>, %arg15: memref<64x128xf32, #tpu.memory_space<vmem>>, %arg16: memref<64x128xf32, #tpu.memory_space<vmem>>, %arg17: memref<64x128xf32, #tpu.memory_space<vmem>>, %arg18: memref<!tpu.dma_semaphore, #tpu.memory_space<semaphore_mem>>, %arg19: memref<!tpu.dma_semaphore, #tpu.memory_space<semaphore_mem>>, %arg20: memref<!tpu.dma_semaphore, #tpu.memory_space<semaphore_mem>>, %arg21: memref<!tpu.dma_semaphore, #tpu.memory_space<semaphore_mem>>, %arg22: memref<!tpu.dma_semaphore, #tpu.memory_space<semaphore_mem>>, %arg23: memref<!tpu.dma_semaphore, #tpu.memory_space<semaphore_mem>>, %arg24: memref<!tpu.dma_semaphore, #tpu.memory_space<semaphore_mem>>, %arg25: memref<!tpu.dma_semaphore, #tpu.memory_space<semaphore_mem>>, %arg26: memref<!tpu.dma_semaphore, #tpu.memory_space<semaphore_mem>>, %arg27: memref<!tpu.dma_semaphore, #tpu.memory_space<semaphore_mem>>, %arg28: memref<!tpu.dma_semaphore, #tpu.memory_space<semaphore_mem>>, %arg29: memref<!tpu.dma_semaphore, #tpu.memory_space<semaphore_mem>>) attributes {dimension_semantics = [#tpu.dimension_semantics<core_parallel>, #tpu.dimension_semantics<subcore_parallel>], iteration_bounds = array<i64: 2, 16>, scalar_prefetch = 0 : i64, scratch_operands = 25 : i64, tpu.core_type = #tpu.core_type<sc_vector_subcore>, window_params = [{transform_indices = #map}, {transform_indices = #map1}, {transform_indices = #map1}]} {
    %mul3A = arith.constant 2 : i32
    %mul3A_0 = arith.muli %arg1, %mul3A : i32
    %add3A = arith.addi %mul3A_0, %arg0 : i32
    %mul3A_1 = arith.constant 6400 : i32
    %mul3A_2 = arith.muli %add3A, %mul3A_1 : i32
    "tpu.region"() ({
      %run_scoped3A = tpu.sem_alloc : memref<!tpu.dma_semaphore, #tpu.memory_space<semaphore_mem>>
      %dma_start3A_240 = arith.constant 0 : i32
      %dma_start3A_241 = arith.constant 0 : i32
      %dma_start3A_242 = tpu.memref_slice %arg2[%add3A, %dma_start3A_240, %dma_start3A_241] : memref<32x100x64xi32, #tpu.memory_space<hbm>> -> memref<1x100x64xi32, #tpu.memory_space<hbm>>
      %dma_start3A_243 = tpu.memref_squeeze %dma_start3A_242 : memref<1x100x64xi32, #tpu.memory_space<hbm>> -> memref<100x64xi32, #tpu.memory_space<hbm>>
      %dma_start3A_244 = arith.constant 0 : i32
      %dma_start3A_245 = arith.constant 0 : i32
      %dma_start3A_246 = tpu.memref_slice %arg2[%add3A, %dma_start3A_244, %dma_start3A_245] : memref<32x100x64xi32, #tpu.memory_space<hbm>> -> memref<1x100x64xi32, #tpu.memory_space<hbm>>
      %dma_start3A_247 = tpu.memref_squeeze %dma_start3A_246 : memref<1x100x64xi32, #tpu.memory_space<hbm>> -> memref<100x64xi32, #tpu.memory_space<hbm>>
      tpu.enqueue_dma source(%dma_start3A_247 : memref<100x64xi32, #tpu.memory_space<hbm>>) target(%arg5 : memref<100x64xi32, #tpu.memory_space<vmem>>) target_semaphore(%run_scoped3A : memref<!tpu.dma_semaphore, #tpu.memory_space<semaphore_mem>>)
      %dma_wait3A_248 = arith.constant 0 : i32
      %dma_wait3A_249 = arith.constant 0 : i32
      %dma_wait3A_250 = tpu.memref_slice %arg2[%add3A, %dma_wait3A_248, %dma_wait3A_249] : memref<32x100x64xi32, #tpu.memory_space<hbm>> -> memref<1x100x64xi32, #tpu.memory_space<hbm>>
      %dma_wait3A_251 = tpu.memref_squeeze %dma_wait3A_250 : memref<1x100x64xi32, #tpu.memory_space<hbm>> -> memref<100x64xi32, #tpu.memory_space<hbm>>
      %dma_wait3A_252 = arith.constant 0 : i32
      %dma_wait3A_253 = arith.constant 0 : i32
      %dma_wait3A_254 = tpu.memref_slice %arg2[%add3A, %dma_wait3A_252, %dma_wait3A_253] : memref<32x100x64xi32, #tpu.memory_space<hbm>> -> memref<1x100x64xi32, #tpu.memory_space<hbm>>
      %dma_wait3A_255 = tpu.memref_squeeze %dma_wait3A_254 : memref<1x100x64xi32, #tpu.memory_space<hbm>> -> memref<100x64xi32, #tpu.memory_space<hbm>>
      tpu.wait_dma2 semaphore(%run_scoped3A : memref<!tpu.dma_semaphore, #tpu.memory_space<semaphore_mem>>) src(%dma_wait3A_255 : memref<100x64xi32, #tpu.memory_space<hbm>>) dst(%arg5 : memref<100x64xi32, #tpu.memory_space<vmem>>)
      tpu.yield
    }) : () -> ()
    %dma_start3A = arith.constant 0 : i32
    %dma_start3A_3 = arith.constant 0 : i32
    %dma_start3A_4 = tpu.memref_slice %arg5[%dma_start3A, %dma_start3A_3] : memref<100x64xi32, #tpu.memory_space<vmem>> -> memref<1x64xi32, #tpu.memory_space<vmem>>
    %dma_start3A_5 = tpu.memref_squeeze %dma_start3A_4 : memref<1x64xi32, #tpu.memory_space<vmem>> -> memref<64xi32, #tpu.memory_space<vmem>>
    %dma_start3A_6 = arith.constant 0 : i32
    %dma_start3A_7 = arith.constant 0 : i32
    %dma_start3A_8 = tpu.memref_slice %arg3[%dma_start3A_6, %dma_start3A_7] : memref<100000x128xf32, #tpu.memory_space<hbm>> -> memref<100000x128xf32, #tpu.memory_space<hbm>>
    tpu.enqueue_indirect_dma source(%dma_start3A_8 : memref<100000x128xf32, #tpu.memory_space<hbm>>) target(%arg6 : memref<64x128xf32, #tpu.memory_space<vmem>>) offsets(%dma_start3A_5 : memref<64xi32, #tpu.memory_space<vmem>>) semaphore(%arg18 : memref<!tpu.dma_semaphore, #tpu.memory_space<semaphore_mem>>)
    %dma_start3A_9 = arith.constant 1 : i32
    %dma_start3A_10 = arith.constant 0 : i32
    %dma_start3A_11 = tpu.memref_slice %arg5[%dma_start3A_9, %dma_start3A_10] : memref<100x64xi32, #tpu.memory_space<vmem>> -> memref<1x64xi32, #tpu.memory_space<vmem>>
    %dma_start3A_12 = tpu.memref_squeeze %dma_start3A_11 : memref<1x64xi32, #tpu.memory_space<vmem>> -> memref<64xi32, #tpu.memory_space<vmem>>
    %dma_start3A_13 = arith.constant 0 : i32
    %dma_start3A_14 = arith.constant 0 : i32
    %dma_start3A_15 = tpu.memref_slice %arg3[%dma_start3A_13, %dma_start3A_14] : memref<100000x128xf32, #tpu.memory_space<hbm>> -> memref<100000x128xf32, #tpu.memory_space<hbm>>
    tpu.enqueue_indirect_dma source(%dma_start3A_15 : memref<100000x128xf32, #tpu.memory_space<hbm>>) target(%arg7 : memref<64x128xf32, #tpu.memory_space<vmem>>) offsets(%dma_start3A_12 : memref<64xi32, #tpu.memory_space<vmem>>) semaphore(%arg19 : memref<!tpu.dma_semaphore, #tpu.memory_space<semaphore_mem>>)
    %dma_start3A_16 = arith.constant 2 : i32
    %dma_start3A_17 = arith.constant 0 : i32
    %dma_start3A_18 = tpu.memref_slice %arg5[%dma_start3A_16, %dma_start3A_17] : memref<100x64xi32, #tpu.memory_space<vmem>> -> memref<1x64xi32, #tpu.memory_space<vmem>>
    %dma_start3A_19 = tpu.memref_squeeze %dma_start3A_18 : memref<1x64xi32, #tpu.memory_space<vmem>> -> memref<64xi32, #tpu.memory_space<vmem>>
    %dma_start3A_20 = arith.constant 0 : i32
    %dma_start3A_21 = arith.constant 0 : i32
    %dma_start3A_22 = tpu.memref_slice %arg3[%dma_start3A_20, %dma_start3A_21] : memref<100000x128xf32, #tpu.memory_space<hbm>> -> memref<100000x128xf32, #tpu.memory_space<hbm>>
    tpu.enqueue_indirect_dma source(%dma_start3A_22 : memref<100000x128xf32, #tpu.memory_space<hbm>>) target(%arg8 : memref<64x128xf32, #tpu.memory_space<vmem>>) offsets(%dma_start3A_19 : memref<64xi32, #tpu.memory_space<vmem>>) semaphore(%arg20 : memref<!tpu.dma_semaphore, #tpu.memory_space<semaphore_mem>>)
    %dma_start3A_23 = arith.constant 3 : i32
    %dma_start3A_24 = arith.constant 0 : i32
    %dma_start3A_25 = tpu.memref_slice %arg5[%dma_start3A_23, %dma_start3A_24] : memref<100x64xi32, #tpu.memory_space<vmem>> -> memref<1x64xi32, #tpu.memory_space<vmem>>
    %dma_start3A_26 = tpu.memref_squeeze %dma_start3A_25 : memref<1x64xi32, #tpu.memory_space<vmem>> -> memref<64xi32, #tpu.memory_space<vmem>>
    %dma_start3A_27 = arith.constant 0 : i32
    %dma_start3A_28 = arith.constant 0 : i32
    %dma_start3A_29 = tpu.memref_slice %arg3[%dma_start3A_27, %dma_start3A_28] : memref<100000x128xf32, #tpu.memory_space<hbm>> -> memref<100000x128xf32, #tpu.memory_space<hbm>>
    tpu.enqueue_indirect_dma source(%dma_start3A_29 : memref<100000x128xf32, #tpu.memory_space<hbm>>) target(%arg9 : memref<64x128xf32, #tpu.memory_space<vmem>>) offsets(%dma_start3A_26 : memref<64xi32, #tpu.memory_space<vmem>>) semaphore(%arg21 : memref<!tpu.dma_semaphore, #tpu.memory_space<semaphore_mem>>)
    %dma_start3A_30 = arith.constant 4 : i32
    %dma_start3A_31 = arith.constant 0 : i32
    %dma_start3A_32 = tpu.memref_slice %arg5[%dma_start3A_30, %dma_start3A_31] : memref<100x64xi32, #tpu.memory_space<vmem>> -> memref<1x64xi32, #tpu.memory_space<vmem>>
    %dma_start3A_33 = tpu.memref_squeeze %dma_start3A_32 : memref<1x64xi32, #tpu.memory_space<vmem>> -> memref<64xi32, #tpu.memory_space<vmem>>
    %dma_start3A_34 = arith.constant 0 : i32
    %dma_start3A_35 = arith.constant 0 : i32
    %dma_start3A_36 = tpu.memref_slice %arg3[%dma_start3A_34, %dma_start3A_35] : memref<100000x128xf32, #tpu.memory_space<hbm>> -> memref<100000x128xf32, #tpu.memory_space<hbm>>
    tpu.enqueue_indirect_dma source(%dma_start3A_36 : memref<100000x128xf32, #tpu.memory_space<hbm>>) target(%arg10 : memref<64x128xf32, #tpu.memory_space<vmem>>) offsets(%dma_start3A_33 : memref<64xi32, #tpu.memory_space<vmem>>) semaphore(%arg22 : memref<!tpu.dma_semaphore, #tpu.memory_space<semaphore_mem>>)
    %dma_start3A_37 = arith.constant 5 : i32
    %dma_start3A_38 = arith.constant 0 : i32
    %dma_start3A_39 = tpu.memref_slice %arg5[%dma_start3A_37, %dma_start3A_38] : memref<100x64xi32, #tpu.memory_space<vmem>> -> memref<1x64xi32, #tpu.memory_space<vmem>>
    %dma_start3A_40 = tpu.memref_squeeze %dma_start3A_39 : memref<1x64xi32, #tpu.memory_space<vmem>> -> memref<64xi32, #tpu.memory_space<vmem>>
    %dma_start3A_41 = arith.constant 0 : i32
    %dma_start3A_42 = arith.constant 0 : i32
    %dma_start3A_43 = tpu.memref_slice %arg3[%dma_start3A_41, %dma_start3A_42] : memref<100000x128xf32, #tpu.memory_space<hbm>> -> memref<100000x128xf32, #tpu.memory_space<hbm>>
    tpu.enqueue_indirect_dma source(%dma_start3A_43 : memref<100000x128xf32, #tpu.memory_space<hbm>>) target(%arg11 : memref<64x128xf32, #tpu.memory_space<vmem>>) offsets(%dma_start3A_40 : memref<64xi32, #tpu.memory_space<vmem>>) semaphore(%arg23 : memref<!tpu.dma_semaphore, #tpu.memory_space<semaphore_mem>>)
    %scan3A = arith.constant 0 : i32
    %scan3A_44 = arith.constant 0 : i32
    %scan3A_45 = arith.constant 16 : i32
    %scan3A_46 = arith.addi %scan3A_44, %scan3A_45 : i32
    %scan3A_47 = arith.constant 1 : i32
    scf.for %scan3A_240 = %scan3A_44 to %scan3A_46 step %scan3A_47  : i32 {
      %mul3A_241 = arith.constant 6 : i32
      %mul3A_242 = arith.muli %scan3A_240, %mul3A_241 : i32
      %add3A_243 = arith.constant 0 : i32
      %add3A_244 = arith.addi %mul3A_242, %add3A_243 : i32
      %dma_wait3A_245 = arith.constant 0 : i32
      %dma_wait3A_246 = tpu.memref_slice %arg5[%add3A_244, %dma_wait3A_245] : memref<100x64xi32, #tpu.memory_space<vmem>> -> memref<1x64xi32, #tpu.memory_space<vmem>>
      %dma_wait3A_247 = tpu.memref_squeeze %dma_wait3A_246 : memref<1x64xi32, #tpu.memory_space<vmem>> -> memref<64xi32, #tpu.memory_space<vmem>>
      %dma_wait3A_248 = arith.constant 0 : i32
      %dma_wait3A_249 = arith.constant 0 : i32
      %dma_wait3A_250 = tpu.memref_slice %arg3[%dma_wait3A_248, %dma_wait3A_249] : memref<100000x128xf32, #tpu.memory_space<hbm>> -> memref<100000x128xf32, #tpu.memory_space<hbm>>
      tpu.wait_indirect_dma semaphore(%arg18 : memref<!tpu.dma_semaphore, #tpu.memory_space<semaphore_mem>>) src(%dma_wait3A_250 : memref<100000x128xf32, #tpu.memory_space<hbm>>) dst(%arg6 : memref<64x128xf32, #tpu.memory_space<vmem>>)
      %ge3A_251 = arith.constant 6 : i32
      %ge3A_252 = arith.cmpi sge, %add3A_244, %ge3A_251 : i32
      %convert_element_type3A_253 = arith.extui %ge3A_252 : i1 to i32
      %cond3A_254 = arith.constant 0 : i32
      %cond3A_255 = arith.cmpi ne, %convert_element_type3A_253, %cond3A_254 : i32
      scf.if %cond3A_255 {
        %sub3A = arith.constant 6 : i32
        %sub3A_451 = arith.subi %add3A_244, %sub3A : i32
        %mul3A_452 = arith.constant 64 : i32
        %mul3A_453 = arith.muli %sub3A_451, %mul3A_452 : i32
        %add3A_454 = arith.addi %mul3A_2, %mul3A_453 : i32
        %dma_wait3A_455 = arith.constant 0 : i32
        %dma_wait3A_456 = tpu.memref_slice %arg4[%add3A_454, %dma_wait3A_455] : memref<204800x128xf32, #tpu.memory_space<hbm>> -> memref<64x128xf32, #tpu.memory_space<hbm>>
        %dma_wait3A_457 = arith.constant 0 : i32
        %dma_wait3A_458 = tpu.memref_slice %arg4[%add3A_454, %dma_wait3A_457] : memref<204800x128xf32, #tpu.memory_space<hbm>> -> memref<64x128xf32, #tpu.memory_space<hbm>>
        tpu.wait_dma2 semaphore(%arg24 : memref<!tpu.dma_semaphore, #tpu.memory_space<semaphore_mem>>) src(%arg12 : memref<64x128xf32, #tpu.memory_space<vmem>>) dst(%dma_wait3A_458 : memref<64x128xf32, #tpu.memory_space<hbm>>)
      } else {
      }
      %scan3A_256 = arith.constant 0 : i32
      %scan3A_257 = arith.constant 0 : i32
      %scan3A_258 = arith.constant 64 : i32
      %scan3A_259 = arith.addi %scan3A_257, %scan3A_258 : i32
      %scan3A_260 = arith.constant 1 : i32
      scf.for %scan3A_451 = %scan3A_257 to %scan3A_259 step %scan3A_260  : i32 {
        %get3A = arith.index_cast %scan3A_451 : i32 to index
        %get3A_452 = arith.constant 0 : index
        %get3A_453 = tpu.vector_load %arg6[%get3A, %get3A_452] {strides = array<i32>} : memref<64x128xf32, #tpu.memory_space<vmem>>, vector<1x16xf32>,
        %get3A_454 = vector.shape_cast %get3A_453 : vector<1x16xf32> to vector<16xf32>
        %mul3A_455 = arith.constant 11.3137083 : f32
        %mul3A_456 = vector.broadcast %mul3A_455 : f32 to vector<16xf32>
        %mul3A_457 = arith.mulf %get3A_454, %mul3A_456 : vector<16xf32>
        %swap3A = arith.index_cast %scan3A_451 : i32 to index
        %swap3A_458 = arith.constant 0 : index
        %swap3A_459 = tpu.vector_load %arg12[%swap3A, %swap3A_458] {strides = array<i32>} : memref<64x128xf32, #tpu.memory_space<vmem>>, vector<1x16xf32>,
        %swap3A_460 = vector.shape_cast %swap3A_459 : vector<1x16xf32> to vector<16xf32>
        %swap3A_461 = vector.shape_cast %mul3A_457 : vector<16xf32> to vector<1x16xf32>
        tpu.vector_store %arg12[%swap3A, %swap3A_458], %swap3A_461 {strides = array<i32>} : memref<64x128xf32, #tpu.memory_space<vmem>>, vector<1x16xf32>,
        %get3A_462 = arith.index_cast %scan3A_451 : i32 to index
        %get3A_463 = arith.constant 16 : index
        %get3A_464 = tpu.vector_load %arg6[%get3A_462, %get3A_463] {strides = array<i32>} : memref<64x128xf32, #tpu.memory_space<vmem>>, vector<1x16xf32>,
        %get3A_465 = vector.shape_cast %get3A_464 : vector<1x16xf32> to vector<16xf32>
        %mul3A_466 = arith.constant 11.3137083 : f32
        %mul3A_467 = vector.broadcast %mul3A_466 : f32 to vector<16xf32>
        %mul3A_468 = arith.mulf %get3A_465, %mul3A_467 : vector<16xf32>
        %swap3A_469 = arith.index_cast %scan3A_451 : i32 to index
        %swap3A_470 = arith.constant 16 : index
        %swap3A_471 = tpu.vector_load %arg12[%swap3A_469, %swap3A_470] {strides = array<i32>} : memref<64x128xf32, #tpu.memory_space<vmem>>, vector<1x16xf32>,
        %swap3A_472 = vector.shape_cast %swap3A_471 : vector<1x16xf32> to vector<16xf32>
        %swap3A_473 = vector.shape_cast %mul3A_468 : vector<16xf32> to vector<1x16xf32>
        tpu.vector_store %arg12[%swap3A_469, %swap3A_470], %swap3A_473 {strides = array<i32>} : memref<64x128xf32, #tpu.memory_space<vmem>>, vector<1x16xf32>,
        %get3A_474 = arith.index_cast %scan3A_451 : i32 to index
        %get3A_475 = arith.constant 32 : index
        %get3A_476 = tpu.vector_load %arg6[%get3A_474, %get3A_475] {strides = array<i32>} : memref<64x128xf32, #tpu.memory_space<vmem>>, vector<1x16xf32>,
        %get3A_477 = vector.shape_cast %get3A_476 : vector<1x16xf32> to vector<16xf32>
        %mul3A_478 = arith.constant 11.3137083 : f32
        %mul3A_479 = vector.broadcast %mul3A_478 : f32 to vector<16xf32>
        %mul3A_480 = arith.mulf %get3A_477, %mul3A_479 : vector<16xf32>
        %swap3A_481 = arith.index_cast %scan3A_451 : i32 to index
        %swap3A_482 = arith.constant 32 : index
        %swap3A_483 = tpu.vector_load %arg12[%swap3A_481, %swap3A_482] {strides = array<i32>} : memref<64x128xf32, #tpu.memory_space<vmem>>, vector<1x16xf32>,
        %swap3A_484 = vector.shape_cast %swap3A_483 : vector<1x16xf32> to vector<16xf32>
        %swap3A_485 = vector.shape_cast %mul3A_480 : vector<16xf32> to vector<1x16xf32>
        tpu.vector_store %arg12[%swap3A_481, %swap3A_482], %swap3A_485 {strides = array<i32>} : memref<64x128xf32, #tpu.memory_space<vmem>>, vector<1x16xf32>,
        %get3A_486 = arith.index_cast %scan3A_451 : i32 to index
        %get3A_487 = arith.constant 48 : index
        %get3A_488 = tpu.vector_load %arg6[%get3A_486, %get3A_487] {strides = array<i32>} : memref<64x128xf32, #tpu.memory_space<vmem>>, vector<1x16xf32>,
        %get3A_489 = vector.shape_cast %get3A_488 : vector<1x16xf32> to vector<16xf32>
        %mul3A_490 = arith.constant 11.3137083 : f32
        %mul3A_491 = vector.broadcast %mul3A_490 : f32 to vector<16xf32>
        %mul3A_492 = arith.mulf %get3A_489, %mul3A_491 : vector<16xf32>
        %swap3A_493 = arith.index_cast %scan3A_451 : i32 to index
        %swap3A_494 = arith.constant 48 : index
        %swap3A_495 = tpu.vector_load %arg12[%swap3A_493, %swap3A_494] {strides = array<i32>} : memref<64x128xf32, #tpu.memory_space<vmem>>, vector<1x16xf32>,
        %swap3A_496 = vector.shape_cast %swap3A_495 : vector<1x16xf32> to vector<16xf32>
        %swap3A_497 = vector.shape_cast %mul3A_492 : vector<16xf32> to vector<1x16xf32>
        tpu.vector_store %arg12[%swap3A_493, %swap3A_494], %swap3A_497 {strides = array<i32>} : memref<64x128xf32, #tpu.memory_space<vmem>>, vector<1x16xf32>,
        %get3A_498 = arith.index_cast %scan3A_451 : i32 to index
        %get3A_499 = arith.constant 64 : index
        %get3A_500 = tpu.vector_load %arg6[%get3A_498, %get3A_499] {strides = array<i32>} : memref<64x128xf32, #tpu.memory_space<vmem>>, vector<1x16xf32>,
        %get3A_501 = vector.shape_cast %get3A_500 : vector<1x16xf32> to vector<16xf32>
        %mul3A_502 = arith.constant 11.3137083 : f32
        %mul3A_503 = vector.broadcast %mul3A_502 : f32 to vector<16xf32>
        %mul3A_504 = arith.mulf %get3A_501, %mul3A_503 : vector<16xf32>
        %swap3A_505 = arith.index_cast %scan3A_451 : i32 to index
        %swap3A_506 = arith.constant 64 : index
        %swap3A_507 = tpu.vector_load %arg12[%swap3A_505, %swap3A_506] {strides = array<i32>} : memref<64x128xf32, #tpu.memory_space<vmem>>, vector<1x16xf32>,
        %swap3A_508 = vector.shape_cast %swap3A_507 : vector<1x16xf32> to vector<16xf32>
        %swap3A_509 = vector.shape_cast %mul3A_504 : vector<16xf32> to vector<1x16xf32>
        tpu.vector_store %arg12[%swap3A_505, %swap3A_506], %swap3A_509 {strides = array<i32>} : memref<64x128xf32, #tpu.memory_space<vmem>>, vector<1x16xf32>,
        %get3A_510 = arith.index_cast %scan3A_451 : i32 to index
        %get3A_511 = arith.constant 80 : index
        %get3A_512 = tpu.vector_load %arg6[%get3A_510, %get3A_511] {strides = array<i32>} : memref<64x128xf32, #tpu.memory_space<vmem>>, vector<1x16xf32>,
        %get3A_513 = vector.shape_cast %get3A_512 : vector<1x16xf32> to vector<16xf32>
        %mul3A_514 = arith.constant 11.3137083 : f32
        %mul3A_515 = vector.broadcast %mul3A_514 : f32 to vector<16xf32>
        %mul3A_516 = arith.mulf %get3A_513, %mul3A_515 : vector<16xf32>
        %swap3A_517 = arith.index_cast %scan3A_451 : i32 to index
        %swap3A_518 = arith.constant 80 : index
        %swap3A_519 = tpu.vector_load %arg12[%swap3A_517, %swap3A_518] {strides = array<i32>} : memref<64x128xf32, #tpu.memory_space<vmem>>, vector<1x16xf32>,
        %swap3A_520 = vector.shape_cast %swap3A_519 : vector<1x16xf32> to vector<16xf32>
        %swap3A_521 = vector.shape_cast %mul3A_516 : vector<16xf32> to vector<1x16xf32>
        tpu.vector_store %arg12[%swap3A_517, %swap3A_518], %swap3A_521 {strides = array<i32>} : memref<64x128xf32, #tpu.memory_space<vmem>>, vector<1x16xf32>,
        %get3A_522 = arith.index_cast %scan3A_451 : i32 to index
        %get3A_523 = arith.constant 96 : index
        %get3A_524 = tpu.vector_load %arg6[%get3A_522, %get3A_523] {strides = array<i32>} : memref<64x128xf32, #tpu.memory_space<vmem>>, vector<1x16xf32>,
        %get3A_525 = vector.shape_cast %get3A_524 : vector<1x16xf32> to vector<16xf32>
        %mul3A_526 = arith.constant 11.3137083 : f32
        %mul3A_527 = vector.broadcast %mul3A_526 : f32 to vector<16xf32>
        %mul3A_528 = arith.mulf %get3A_525, %mul3A_527 : vector<16xf32>
        %swap3A_529 = arith.index_cast %scan3A_451 : i32 to index
        %swap3A_530 = arith.constant 96 : index
        %swap3A_531 = tpu.vector_load %arg12[%swap3A_529, %swap3A_530] {strides = array<i32>} : memref<64x128xf32, #tpu.memory_space<vmem>>, vector<1x16xf32>,
        %swap3A_532 = vector.shape_cast %swap3A_531 : vector<1x16xf32> to vector<16xf32>
        %swap3A_533 = vector.shape_cast %mul3A_528 : vector<16xf32> to vector<1x16xf32>
        tpu.vector_store %arg12[%swap3A_529, %swap3A_530], %swap3A_533 {strides = array<i32>} : memref<64x128xf32, #tpu.memory_space<vmem>>, vector<1x16xf32>,
        %get3A_534 = arith.index_cast %scan3A_451 : i32 to index
        %get3A_535 = arith.constant 112 : index
        %get3A_536 = tpu.vector_load %arg6[%get3A_534, %get3A_535] {strides = array<i32>} : memref<64x128xf32, #tpu.memory_space<vmem>>, vector<1x16xf32>,
        %get3A_537 = vector.shape_cast %get3A_536 : vector<1x16xf32> to vector<16xf32>
        %mul3A_538 = arith.constant 11.3137083 : f32
        %mul3A_539 = vector.broadcast %mul3A_538 : f32 to vector<16xf32>
        %mul3A_540 = arith.mulf %get3A_537, %mul3A_539 : vector<16xf32>
        %swap3A_541 = arith.index_cast %scan3A_451 : i32 to index
        %swap3A_542 = arith.constant 112 : index
        %swap3A_543 = tpu.vector_load %arg12[%swap3A_541, %swap3A_542] {strides = array<i32>} : memref<64x128xf32, #tpu.memory_space<vmem>>, vector<1x16xf32>,
        %swap3A_544 = vector.shape_cast %swap3A_543 : vector<1x16xf32> to vector<16xf32>
        %swap3A_545 = vector.shape_cast %mul3A_540 : vector<16xf32> to vector<1x16xf32>
        tpu.vector_store %arg12[%swap3A_541, %swap3A_542], %swap3A_545 {strides = array<i32>} : memref<64x128xf32, #tpu.memory_space<vmem>>, vector<1x16xf32>,
      }
      %scan3A_261 = arith.constant 64 : i32
      %add3A_262 = arith.constant 6 : i32
      %add3A_263 = arith.addi %add3A_244, %add3A_262 : i32
      %lt3A_264 = arith.constant 100 : i32
      %lt3A_265 = arith.cmpi slt, %add3A_263, %lt3A_264 : i32
      %convert_element_type3A_266 = arith.extui %lt3A_265 : i1 to i32
      %cond3A_267 = arith.constant 0 : i32
      %cond3A_268 = arith.cmpi ne, %convert_element_type3A_266, %cond3A_267 : i32
      scf.if %cond3A_268 {
        %add3A_451 = arith.constant 6 : i32
        %add3A_452 = arith.addi %add3A_244, %add3A_451 : i32
        %dma_start3A_453 = arith.constant 0 : i32
        %dma_start3A_454 = tpu.memref_slice %arg5[%add3A_452, %dma_start3A_453] : memref<100x64xi32, #tpu.memory_space<vmem>> -> memref<1x64xi32, #tpu.memory_space<vmem>>
        %dma_start3A_455 = tpu.memref_squeeze %dma_start3A_454 : memref<1x64xi32, #tpu.memory_space<vmem>> -> memref<64xi32, #tpu.memory_space<vmem>>
        %dma_start3A_456 = arith.constant 0 : i32
        %dma_start3A_457 = arith.constant 0 : i32
        %dma_start3A_458 = tpu.memref_slice %arg3[%dma_start3A_456, %dma_start3A_457] : memref<100000x128xf32, #tpu.memory_space<hbm>> -> memref<100000x128xf32, #tpu.memory_space<hbm>>
        tpu.enqueue_indirect_dma source(%dma_start3A_458 : memref<100000x128xf32, #tpu.memory_space<hbm>>) target(%arg6 : memref<64x128xf32, #tpu.memory_space<vmem>>) offsets(%dma_start3A_455 : memref<64xi32, #tpu.memory_space<vmem>>) semaphore(%arg18 : memref<!tpu.dma_semaphore, #tpu.memory_space<semaphore_mem>>)
      } else {
      }
      %mul3A_269 = arith.constant 64 : i32
      %mul3A_270 = arith.muli %add3A_244, %mul3A_269 : i32
      %add3A_271 = arith.addi %mul3A_2, %mul3A_270 : i32
      %dma_start3A_272 = arith.constant 0 : i32
      %dma_start3A_273 = tpu.memref_slice %arg4[%add3A_271, %dma_start3A_272] : memref<204800x128xf32, #tpu.memory_space<hbm>> -> memref<64x128xf32, #tpu.memory_space<hbm>>
      %dma_start3A_274 = arith.constant 0 : i32
      %dma_start3A_275 = tpu.memref_slice %arg4[%add3A_271, %dma_start3A_274] : memref<204800x128xf32, #tpu.memory_space<hbm>> -> memref<64x128xf32, #tpu.memory_space<hbm>>
      tpu.enqueue_dma source(%arg12 : memref<64x128xf32, #tpu.memory_space<vmem>>) target(%dma_start3A_275 : memref<64x128xf32, #tpu.memory_space<hbm>>) target_semaphore(%arg24 : memref<!tpu.dma_semaphore, #tpu.memory_space<semaphore_mem>>)
      %mul3A_276 = arith.constant 6 : i32
      %mul3A_277 = arith.muli %scan3A_240, %mul3A_276 : i32
      %add3A_278 = arith.constant 1 : i32
      %add3A_279 = arith.addi %mul3A_277, %add3A_278 : i32
      %dma_wait3A_280 = arith.constant 0 : i32
      %dma_wait3A_281 = tpu.memref_slice %arg5[%add3A_279, %dma_wait3A_280] : memref<100x64xi32, #tpu.memory_space<vmem>> -> memref<1x64xi32, #tpu.memory_space<vmem>>
      %dma_wait3A_282 = tpu.memref_squeeze %dma_wait3A_281 : memref<1x64xi32, #tpu.memory_space<vmem>> -> memref<64xi32, #tpu.memory_space<vmem>>
      %dma_wait3A_283 = arith.constant 0 : i32
      %dma_wait3A_284 = arith.constant 0 : i32
      %dma_wait3A_285 = tpu.memref_slice %arg3[%dma_wait3A_283, %dma_wait3A_284] : memref<100000x128xf32, #tpu.memory_space<hbm>> -> memref<100000x128xf32, #tpu.memory_space<hbm>>
      tpu.wait_indirect_dma semaphore(%arg19 : memref<!tpu.dma_semaphore, #tpu.memory_space<semaphore_mem>>) src(%dma_wait3A_285 : memref<100000x128xf32, #tpu.memory_space<hbm>>) dst(%arg7 : memref<64x128xf32, #tpu.memory_space<vmem>>)
      %ge3A_286 = arith.constant 6 : i32
      %ge3A_287 = arith.cmpi sge, %add3A_279, %ge3A_286 : i32
      %convert_element_type3A_288 = arith.extui %ge3A_287 : i1 to i32
      %cond3A_289 = arith.constant 0 : i32
      %cond3A_290 = arith.cmpi ne, %convert_element_type3A_288, %cond3A_289 : i32
      scf.if %cond3A_290 {
        %sub3A = arith.constant 6 : i32
        %sub3A_451 = arith.subi %add3A_279, %sub3A : i32
        %mul3A_452 = arith.constant 64 : i32
        %mul3A_453 = arith.muli %sub3A_451, %mul3A_452 : i32
        %add3A_454 = arith.addi %mul3A_2, %mul3A_453 : i32
        %dma_wait3A_455 = arith.constant 0 : i32
        %dma_wait3A_456 = tpu.memref_slice %arg4[%add3A_454, %dma_wait3A_455] : memref<204800x128xf32, #tpu.memory_space<hbm>> -> memref<64x128xf32, #tpu.memory_space<hbm>>
        %dma_wait3A_457 = arith.constant 0 : i32
        %dma_wait3A_458 = tpu.memref_slice %arg4[%add3A_454, %dma_wait3A_457] : memref<204800x128xf32, #tpu.memory_space<hbm>> -> memref<64x128xf32, #tpu.memory_space<hbm>>
        tpu.wait_dma2 semaphore(%arg25 : memref<!tpu.dma_semaphore, #tpu.memory_space<semaphore_mem>>) src(%arg13 : memref<64x128xf32, #tpu.memory_space<vmem>>) dst(%dma_wait3A_458 : memref<64x128xf32, #tpu.memory_space<hbm>>)
      } else {
      }
      %scan3A_291 = arith.constant 0 : i32
      %scan3A_292 = arith.constant 0 : i32
      %scan3A_293 = arith.constant 64 : i32
      %scan3A_294 = arith.addi %scan3A_292, %scan3A_293 : i32
      %scan3A_295 = arith.constant 1 : i32
      scf.for %scan3A_451 = %scan3A_292 to %scan3A_294 step %scan3A_295  : i32 {
        %get3A = arith.index_cast %scan3A_451 : i32 to index
        %get3A_452 = arith.constant 0 : index
        %get3A_453 = tpu.vector_load %arg7[%get3A, %get3A_452] {strides = array<i32>} : memref<64x128xf32, #tpu.memory_space<vmem>>, vector<1x16xf32>,
        %get3A_454 = vector.shape_cast %get3A_453 : vector<1x16xf32> to vector<16xf32>
        %mul3A_455 = arith.constant 11.3137083 : f32
        %mul3A_456 = vector.broadcast %mul3A_455 : f32 to vector<16xf32>
        %mul3A_457 = arith.mulf %get3A_454, %mul3A_456 : vector<16xf32>
        %swap3A = arith.index_cast %scan3A_451 : i32 to index
        %swap3A_458 = arith.constant 0 : index
        %swap3A_459 = tpu.vector_load %arg13[%swap3A, %swap3A_458] {strides = array<i32>} : memref<64x128xf32, #tpu.memory_space<vmem>>, vector<1x16xf32>,
        %swap3A_460 = vector.shape_cast %swap3A_459 : vector<1x16xf32> to vector<16xf32>
        %swap3A_461 = vector.shape_cast %mul3A_457 : vector<16xf32> to vector<1x16xf32>
        tpu.vector_store %arg13[%swap3A, %swap3A_458], %swap3A_461 {strides = array<i32>} : memref<64x128xf32, #tpu.memory_space<vmem>>, vector<1x16xf32>,
        %get3A_462 = arith.index_cast %scan3A_451 : i32 to index
        %get3A_463 = arith.constant 16 : index
        %get3A_464 = tpu.vector_load %arg7[%get3A_462, %get3A_463] {strides = array<i32>} : memref<64x128xf32, #tpu.memory_space<vmem>>, vector<1x16xf32>,
        %get3A_465 = vector.shape_cast %get3A_464 : vector<1x16xf32> to vector<16xf32>
        %mul3A_466 = arith.constant 11.3137083 : f32
        %mul3A_467 = vector.broadcast %mul3A_466 : f32 to vector<16xf32>
        %mul3A_468 = arith.mulf %get3A_465, %mul3A_467 : vector<16xf32>
        %swap3A_469 = arith.index_cast %scan3A_451 : i32 to index
        %swap3A_470 = arith.constant 16 : index
        %swap3A_471 = tpu.vector_load %arg13[%swap3A_469, %swap3A_470] {strides = array<i32>} : memref<64x128xf32, #tpu.memory_space<vmem>>, vector<1x16xf32>,
        %swap3A_472 = vector.shape_cast %swap3A_471 : vector<1x16xf32> to vector<16xf32>
        %swap3A_473 = vector.shape_cast %mul3A_468 : vector<16xf32> to vector<1x16xf32>
        tpu.vector_store %arg13[%swap3A_469, %swap3A_470], %swap3A_473 {strides = array<i32>} : memref<64x128xf32, #tpu.memory_space<vmem>>, vector<1x16xf32>,
        %get3A_474 = arith.index_cast %scan3A_451 : i32 to index
        %get3A_475 = arith.constant 32 : index
        %get3A_476 = tpu.vector_load %arg7[%get3A_474, %get3A_475] {strides = array<i32>} : memref<64x128xf32, #tpu.memory_space<vmem>>, vector<1x16xf32>,
        %get3A_477 = vector.shape_cast %get3A_476 : vector<1x16xf32> to vector<16xf32>
        %mul3A_478 = arith.constant 11.3137083 : f32
        %mul3A_479 = vector.broadcast %mul3A_478 : f32 to vector<16xf32>
        %mul3A_480 = arith.mulf %get3A_477, %mul3A_479 : vector<16xf32>
        %swap3A_481 = arith.index_cast %scan3A_451 : i32 to index
        %swap3A_482 = arith.constant 32 : index
        %swap3A_483 = tpu.vector_load %arg13[%swap3A_481, %swap3A_482] {strides = array<i32>} : memref<64x128xf32, #tpu.memory_space<vmem>>, vector<1x16xf32>,
        %swap3A_484 = vector.shape_cast %swap3A_483 : vector<1x16xf32> to vector<16xf32>
        %swap3A_485 = vector.shape_cast %mul3A_480 : vector<16xf32> to vector<1x16xf32>
        tpu.vector_store %arg13[%swap3A_481, %swap3A_482], %swap3A_485 {strides = array<i32>} : memref<64x128xf32, #tpu.memory_space<vmem>>, vector<1x16xf32>,
        %get3A_486 = arith.index_cast %scan3A_451 : i32 to index
        %get3A_487 = arith.constant 48 : index
        %get3A_488 = tpu.vector_load %arg7[%get3A_486, %get3A_487] {strides = array<i32>} : memref<64x128xf32, #tpu.memory_space<vmem>>, vector<1x16xf32>,
        %get3A_489 = vector.shape_cast %get3A_488 : vector<1x16xf32> to vector<16xf32>
        %mul3A_490 = arith.constant 11.3137083 : f32
        %mul3A_491 = vector.broadcast %mul3A_490 : f32 to vector<16xf32>
        %mul3A_492 = arith.mulf %get3A_489, %mul3A_491 : vector<16xf32>
        %swap3A_493 = arith.index_cast %scan3A_451 : i32 to index
        %swap3A_494 = arith.constant 48 : index
        %swap3A_495 = tpu.vector_load %arg13[%swap3A_493, %swap3A_494] {strides = array<i32>} : memref<64x128xf32, #tpu.memory_space<vmem>>, vector<1x16xf32>,
        %swap3A_496 = vector.shape_cast %swap3A_495 : vector<1x16xf32> to vector<16xf32>
        %swap3A_497 = vector.shape_cast %mul3A_492 : vector<16xf32> to vector<1x16xf32>
        tpu.vector_store %arg13[%swap3A_493, %swap3A_494], %swap3A_497 {strides = array<i32>} : memref<64x128xf32, #tpu.memory_space<vmem>>, vector<1x16xf32>,
        %get3A_498 = arith.index_cast %scan3A_451 : i32 to index
        %get3A_499 = arith.constant 64 : index
        %get3A_500 = tpu.vector_load %arg7[%get3A_498, %get3A_499] {strides = array<i32>} : memref<64x128xf32, #tpu.memory_space<vmem>>, vector<1x16xf32>,
        %get3A_501 = vector.shape_cast %get3A_500 : vector<1x16xf32> to vector<16xf32>
        %mul3A_502 = arith.constant 11.3137083 : f32
        %mul3A_503 = vector.broadcast %mul3A_502 : f32 to vector<16xf32>
        %mul3A_504 = arith.mulf %get3A_501, %mul3A_503 : vector<16xf32>
        %swap3A_505 = arith.index_cast %scan3A_451 : i32 to index
        %swap3A_506 = arith.constant 64 : index
        %swap3A_507 = tpu.vector_load %arg13[%swap3A_505, %swap3A_506] {strides = array<i32>} : memref<64x128xf32, #tpu.memory_space<vmem>>, vector<1x16xf32>,
        %swap3A_508 = vector.shape_cast %swap3A_507 : vector<1x16xf32> to vector<16xf32>
        %swap3A_509 = vector.shape_cast %mul3A_504 : vector<16xf32> to vector<1x16xf32>
        tpu.vector_store %arg13[%swap3A_505, %swap3A_506], %swap3A_509 {strides = array<i32>} : memref<64x128xf32, #tpu.memory_space<vmem>>, vector<1x16xf32>,
        %get3A_510 = arith.index_cast %scan3A_451 : i32 to index
        %get3A_511 = arith.constant 80 : index
        %get3A_512 = tpu.vector_load %arg7[%get3A_510, %get3A_511] {strides = array<i32>} : memref<64x128xf32, #tpu.memory_space<vmem>>, vector<1x16xf32>,
        %get3A_513 = vector.shape_cast %get3A_512 : vector<1x16xf32> to vector<16xf32>
        %mul3A_514 = arith.constant 11.3137083 : f32
        %mul3A_515 = vector.broadcast %mul3A_514 : f32 to vector<16xf32>
        %mul3A_516 = arith.mulf %get3A_513, %mul3A_515 : vector<16xf32>
        %swap3A_517 = arith.index_cast %scan3A_451 : i32 to index
        %swap3A_518 = arith.constant 80 : index
        %swap3A_519 = tpu.vector_load %arg13[%swap3A_517, %swap3A_518] {strides = array<i32>} : memref<64x128xf32, #tpu.memory_space<vmem>>, vector<1x16xf32>,
        %swap3A_520 = vector.shape_cast %swap3A_519 : vector<1x16xf32> to vector<16xf32>
        %swap3A_521 = vector.shape_cast %mul3A_516 : vector<16xf32> to vector<1x16xf32>
        tpu.vector_store %arg13[%swap3A_517, %swap3A_518], %swap3A_521 {strides = array<i32>} : memref<64x128xf32, #tpu.memory_space<vmem>>, vector<1x16xf32>,
        %get3A_522 = arith.index_cast %scan3A_451 : i32 to index
        %get3A_523 = arith.constant 96 : index
        %get3A_524 = tpu.vector_load %arg7[%get3A_522, %get3A_523] {strides = array<i32>} : memref<64x128xf32, #tpu.memory_space<vmem>>, vector<1x16xf32>,
        %get3A_525 = vector.shape_cast %get3A_524 : vector<1x16xf32> to vector<16xf32>
        %mul3A_526 = arith.constant 11.3137083 : f32
        %mul3A_527 = vector.broadcast %mul3A_526 : f32 to vector<16xf32>
        %mul3A_528 = arith.mulf %get3A_525, %mul3A_527 : vector<16xf32>
        %swap3A_529 = arith.index_cast %scan3A_451 : i32 to index
        %swap3A_530 = arith.constant 96 : index
        %swap3A_531 = tpu.vector_load %arg13[%swap3A_529, %swap3A_530] {strides = array<i32>} : memref<64x128xf32, #tpu.memory_space<vmem>>, vector<1x16xf32>,
        %swap3A_532 = vector.shape_cast %swap3A_531 : vector<1x16xf32> to vector<16xf32>
        %swap3A_533 = vector.shape_cast %mul3A_528 : vector<16xf32> to vector<1x16xf32>
        tpu.vector_store %arg13[%swap3A_529, %swap3A_530], %swap3A_533 {strides = array<i32>} : memref<64x128xf32, #tpu.memory_space<vmem>>, vector<1x16xf32>,
        %get3A_534 = arith.index_cast %scan3A_451 : i32 to index
        %get3A_535 = arith.constant 112 : index
        %get3A_536 = tpu.vector_load %arg7[%get3A_534, %get3A_535] {strides = array<i32>} : memref<64x128xf32, #tpu.memory_space<vmem>>, vector<1x16xf32>,
        %get3A_537 = vector.shape_cast %get3A_536 : vector<1x16xf32> to vector<16xf32>
        %mul3A_538 = arith.constant 11.3137083 : f32
        %mul3A_539 = vector.broadcast %mul3A_538 : f32 to vector<16xf32>
        %mul3A_540 = arith.mulf %get3A_537, %mul3A_539 : vector<16xf32>
        %swap3A_541 = arith.index_cast %scan3A_451 : i32 to index
        %swap3A_542 = arith.constant 112 : index
        %swap3A_543 = tpu.vector_load %arg13[%swap3A_541, %swap3A_542] {strides = array<i32>} : memref<64x128xf32, #tpu.memory_space<vmem>>, vector<1x16xf32>,
        %swap3A_544 = vector.shape_cast %swap3A_543 : vector<1x16xf32> to vector<16xf32>
        %swap3A_545 = vector.shape_cast %mul3A_540 : vector<16xf32> to vector<1x16xf32>
        tpu.vector_store %arg13[%swap3A_541, %swap3A_542], %swap3A_545 {strides = array<i32>} : memref<64x128xf32, #tpu.memory_space<vmem>>, vector<1x16xf32>,
      }
      %scan3A_296 = arith.constant 64 : i32
      %add3A_297 = arith.constant 6 : i32
      %add3A_298 = arith.addi %add3A_279, %add3A_297 : i32
      %lt3A_299 = arith.constant 100 : i32
      %lt3A_300 = arith.cmpi slt, %add3A_298, %lt3A_299 : i32
      %convert_element_type3A_301 = arith.extui %lt3A_300 : i1 to i32
      %cond3A_302 = arith.constant 0 : i32
      %cond3A_303 = arith.cmpi ne, %convert_element_type3A_301, %cond3A_302 : i32
      scf.if %cond3A_303 {
        %add3A_451 = arith.constant 6 : i32
        %add3A_452 = arith.addi %add3A_279, %add3A_451 : i32
        %dma_start3A_453 = arith.constant 0 : i32
        %dma_start3A_454 = tpu.memref_slice %arg5[%add3A_452, %dma_start3A_453] : memref<100x64xi32, #tpu.memory_space<vmem>> -> memref<1x64xi32, #tpu.memory_space<vmem>>
        %dma_start3A_455 = tpu.memref_squeeze %dma_start3A_454 : memref<1x64xi32, #tpu.memory_space<vmem>> -> memref<64xi32, #tpu.memory_space<vmem>>
        %dma_start3A_456 = arith.constant 0 : i32
        %dma_start3A_457 = arith.constant 0 : i32
        %dma_start3A_458 = tpu.memref_slice %arg3[%dma_start3A_456, %dma_start3A_457] : memref<100000x128xf32, #tpu.memory_space<hbm>> -> memref<100000x128xf32, #tpu.memory_space<hbm>>
        tpu.enqueue_indirect_dma source(%dma_start3A_458 : memref<100000x128xf32, #tpu.memory_space<hbm>>) target(%arg7 : memref<64x128xf32, #tpu.memory_space<vmem>>) offsets(%dma_start3A_455 : memref<64xi32, #tpu.memory_space<vmem>>) semaphore(%arg19 : memref<!tpu.dma_semaphore, #tpu.memory_space<semaphore_mem>>)
      } else {
      }
      %mul3A_304 = arith.constant 64 : i32
      %mul3A_305 = arith.muli %add3A_279, %mul3A_304 : i32
      %add3A_306 = arith.addi %mul3A_2, %mul3A_305 : i32
      %dma_start3A_307 = arith.constant 0 : i32
      %dma_start3A_308 = tpu.memref_slice %arg4[%add3A_306, %dma_start3A_307] : memref<204800x128xf32, #tpu.memory_space<hbm>> -> memref<64x128xf32, #tpu.memory_space<hbm>>
      %dma_start3A_309 = arith.constant 0 : i32
      %dma_start3A_310 = tpu.memref_slice %arg4[%add3A_306, %dma_start3A_309] : memref<204800x128xf32, #tpu.memory_space<hbm>> -> memref<64x128xf32, #tpu.memory_space<hbm>>
      tpu.enqueue_dma source(%arg13 : memref<64x128xf32, #tpu.memory_space<vmem>>) target(%dma_start3A_310 : memref<64x128xf32, #tpu.memory_space<hbm>>) target_semaphore(%arg25 : memref<!tpu.dma_semaphore, #tpu.memory_space<semaphore_mem>>)
      %mul3A_311 = arith.constant 6 : i32
      %mul3A_312 = arith.muli %scan3A_240, %mul3A_311 : i32
      %add3A_313 = arith.constant 2 : i32
      %add3A_314 = arith.addi %mul3A_312, %add3A_313 : i32
      %dma_wait3A_315 = arith.constant 0 : i32
      %dma_wait3A_316 = tpu.memref_slice %arg5[%add3A_314, %dma_wait3A_315] : memref<100x64xi32, #tpu.memory_space<vmem>> -> memref<1x64xi32, #tpu.memory_space<vmem>>
      %dma_wait3A_317 = tpu.memref_squeeze %dma_wait3A_316 : memref<1x64xi32, #tpu.memory_space<vmem>> -> memref<64xi32, #tpu.memory_space<vmem>>
      %dma_wait3A_318 = arith.constant 0 : i32
      %dma_wait3A_319 = arith.constant 0 : i32
      %dma_wait3A_320 = tpu.memref_slice %arg3[%dma_wait3A_318, %dma_wait3A_319] : memref<100000x128xf32, #tpu.memory_space<hbm>> -> memref<100000x128xf32, #tpu.memory_space<hbm>>
      tpu.wait_indirect_dma semaphore(%arg20 : memref<!tpu.dma_semaphore, #tpu.memory_space<semaphore_mem>>) src(%dma_wait3A_320 : memref<100000x128xf32, #tpu.memory_space<hbm>>) dst(%arg8 : memref<64x128xf32, #tpu.memory_space<vmem>>)
      %ge3A_321 = arith.constant 6 : i32
      %ge3A_322 = arith.cmpi sge, %add3A_314, %ge3A_321 : i32
      %convert_element_type3A_323 = arith.extui %ge3A_322 : i1 to i32
      %cond3A_324 = arith.constant 0 : i32
      %cond3A_325 = arith.cmpi ne, %convert_element_type3A_323, %cond3A_324 : i32
      scf.if %cond3A_325 {
        %sub3A = arith.constant 6 : i32
        %sub3A_451 = arith.subi %add3A_314, %sub3A : i32
        %mul3A_452 = arith.constant 64 : i32
        %mul3A_453 = arith.muli %sub3A_451, %mul3A_452 : i32
        %add3A_454 = arith.addi %mul3A_2, %mul3A_453 : i32
        %dma_wait3A_455 = arith.constant 0 : i32
        %dma_wait3A_456 = tpu.memref_slice %arg4[%add3A_454, %dma_wait3A_455] : memref<204800x128xf32, #tpu.memory_space<hbm>> -> memref<64x128xf32, #tpu.memory_space<hbm>>
        %dma_wait3A_457 = arith.constant 0 : i32
        %dma_wait3A_458 = tpu.memref_slice %arg4[%add3A_454, %dma_wait3A_457] : memref<204800x128xf32, #tpu.memory_space<hbm>> -> memref<64x128xf32, #tpu.memory_space<hbm>>
        tpu.wait_dma2 semaphore(%arg26 : memref<!tpu.dma_semaphore, #tpu.memory_space<semaphore_mem>>) src(%arg14 : memref<64x128xf32, #tpu.memory_space<vmem>>) dst(%dma_wait3A_458 : memref<64x128xf32, #tpu.memory_space<hbm>>)
      } else {
      }
      %scan3A_326 = arith.constant 0 : i32
      %scan3A_327 = arith.constant 0 : i32
      %scan3A_328 = arith.constant 64 : i32
      %scan3A_329 = arith.addi %scan3A_327, %scan3A_328 : i32
      %scan3A_330 = arith.constant 1 : i32
      scf.for %scan3A_451 = %scan3A_327 to %scan3A_329 step %scan3A_330  : i32 {
        %get3A = arith.index_cast %scan3A_451 : i32 to index
        %get3A_452 = arith.constant 0 : index
        %get3A_453 = tpu.vector_load %arg8[%get3A, %get3A_452] {strides = array<i32>} : memref<64x128xf32, #tpu.memory_space<vmem>>, vector<1x16xf32>,
        %get3A_454 = vector.shape_cast %get3A_453 : vector<1x16xf32> to vector<16xf32>
        %mul3A_455 = arith.constant 11.3137083 : f32
        %mul3A_456 = vector.broadcast %mul3A_455 : f32 to vector<16xf32>
        %mul3A_457 = arith.mulf %get3A_454, %mul3A_456 : vector<16xf32>
        %swap3A = arith.index_cast %scan3A_451 : i32 to index
        %swap3A_458 = arith.constant 0 : index
        %swap3A_459 = tpu.vector_load %arg14[%swap3A, %swap3A_458] {strides = array<i32>} : memref<64x128xf32, #tpu.memory_space<vmem>>, vector<1x16xf32>,
        %swap3A_460 = vector.shape_cast %swap3A_459 : vector<1x16xf32> to vector<16xf32>
        %swap3A_461 = vector.shape_cast %mul3A_457 : vector<16xf32> to vector<1x16xf32>
        tpu.vector_store %arg14[%swap3A, %swap3A_458], %swap3A_461 {strides = array<i32>} : memref<64x128xf32, #tpu.memory_space<vmem>>, vector<1x16xf32>,
        %get3A_462 = arith.index_cast %scan3A_451 : i32 to index
        %get3A_463 = arith.constant 16 : index
        %get3A_464 = tpu.vector_load %arg8[%get3A_462, %get3A_463] {strides = array<i32>} : memref<64x128xf32, #tpu.memory_space<vmem>>, vector<1x16xf32>,
        %get3A_465 = vector.shape_cast %get3A_464 : vector<1x16xf32> to vector<16xf32>
        %mul3A_466 = arith.constant 11.3137083 : f32
        %mul3A_467 = vector.broadcast %mul3A_466 : f32 to vector<16xf32>
        %mul3A_468 = arith.mulf %get3A_465, %mul3A_467 : vector<16xf32>
        %swap3A_469 = arith.index_cast %scan3A_451 : i32 to index
        %swap3A_470 = arith.constant 16 : index
        %swap3A_471 = tpu.vector_load %arg14[%swap3A_469, %swap3A_470] {strides = array<i32>} : memref<64x128xf32, #tpu.memory_space<vmem>>, vector<1x16xf32>,
        %swap3A_472 = vector.shape_cast %swap3A_471 : vector<1x16xf32> to vector<16xf32>
        %swap3A_473 = vector.shape_cast %mul3A_468 : vector<16xf32> to vector<1x16xf32>
        tpu.vector_store %arg14[%swap3A_469, %swap3A_470], %swap3A_473 {strides = array<i32>} : memref<64x128xf32, #tpu.memory_space<vmem>>, vector<1x16xf32>,
        %get3A_474 = arith.index_cast %scan3A_451 : i32 to index
        %get3A_475 = arith.constant 32 : index
        %get3A_476 = tpu.vector_load %arg8[%get3A_474, %get3A_475] {strides = array<i32>} : memref<64x128xf32, #tpu.memory_space<vmem>>, vector<1x16xf32>,
        %get3A_477 = vector.shape_cast %get3A_476 : vector<1x16xf32> to vector<16xf32>
        %mul3A_478 = arith.constant 11.3137083 : f32
        %mul3A_479 = vector.broadcast %mul3A_478 : f32 to vector<16xf32>
        %mul3A_480 = arith.mulf %get3A_477, %mul3A_479 : vector<16xf32>
        %swap3A_481 = arith.index_cast %scan3A_451 : i32 to index
        %swap3A_482 = arith.constant 32 : index
        %swap3A_483 = tpu.vector_load %arg14[%swap3A_481, %swap3A_482] {strides = array<i32>} : memref<64x128xf32, #tpu.memory_space<vmem>>, vector<1x16xf32>,
        %swap3A_484 = vector.shape_cast %swap3A_483 : vector<1x16xf32> to vector<16xf32>
        %swap3A_485 = vector.shape_cast %mul3A_480 : vector<16xf32> to vector<1x16xf32>
        tpu.vector_store %arg14[%swap3A_481, %swap3A_482], %swap3A_485 {strides = array<i32>} : memref<64x128xf32, #tpu.memory_space<vmem>>, vector<1x16xf32>,
        %get3A_486 = arith.index_cast %scan3A_451 : i32 to index
        %get3A_487 = arith.constant 48 : index
        %get3A_488 = tpu.vector_load %arg8[%get3A_486, %get3A_487] {strides = array<i32>} : memref<64x128xf32, #tpu.memory_space<vmem>>, vector<1x16xf32>,
        %get3A_489 = vector.shape_cast %get3A_488 : vector<1x16xf32> to vector<16xf32>
        %mul3A_490 = arith.constant 11.3137083 : f32
        %mul3A_491 = vector.broadcast %mul3A_490 : f32 to vector<16xf32>
        %mul3A_492 = arith.mulf %get3A_489, %mul3A_491 : vector<16xf32>
        %swap3A_493 = arith.index_cast %scan3A_451 : i32 to index
        %swap3A_494 = arith.constant 48 : index
        %swap3A_495 = tpu.vector_load %arg14[%swap3A_493, %swap3A_494] {strides = array<i32>} : memref<64x128xf32, #tpu.memory_space<vmem>>, vector<1x16xf32>,
        %swap3A_496 = vector.shape_cast %swap3A_495 : vector<1x16xf32> to vector<16xf32>
        %swap3A_497 = vector.shape_cast %mul3A_492 : vector<16xf32> to vector<1x16xf32>
        tpu.vector_store %arg14[%swap3A_493, %swap3A_494], %swap3A_497 {strides = array<i32>} : memref<64x128xf32, #tpu.memory_space<vmem>>, vector<1x16xf32>,
        %get3A_498 = arith.index_cast %scan3A_451 : i32 to index
        %get3A_499 = arith.constant 64 : index
        %get3A_500 = tpu.vector_load %arg8[%get3A_498, %get3A_499] {strides = array<i32>} : memref<64x128xf32, #tpu.memory_space<vmem>>, vector<1x16xf32>,
        %get3A_501 = vector.shape_cast %get3A_500 : vector<1x16xf32> to vector<16xf32>
        %mul3A_502 = arith.constant 11.3137083 : f32
        %mul3A_503 = vector.broadcast %mul3A_502 : f32 to vector<16xf32>
        %mul3A_504 = arith.mulf %get3A_501, %mul3A_503 : vector<16xf32>
        %swap3A_505 = arith.index_cast %scan3A_451 : i32 to index
        %swap3A_506 = arith.constant 64 : index
        %swap3A_507 = tpu.vector_load %arg14[%swap3A_505, %swap3A_506] {strides = array<i32>} : memref<64x128xf32, #tpu.memory_space<vmem>>, vector<1x16xf32>,
        %swap3A_508 = vector.shape_cast %swap3A_507 : vector<1x16xf32> to vector<16xf32>
        %swap3A_509 = vector.shape_cast %mul3A_504 : vector<16xf32> to vector<1x16xf32>
        tpu.vector_store %arg14[%swap3A_505, %swap3A_506], %swap3A_509 {strides = array<i32>} : memref<64x128xf32, #tpu.memory_space<vmem>>, vector<1x16xf32>,
        %get3A_510 = arith.index_cast %scan3A_451 : i32 to index
        %get3A_511 = arith.constant 80 : index
        %get3A_512 = tpu.vector_load %arg8[%get3A_510, %get3A_511] {strides = array<i32>} : memref<64x128xf32, #tpu.memory_space<vmem>>, vector<1x16xf32>,
        %get3A_513 = vector.shape_cast %get3A_512 : vector<1x16xf32> to vector<16xf32>
        %mul3A_514 = arith.constant 11.3137083 : f32
        %mul3A_515 = vector.broadcast %mul3A_514 : f32 to vector<16xf32>
        %mul3A_516 = arith.mulf %get3A_513, %mul3A_515 : vector<16xf32>
        %swap3A_517 = arith.index_cast %scan3A_451 : i32 to index
        %swap3A_518 = arith.constant 80 : index
        %swap3A_519 = tpu.vector_load %arg14[%swap3A_517, %swap3A_518] {strides = array<i32>} : memref<64x128xf32, #tpu.memory_space<vmem>>, vector<1x16xf32>,
        %swap3A_520 = vector.shape_cast %swap3A_519 : vector<1x16xf32> to vector<16xf32>
        %swap3A_521 = vector.shape_cast %mul3A_516 : vector<16xf32> to vector<1x16xf32>
        tpu.vector_store %arg14[%swap3A_517, %swap3A_518], %swap3A_521 {strides = array<i32>} : memref<64x128xf32, #tpu.memory_space<vmem>>, vector<1x16xf32>,
        %get3A_522 = arith.index_cast %scan3A_451 : i32 to index
        %get3A_523 = arith.constant 96 : index
        %get3A_524 = tpu.vector_load %arg8[%get3A_522, %get3A_523] {strides = array<i32>} : memref<64x128xf32, #tpu.memory_space<vmem>>, vector<1x16xf32>,
        %get3A_525 = vector.shape_cast %get3A_524 : vector<1x16xf32> to vector<16xf32>
        %mul3A_526 = arith.constant 11.3137083 : f32
        %mul3A_527 = vector.broadcast %mul3A_526 : f32 to vector<16xf32>
        %mul3A_528 = arith.mulf %get3A_525, %mul3A_527 : vector<16xf32>
        %swap3A_529 = arith.index_cast %scan3A_451 : i32 to index
        %swap3A_530 = arith.constant 96 : index
        %swap3A_531 = tpu.vector_load %arg14[%swap3A_529, %swap3A_530] {strides = array<i32>} : memref<64x128xf32, #tpu.memory_space<vmem>>, vector<1x16xf32>,
        %swap3A_532 = vector.shape_cast %swap3A_531 : vector<1x16xf32> to vector<16xf32>
        %swap3A_533 = vector.shape_cast %mul3A_528 : vector<16xf32> to vector<1x16xf32>
        tpu.vector_store %arg14[%swap3A_529, %swap3A_530], %swap3A_533 {strides = array<i32>} : memref<64x128xf32, #tpu.memory_space<vmem>>, vector<1x16xf32>,
        %get3A_534 = arith.index_cast %scan3A_451 : i32 to index
        %get3A_535 = arith.constant 112 : index
        %get3A_536 = tpu.vector_load %arg8[%get3A_534, %get3A_535] {strides = array<i32>} : memref<64x128xf32, #tpu.memory_space<vmem>>, vector<1x16xf32>,
        %get3A_537 = vector.shape_cast %get3A_536 : vector<1x16xf32> to vector<16xf32>
        %mul3A_538 = arith.constant 11.3137083 : f32
        %mul3A_539 = vector.broadcast %mul3A_538 : f32 to vector<16xf32>
        %mul3A_540 = arith.mulf %get3A_537, %mul3A_539 : vector<16xf32>
        %swap3A_541 = arith.index_cast %scan3A_451 : i32 to index
        %swap3A_542 = arith.constant 112 : index
        %swap3A_543 = tpu.vector_load %arg14[%swap3A_541, %swap3A_542] {strides = array<i32>} : memref<64x128xf32, #tpu.memory_space<vmem>>, vector<1x16xf32>,
        %swap3A_544 = vector.shape_cast %swap3A_543 : vector<1x16xf32> to vector<16xf32>
        %swap3A_545 = vector.shape_cast %mul3A_540 : vector<16xf32> to vector<1x16xf32>
        tpu.vector_store %arg14[%swap3A_541, %swap3A_542], %swap3A_545 {strides = array<i32>} : memref<64x128xf32, #tpu.memory_space<vmem>>, vector<1x16xf32>,
      }
      %scan3A_331 = arith.constant 64 : i32
      %add3A_332 = arith.constant 6 : i32
      %add3A_333 = arith.addi %add3A_314, %add3A_332 : i32
      %lt3A_334 = arith.constant 100 : i32
      %lt3A_335 = arith.cmpi slt, %add3A_333, %lt3A_334 : i32
      %convert_element_type3A_336 = arith.extui %lt3A_335 : i1 to i32
      %cond3A_337 = arith.constant 0 : i32
      %cond3A_338 = arith.cmpi ne, %convert_element_type3A_336, %cond3A_337 : i32
      scf.if %cond3A_338 {
        %add3A_451 = arith.constant 6 : i32
        %add3A_452 = arith.addi %add3A_314, %add3A_451 : i32
        %dma_start3A_453 = arith.constant 0 : i32
        %dma_start3A_454 = tpu.memref_slice %arg5[%add3A_452, %dma_start3A_453] : memref<100x64xi32, #tpu.memory_space<vmem>> -> memref<1x64xi32, #tpu.memory_space<vmem>>
        %dma_start3A_455 = tpu.memref_squeeze %dma_start3A_454 : memref<1x64xi32, #tpu.memory_space<vmem>> -> memref<64xi32, #tpu.memory_space<vmem>>
        %dma_start3A_456 = arith.constant 0 : i32
        %dma_start3A_457 = arith.constant 0 : i32
        %dma_start3A_458 = tpu.memref_slice %arg3[%dma_start3A_456, %dma_start3A_457] : memref<100000x128xf32, #tpu.memory_space<hbm>> -> memref<100000x128xf32, #tpu.memory_space<hbm>>
        tpu.enqueue_indirect_dma source(%dma_start3A_458 : memref<100000x128xf32, #tpu.memory_space<hbm>>) target(%arg8 : memref<64x128xf32, #tpu.memory_space<vmem>>) offsets(%dma_start3A_455 : memref<64xi32, #tpu.memory_space<vmem>>) semaphore(%arg20 : memref<!tpu.dma_semaphore, #tpu.memory_space<semaphore_mem>>)
      } else {
      }
      %mul3A_339 = arith.constant 64 : i32
      %mul3A_340 = arith.muli %add3A_314, %mul3A_339 : i32
      %add3A_341 = arith.addi %mul3A_2, %mul3A_340 : i32
      %dma_start3A_342 = arith.constant 0 : i32
      %dma_start3A_343 = tpu.memref_slice %arg4[%add3A_341, %dma_start3A_342] : memref<204800x128xf32, #tpu.memory_space<hbm>> -> memref<64x128xf32, #tpu.memory_space<hbm>>
      %dma_start3A_344 = arith.constant 0 : i32
      %dma_start3A_345 = tpu.memref_slice %arg4[%add3A_341, %dma_start3A_344] : memref<204800x128xf32, #tpu.memory_space<hbm>> -> memref<64x128xf32, #tpu.memory_space<hbm>>
      tpu.enqueue_dma source(%arg14 : memref<64x128xf32, #tpu.memory_space<vmem>>) target(%dma_start3A_345 : memref<64x128xf32, #tpu.memory_space<hbm>>) target_semaphore(%arg26 : memref<!tpu.dma_semaphore, #tpu.memory_space<semaphore_mem>>)
      %mul3A_346 = arith.constant 6 : i32
      %mul3A_347 = arith.muli %scan3A_240, %mul3A_346 : i32
      %add3A_348 = arith.constant 3 : i32
      %add3A_349 = arith.addi %mul3A_347, %add3A_348 : i32
      %dma_wait3A_350 = arith.constant 0 : i32
      %dma_wait3A_351 = tpu.memref_slice %arg5[%add3A_349, %dma_wait3A_350] : memref<100x64xi32, #tpu.memory_space<vmem>> -> memref<1x64xi32, #tpu.memory_space<vmem>>
      %dma_wait3A_352 = tpu.memref_squeeze %dma_wait3A_351 : memref<1x64xi32, #tpu.memory_space<vmem>> -> memref<64xi32, #tpu.memory_space<vmem>>
      %dma_wait3A_353 = arith.constant 0 : i32
      %dma_wait3A_354 = arith.constant 0 : i32
      %dma_wait3A_355 = tpu.memref_slice %arg3[%dma_wait3A_353, %dma_wait3A_354] : memref<100000x128xf32, #tpu.memory_space<hbm>> -> memref<100000x128xf32, #tpu.memory_space<hbm>>
      tpu.wait_indirect_dma semaphore(%arg21 : memref<!tpu.dma_semaphore, #tpu.memory_space<semaphore_mem>>) src(%dma_wait3A_355 : memref<100000x128xf32, #tpu.memory_space<hbm>>) dst(%arg9 : memref<64x128xf32, #tpu.memory_space<vmem>>)
      %ge3A_356 = arith.constant 6 : i32
      %ge3A_357 = arith.cmpi sge, %add3A_349, %ge3A_356 : i32
      %convert_element_type3A_358 = arith.extui %ge3A_357 : i1 to i32
      %cond3A_359 = arith.constant 0 : i32
      %cond3A_360 = arith.cmpi ne, %convert_element_type3A_358, %cond3A_359 : i32
      scf.if %cond3A_360 {
        %sub3A = arith.constant 6 : i32
        %sub3A_451 = arith.subi %add3A_349, %sub3A : i32
        %mul3A_452 = arith.constant 64 : i32
        %mul3A_453 = arith.muli %sub3A_451, %mul3A_452 : i32
        %add3A_454 = arith.addi %mul3A_2, %mul3A_453 : i32
        %dma_wait3A_455 = arith.constant 0 : i32
        %dma_wait3A_456 = tpu.memref_slice %arg4[%add3A_454, %dma_wait3A_455] : memref<204800x128xf32, #tpu.memory_space<hbm>> -> memref<64x128xf32, #tpu.memory_space<hbm>>
        %dma_wait3A_457 = arith.constant 0 : i32
        %dma_wait3A_458 = tpu.memref_slice %arg4[%add3A_454, %dma_wait3A_457] : memref<204800x128xf32, #tpu.memory_space<hbm>> -> memref<64x128xf32, #tpu.memory_space<hbm>>
        tpu.wait_dma2 semaphore(%arg27 : memref<!tpu.dma_semaphore, #tpu.memory_space<semaphore_mem>>) src(%arg15 : memref<64x128xf32, #tpu.memory_space<vmem>>) dst(%dma_wait3A_458 : memref<64x128xf32, #tpu.memory_space<hbm>>)
      } else {
      }
      %scan3A_361 = arith.constant 0 : i32
      %scan3A_362 = arith.constant 0 : i32
      %scan3A_363 = arith.constant 64 : i32
      %scan3A_364 = arith.addi %scan3A_362, %scan3A_363 : i32
      %scan3A_365 = arith.constant 1 : i32
      scf.for %scan3A_451 = %scan3A_362 to %scan3A_364 step %scan3A_365  : i32 {
        %get3A = arith.index_cast %scan3A_451 : i32 to index
        %get3A_452 = arith.constant 0 : index
        %get3A_453 = tpu.vector_load %arg9[%get3A, %get3A_452] {strides = array<i32>} : memref<64x128xf32, #tpu.memory_space<vmem>>, vector<1x16xf32>,
        %get3A_454 = vector.shape_cast %get3A_453 : vector<1x16xf32> to vector<16xf32>
        %mul3A_455 = arith.constant 11.3137083 : f32
        %mul3A_456 = vector.broadcast %mul3A_455 : f32 to vector<16xf32>
        %mul3A_457 = arith.mulf %get3A_454, %mul3A_456 : vector<16xf32>
        %swap3A = arith.index_cast %scan3A_451 : i32 to index
        %swap3A_458 = arith.constant 0 : index
        %swap3A_459 = tpu.vector_load %arg15[%swap3A, %swap3A_458] {strides = array<i32>} : memref<64x128xf32, #tpu.memory_space<vmem>>, vector<1x16xf32>,
        %swap3A_460 = vector.shape_cast %swap3A_459 : vector<1x16xf32> to vector<16xf32>
        %swap3A_461 = vector.shape_cast %mul3A_457 : vector<16xf32> to vector<1x16xf32>
        tpu.vector_store %arg15[%swap3A, %swap3A_458], %swap3A_461 {strides = array<i32>} : memref<64x128xf32, #tpu.memory_space<vmem>>, vector<1x16xf32>,
        %get3A_462 = arith.index_cast %scan3A_451 : i32 to index
        %get3A_463 = arith.constant 16 : index
        %get3A_464 = tpu.vector_load %arg9[%get3A_462, %get3A_463] {strides = array<i32>} : memref<64x128xf32, #tpu.memory_space<vmem>>, vector<1x16xf32>,
        %get3A_465 = vector.shape_cast %get3A_464 : vector<1x16xf32> to vector<16xf32>
        %mul3A_466 = arith.constant 11.3137083 : f32
        %mul3A_467 = vector.broadcast %mul3A_466 : f32 to vector<16xf32>
        %mul3A_468 = arith.mulf %get3A_465, %mul3A_467 : vector<16xf32>
        %swap3A_469 = arith.index_cast %scan3A_451 : i32 to index
        %swap3A_470 = arith.constant 16 : index
        %swap3A_471 = tpu.vector_load %arg15[%swap3A_469, %swap3A_470] {strides = array<i32>} : memref<64x128xf32, #tpu.memory_space<vmem>>, vector<1x16xf32>,
        %swap3A_472 = vector.shape_cast %swap3A_471 : vector<1x16xf32> to vector<16xf32>
        %swap3A_473 = vector.shape_cast %mul3A_468 : vector<16xf32> to vector<1x16xf32>
        tpu.vector_store %arg15[%swap3A_469, %swap3A_470], %swap3A_473 {strides = array<i32>} : memref<64x128xf32, #tpu.memory_space<vmem>>, vector<1x16xf32>,
        %get3A_474 = arith.index_cast %scan3A_451 : i32 to index
        %get3A_475 = arith.constant 32 : index
        %get3A_476 = tpu.vector_load %arg9[%get3A_474, %get3A_475] {strides = array<i32>} : memref<64x128xf32, #tpu.memory_space<vmem>>, vector<1x16xf32>,
        %get3A_477 = vector.shape_cast %get3A_476 : vector<1x16xf32> to vector<16xf32>
        %mul3A_478 = arith.constant 11.3137083 : f32
        %mul3A_479 = vector.broadcast %mul3A_478 : f32 to vector<16xf32>
        %mul3A_480 = arith.mulf %get3A_477, %mul3A_479 : vector<16xf32>
        %swap3A_481 = arith.index_cast %scan3A_451 : i32 to index
        %swap3A_482 = arith.constant 32 : index
        %swap3A_483 = tpu.vector_load %arg15[%swap3A_481, %swap3A_482] {strides = array<i32>} : memref<64x128xf32, #tpu.memory_space<vmem>>, vector<1x16xf32>,
        %swap3A_484 = vector.shape_cast %swap3A_483 : vector<1x16xf32> to vector<16xf32>
        %swap3A_485 = vector.shape_cast %mul3A_480 : vector<16xf32> to vector<1x16xf32>
        tpu.vector_store %arg15[%swap3A_481, %swap3A_482], %swap3A_485 {strides = array<i32>} : memref<64x128xf32, #tpu.memory_space<vmem>>, vector<1x16xf32>,
        %get3A_486 = arith.index_cast %scan3A_451 : i32 to index
        %get3A_487 = arith.constant 48 : index
        %get3A_488 = tpu.vector_load %arg9[%get3A_486, %get3A_487] {strides = array<i32>} : memref<64x128xf32, #tpu.memory_space<vmem>>, vector<1x16xf32>,
        %get3A_489 = vector.shape_cast %get3A_488 : vector<1x16xf32> to vector<16xf32>
        %mul3A_490 = arith.constant 11.3137083 : f32
        %mul3A_491 = vector.broadcast %mul3A_490 : f32 to vector<16xf32>
        %mul3A_492 = arith.mulf %get3A_489, %mul3A_491 : vector<16xf32>
        %swap3A_493 = arith.index_cast %scan3A_451 : i32 to index
        %swap3A_494 = arith.constant 48 : index
        %swap3A_495 = tpu.vector_load %arg15[%swap3A_493, %swap3A_494] {strides = array<i32>} : memref<64x128xf32, #tpu.memory_space<vmem>>, vector<1x16xf32>,
        %swap3A_496 = vector.shape_cast %swap3A_495 : vector<1x16xf32> to vector<16xf32>
        %swap3A_497 = vector.shape_cast %mul3A_492 : vector<16xf32> to vector<1x16xf32>
        tpu.vector_store %arg15[%swap3A_493, %swap3A_494], %swap3A_497 {strides = array<i32>} : memref<64x128xf32, #tpu.memory_space<vmem>>, vector<1x16xf32>,
        %get3A_498 = arith.index_cast %scan3A_451 : i32 to index
        %get3A_499 = arith.constant 64 : index
        %get3A_500 = tpu.vector_load %arg9[%get3A_498, %get3A_499] {strides = array<i32>} : memref<64x128xf32, #tpu.memory_space<vmem>>, vector<1x16xf32>,
        %get3A_501 = vector.shape_cast %get3A_500 : vector<1x16xf32> to vector<16xf32>
        %mul3A_502 = arith.constant 11.3137083 : f32
        %mul3A_503 = vector.broadcast %mul3A_502 : f32 to vector<16xf32>
        %mul3A_504 = arith.mulf %get3A_501, %mul3A_503 : vector<16xf32>
        %swap3A_505 = arith.index_cast %scan3A_451 : i32 to index
        %swap3A_506 = arith.constant 64 : index
        %swap3A_507 = tpu.vector_load %arg15[%swap3A_505, %swap3A_506] {strides = array<i32>} : memref<64x128xf32, #tpu.memory_space<vmem>>, vector<1x16xf32>,
        %swap3A_508 = vector.shape_cast %swap3A_507 : vector<1x16xf32> to vector<16xf32>
        %swap3A_509 = vector.shape_cast %mul3A_504 : vector<16xf32> to vector<1x16xf32>
        tpu.vector_store %arg15[%swap3A_505, %swap3A_506], %swap3A_509 {strides = array<i32>} : memref<64x128xf32, #tpu.memory_space<vmem>>, vector<1x16xf32>,
        %get3A_510 = arith.index_cast %scan3A_451 : i32 to index
        %get3A_511 = arith.constant 80 : index
        %get3A_512 = tpu.vector_load %arg9[%get3A_510, %get3A_511] {strides = array<i32>} : memref<64x128xf32, #tpu.memory_space<vmem>>, vector<1x16xf32>,
        %get3A_513 = vector.shape_cast %get3A_512 : vector<1x16xf32> to vector<16xf32>
        %mul3A_514 = arith.constant 11.3137083 : f32
        %mul3A_515 = vector.broadcast %mul3A_514 : f32 to vector<16xf32>
        %mul3A_516 = arith.mulf %get3A_513, %mul3A_515 : vector<16xf32>
        %swap3A_517 = arith.index_cast %scan3A_451 : i32 to index
        %swap3A_518 = arith.constant 80 : index
        %swap3A_519 = tpu.vector_load %arg15[%swap3A_517, %swap3A_518] {strides = array<i32>} : memref<64x128xf32, #tpu.memory_space<vmem>>, vector<1x16xf32>,
        %swap3A_520 = vector.shape_cast %swap3A_519 : vector<1x16xf32> to vector<16xf32>
        %swap3A_521 = vector.shape_cast %mul3A_516 : vector<16xf32> to vector<1x16xf32>
        tpu.vector_store %arg15[%swap3A_517, %swap3A_518], %swap3A_521 {strides = array<i32>} : memref<64x128xf32, #tpu.memory_space<vmem>>, vector<1x16xf32>,
        %get3A_522 = arith.index_cast %scan3A_451 : i32 to index
        %get3A_523 = arith.constant 96 : index
        %get3A_524 = tpu.vector_load %arg9[%get3A_522, %get3A_523] {strides = array<i32>} : memref<64x128xf32, #tpu.memory_space<vmem>>, vector<1x16xf32>,
        %get3A_525 = vector.shape_cast %get3A_524 : vector<1x16xf32> to vector<16xf32>
        %mul3A_526 = arith.constant 11.3137083 : f32
        %mul3A_527 = vector.broadcast %mul3A_526 : f32 to vector<16xf32>
        %mul3A_528 = arith.mulf %get3A_525, %mul3A_527 : vector<16xf32>
        %swap3A_529 = arith.index_cast %scan3A_451 : i32 to index
        %swap3A_530 = arith.constant 96 : index
        %swap3A_531 = tpu.vector_load %arg15[%swap3A_529, %swap3A_530] {strides = array<i32>} : memref<64x128xf32, #tpu.memory_space<vmem>>, vector<1x16xf32>,
        %swap3A_532 = vector.shape_cast %swap3A_531 : vector<1x16xf32> to vector<16xf32>
        %swap3A_533 = vector.shape_cast %mul3A_528 : vector<16xf32> to vector<1x16xf32>
        tpu.vector_store %arg15[%swap3A_529, %swap3A_530], %swap3A_533 {strides = array<i32>} : memref<64x128xf32, #tpu.memory_space<vmem>>, vector<1x16xf32>,
        %get3A_534 = arith.index_cast %scan3A_451 : i32 to index
        %get3A_535 = arith.constant 112 : index
        %get3A_536 = tpu.vector_load %arg9[%get3A_534, %get3A_535] {strides = array<i32>} : memref<64x128xf32, #tpu.memory_space<vmem>>, vector<1x16xf32>,
        %get3A_537 = vector.shape_cast %get3A_536 : vector<1x16xf32> to vector<16xf32>
        %mul3A_538 = arith.constant 11.3137083 : f32
        %mul3A_539 = vector.broadcast %mul3A_538 : f32 to vector<16xf32>
        %mul3A_540 = arith.mulf %get3A_537, %mul3A_539 : vector<16xf32>
        %swap3A_541 = arith.index_cast %scan3A_451 : i32 to index
        %swap3A_542 = arith.constant 112 : index
        %swap3A_543 = tpu.vector_load %arg15[%swap3A_541, %swap3A_542] {strides = array<i32>} : memref<64x128xf32, #tpu.memory_space<vmem>>, vector<1x16xf32>,
        %swap3A_544 = vector.shape_cast %swap3A_543 : vector<1x16xf32> to vector<16xf32>
        %swap3A_545 = vector.shape_cast %mul3A_540 : vector<16xf32> to vector<1x16xf32>
        tpu.vector_store %arg15[%swap3A_541, %swap3A_542], %swap3A_545 {strides = array<i32>} : memref<64x128xf32, #tpu.memory_space<vmem>>, vector<1x16xf32>,
      }
      %scan3A_366 = arith.constant 64 : i32
      %add3A_367 = arith.constant 6 : i32
      %add3A_368 = arith.addi %add3A_349, %add3A_367 : i32
      %lt3A_369 = arith.constant 100 : i32
      %lt3A_370 = arith.cmpi slt, %add3A_368, %lt3A_369 : i32
      %convert_element_type3A_371 = arith.extui %lt3A_370 : i1 to i32
      %cond3A_372 = arith.constant 0 : i32
      %cond3A_373 = arith.cmpi ne, %convert_element_type3A_371, %cond3A_372 : i32
      scf.if %cond3A_373 {
        %add3A_451 = arith.constant 6 : i32
        %add3A_452 = arith.addi %add3A_349, %add3A_451 : i32
        %dma_start3A_453 = arith.constant 0 : i32
        %dma_start3A_454 = tpu.memref_slice %arg5[%add3A_452, %dma_start3A_453] : memref<100x64xi32, #tpu.memory_space<vmem>> -> memref<1x64xi32, #tpu.memory_space<vmem>>
        %dma_start3A_455 = tpu.memref_squeeze %dma_start3A_454 : memref<1x64xi32, #tpu.memory_space<vmem>> -> memref<64xi32, #tpu.memory_space<vmem>>
        %dma_start3A_456 = arith.constant 0 : i32
        %dma_start3A_457 = arith.constant 0 : i32
        %dma_start3A_458 = tpu.memref_slice %arg3[%dma_start3A_456, %dma_start3A_457] : memref<100000x128xf32, #tpu.memory_space<hbm>> -> memref<100000x128xf32, #tpu.memory_space<hbm>>
        tpu.enqueue_indirect_dma source(%dma_start3A_458 : memref<100000x128xf32, #tpu.memory_space<hbm>>) target(%arg9 : memref<64x128xf32, #tpu.memory_space<vmem>>) offsets(%dma_start3A_455 : memref<64xi32, #tpu.memory_space<vmem>>) semaphore(%arg21 : memref<!tpu.dma_semaphore, #tpu.memory_space<semaphore_mem>>)
      } else {
      }
      %mul3A_374 = arith.constant 64 : i32
      %mul3A_375 = arith.muli %add3A_349, %mul3A_374 : i32
      %add3A_376 = arith.addi %mul3A_2, %mul3A_375 : i32
      %dma_start3A_377 = arith.constant 0 : i32
      %dma_start3A_378 = tpu.memref_slice %arg4[%add3A_376, %dma_start3A_377] : memref<204800x128xf32, #tpu.memory_space<hbm>> -> memref<64x128xf32, #tpu.memory_space<hbm>>
      %dma_start3A_379 = arith.constant 0 : i32
      %dma_start3A_380 = tpu.memref_slice %arg4[%add3A_376, %dma_start3A_379] : memref<204800x128xf32, #tpu.memory_space<hbm>> -> memref<64x128xf32, #tpu.memory_space<hbm>>
      tpu.enqueue_dma source(%arg15 : memref<64x128xf32, #tpu.memory_space<vmem>>) target(%dma_start3A_380 : memref<64x128xf32, #tpu.memory_space<hbm>>) target_semaphore(%arg27 : memref<!tpu.dma_semaphore, #tpu.memory_space<semaphore_mem>>)
      %mul3A_381 = arith.constant 6 : i32
      %mul3A_382 = arith.muli %scan3A_240, %mul3A_381 : i32
      %add3A_383 = arith.constant 4 : i32
      %add3A_384 = arith.addi %mul3A_382, %add3A_383 : i32
      %dma_wait3A_385 = arith.constant 0 : i32
      %dma_wait3A_386 = tpu.memref_slice %arg5[%add3A_384, %dma_wait3A_385] : memref<100x64xi32, #tpu.memory_space<vmem>> -> memref<1x64xi32, #tpu.memory_space<vmem>>
      %dma_wait3A_387 = tpu.memref_squeeze %dma_wait3A_386 : memref<1x64xi32, #tpu.memory_space<vmem>> -> memref<64xi32, #tpu.memory_space<vmem>>
      %dma_wait3A_388 = arith.constant 0 : i32
      %dma_wait3A_389 = arith.constant 0 : i32
      %dma_wait3A_390 = tpu.memref_slice %arg3[%dma_wait3A_388, %dma_wait3A_389] : memref<100000x128xf32, #tpu.memory_space<hbm>> -> memref<100000x128xf32, #tpu.memory_space<hbm>>
      tpu.wait_indirect_dma semaphore(%arg22 : memref<!tpu.dma_semaphore, #tpu.memory_space<semaphore_mem>>) src(%dma_wait3A_390 : memref<100000x128xf32, #tpu.memory_space<hbm>>) dst(%arg10 : memref<64x128xf32, #tpu.memory_space<vmem>>)
      %ge3A_391 = arith.constant 6 : i32
      %ge3A_392 = arith.cmpi sge, %add3A_384, %ge3A_391 : i32
      %convert_element_type3A_393 = arith.extui %ge3A_392 : i1 to i32
      %cond3A_394 = arith.constant 0 : i32
      %cond3A_395 = arith.cmpi ne, %convert_element_type3A_393, %cond3A_394 : i32
      scf.if %cond3A_395 {
        %sub3A = arith.constant 6 : i32
        %sub3A_451 = arith.subi %add3A_384, %sub3A : i32
        %mul3A_452 = arith.constant 64 : i32
        %mul3A_453 = arith.muli %sub3A_451, %mul3A_452 : i32
        %add3A_454 = arith.addi %mul3A_2, %mul3A_453 : i32
        %dma_wait3A_455 = arith.constant 0 : i32
        %dma_wait3A_456 = tpu.memref_slice %arg4[%add3A_454, %dma_wait3A_455] : memref<204800x128xf32, #tpu.memory_space<hbm>> -> memref<64x128xf32, #tpu.memory_space<hbm>>
        %dma_wait3A_457 = arith.constant 0 : i32
        %dma_wait3A_458 = tpu.memref_slice %arg4[%add3A_454, %dma_wait3A_457] : memref<204800x128xf32, #tpu.memory_space<hbm>> -> memref<64x128xf32, #tpu.memory_space<hbm>>
        tpu.wait_dma2 semaphore(%arg28 : memref<!tpu.dma_semaphore, #tpu.memory_space<semaphore_mem>>) src(%arg16 : memref<64x128xf32, #tpu.memory_space<vmem>>) dst(%dma_wait3A_458 : memref<64x128xf32, #tpu.memory_space<hbm>>)
      } else {
      }
      %scan3A_396 = arith.constant 0 : i32
      %scan3A_397 = arith.constant 0 : i32
      %scan3A_398 = arith.constant 64 : i32
      %scan3A_399 = arith.addi %scan3A_397, %scan3A_398 : i32
      %scan3A_400 = arith.constant 1 : i32
      scf.for %scan3A_451 = %scan3A_397 to %scan3A_399 step %scan3A_400  : i32 {
        %get3A = arith.index_cast %scan3A_451 : i32 to index
        %get3A_452 = arith.constant 0 : index
        %get3A_453 = tpu.vector_load %arg10[%get3A, %get3A_452] {strides = array<i32>} : memref<64x128xf32, #tpu.memory_space<vmem>>, vector<1x16xf32>,
        %get3A_454 = vector.shape_cast %get3A_453 : vector<1x16xf32> to vector<16xf32>
        %mul3A_455 = arith.constant 11.3137083 : f32
        %mul3A_456 = vector.broadcast %mul3A_455 : f32 to vector<16xf32>
        %mul3A_457 = arith.mulf %get3A_454, %mul3A_456 : vector<16xf32>
        %swap3A = arith.index_cast %scan3A_451 : i32 to index
        %swap3A_458 = arith.constant 0 : index
        %swap3A_459 = tpu.vector_load %arg16[%swap3A, %swap3A_458] {strides = array<i32>} : memref<64x128xf32, #tpu.memory_space<vmem>>, vector<1x16xf32>,
        %swap3A_460 = vector.shape_cast %swap3A_459 : vector<1x16xf32> to vector<16xf32>
        %swap3A_461 = vector.shape_cast %mul3A_457 : vector<16xf32> to vector<1x16xf32>
        tpu.vector_store %arg16[%swap3A, %swap3A_458], %swap3A_461 {strides = array<i32>} : memref<64x128xf32, #tpu.memory_space<vmem>>, vector<1x16xf32>,
        %get3A_462 = arith.index_cast %scan3A_451 : i32 to index
        %get3A_463 = arith.constant 16 : index
        %get3A_464 = tpu.vector_load %arg10[%get3A_462, %get3A_463] {strides = array<i32>} : memref<64x128xf32, #tpu.memory_space<vmem>>, vector<1x16xf32>,
        %get3A_465 = vector.shape_cast %get3A_464 : vector<1x16xf32> to vector<16xf32>
        %mul3A_466 = arith.constant 11.3137083 : f32
        %mul3A_467 = vector.broadcast %mul3A_466 : f32 to vector<16xf32>
        %mul3A_468 = arith.mulf %get3A_465, %mul3A_467 : vector<16xf32>
        %swap3A_469 = arith.index_cast %scan3A_451 : i32 to index
        %swap3A_470 = arith.constant 16 : index
        %swap3A_471 = tpu.vector_load %arg16[%swap3A_469, %swap3A_470] {strides = array<i32>} : memref<64x128xf32, #tpu.memory_space<vmem>>, vector<1x16xf32>,
        %swap3A_472 = vector.shape_cast %swap3A_471 : vector<1x16xf32> to vector<16xf32>
        %swap3A_473 = vector.shape_cast %mul3A_468 : vector<16xf32> to vector<1x16xf32>
        tpu.vector_store %arg16[%swap3A_469, %swap3A_470], %swap3A_473 {strides = array<i32>} : memref<64x128xf32, #tpu.memory_space<vmem>>, vector<1x16xf32>,
        %get3A_474 = arith.index_cast %scan3A_451 : i32 to index
        %get3A_475 = arith.constant 32 : index
        %get3A_476 = tpu.vector_load %arg10[%get3A_474, %get3A_475] {strides = array<i32>} : memref<64x128xf32, #tpu.memory_space<vmem>>, vector<1x16xf32>,
        %get3A_477 = vector.shape_cast %get3A_476 : vector<1x16xf32> to vector<16xf32>
        %mul3A_478 = arith.constant 11.3137083 : f32
        %mul3A_479 = vector.broadcast %mul3A_478 : f32 to vector<16xf32>
        %mul3A_480 = arith.mulf %get3A_477, %mul3A_479 : vector<16xf32>
        %swap3A_481 = arith.index_cast %scan3A_451 : i32 to index
        %swap3A_482 = arith.constant 32 : index
        %swap3A_483 = tpu.vector_load %arg16[%swap3A_481, %swap3A_482] {strides = array<i32>} : memref<64x128xf32, #tpu.memory_space<vmem>>, vector<1x16xf32>,
        %swap3A_484 = vector.shape_cast %swap3A_483 : vector<1x16xf32> to vector<16xf32>
        %swap3A_485 = vector.shape_cast %mul3A_480 : vector<16xf32> to vector<1x16xf32>
        tpu.vector_store %arg16[%swap3A_481, %swap3A_482], %swap3A_485 {strides = array<i32>} : memref<64x128xf32, #tpu.memory_space<vmem>>, vector<1x16xf32>,
        %get3A_486 = arith.index_cast %scan3A_451 : i32 to index
        %get3A_487 = arith.constant 48 : index
        %get3A_488 = tpu.vector_load %arg10[%get3A_486, %get3A_487] {strides = array<i32>} : memref<64x128xf32, #tpu.memory_space<vmem>>, vector<1x16xf32>,
        %get3A_489 = vector.shape_cast %get3A_488 : vector<1x16xf32> to vector<16xf32>
        %mul3A_490 = arith.constant 11.3137083 : f32
        %mul3A_491 = vector.broadcast %mul3A_490 : f32 to vector<16xf32>
        %mul3A_492 = arith.mulf %get3A_489, %mul3A_491 : vector<16xf32>
        %swap3A_493 = arith.index_cast %scan3A_451 : i32 to index
        %swap3A_494 = arith.constant 48 : index
        %swap3A_495 = tpu.vector_load %arg16[%swap3A_493, %swap3A_494] {strides = array<i32>} : memref<64x128xf32, #tpu.memory_space<vmem>>, vector<1x16xf32>,
        %swap3A_496 = vector.shape_cast %swap3A_495 : vector<1x16xf32> to vector<16xf32>
        %swap3A_497 = vector.shape_cast %mul3A_492 : vector<16xf32> to vector<1x16xf32>
        tpu.vector_store %arg16[%swap3A_493, %swap3A_494], %swap3A_497 {strides = array<i32>} : memref<64x128xf32, #tpu.memory_space<vmem>>, vector<1x16xf32>,
        %get3A_498 = arith.index_cast %scan3A_451 : i32 to index
        %get3A_499 = arith.constant 64 : index
        %get3A_500 = tpu.vector_load %arg10[%get3A_498, %get3A_499] {strides = array<i32>} : memref<64x128xf32, #tpu.memory_space<vmem>>, vector<1x16xf32>,
        %get3A_501 = vector.shape_cast %get3A_500 : vector<1x16xf32> to vector<16xf32>
        %mul3A_502 = arith.constant 11.3137083 : f32
        %mul3A_503 = vector.broadcast %mul3A_502 : f32 to vector<16xf32>
        %mul3A_504 = arith.mulf %get3A_501, %mul3A_503 : vector<16xf32>
        %swap3A_505 = arith.index_cast %scan3A_451 : i32 to index
        %swap3A_506 = arith.constant 64 : index
        %swap3A_507 = tpu.vector_load %arg16[%swap3A_505, %swap3A_506] {strides = array<i32>} : memref<64x128xf32, #tpu.memory_space<vmem>>, vector<1x16xf32>,
        %swap3A_508 = vector.shape_cast %swap3A_507 : vector<1x16xf32> to vector<16xf32>
        %swap3A_509 = vector.shape_cast %mul3A_504 : vector<16xf32> to vector<1x16xf32>
        tpu.vector_store %arg16[%swap3A_505, %swap3A_506], %swap3A_509 {strides = array<i32>} : memref<64x128xf32, #tpu.memory_space<vmem>>, vector<1x16xf32>,
        %get3A_510 = arith.index_cast %scan3A_451 : i32 to index
        %get3A_511 = arith.constant 80 : index
        %get3A_512 = tpu.vector_load %arg10[%get3A_510, %get3A_511] {strides = array<i32>} : memref<64x128xf32, #tpu.memory_space<vmem>>, vector<1x16xf32>,
        %get3A_513 = vector.shape_cast %get3A_512 : vector<1x16xf32> to vector<16xf32>
        %mul3A_514 = arith.constant 11.3137083 : f32
        %mul3A_515 = vector.broadcast %mul3A_514 : f32 to vector<16xf32>
        %mul3A_516 = arith.mulf %get3A_513, %mul3A_515 : vector<16xf32>
        %swap3A_517 = arith.index_cast %scan3A_451 : i32 to index
        %swap3A_518 = arith.constant 80 : index
        %swap3A_519 = tpu.vector_load %arg16[%swap3A_517, %swap3A_518] {strides = array<i32>} : memref<64x128xf32, #tpu.memory_space<vmem>>, vector<1x16xf32>,
        %swap3A_520 = vector.shape_cast %swap3A_519 : vector<1x16xf32> to vector<16xf32>
        %swap3A_521 = vector.shape_cast %mul3A_516 : vector<16xf32> to vector<1x16xf32>
        tpu.vector_store %arg16[%swap3A_517, %swap3A_518], %swap3A_521 {strides = array<i32>} : memref<64x128xf32, #tpu.memory_space<vmem>>, vector<1x16xf32>,
        %get3A_522 = arith.index_cast %scan3A_451 : i32 to index
        %get3A_523 = arith.constant 96 : index
        %get3A_524 = tpu.vector_load %arg10[%get3A_522, %get3A_523] {strides = array<i32>} : memref<64x128xf32, #tpu.memory_space<vmem>>, vector<1x16xf32>,
        %get3A_525 = vector.shape_cast %get3A_524 : vector<1x16xf32> to vector<16xf32>
        %mul3A_526 = arith.constant 11.3137083 : f32
        %mul3A_527 = vector.broadcast %mul3A_526 : f32 to vector<16xf32>
        %mul3A_528 = arith.mulf %get3A_525, %mul3A_527 : vector<16xf32>
        %swap3A_529 = arith.index_cast %scan3A_451 : i32 to index
        %swap3A_530 = arith.constant 96 : index
        %swap3A_531 = tpu.vector_load %arg16[%swap3A_529, %swap3A_530] {strides = array<i32>} : memref<64x128xf32, #tpu.memory_space<vmem>>, vector<1x16xf32>,
        %swap3A_532 = vector.shape_cast %swap3A_531 : vector<1x16xf32> to vector<16xf32>
        %swap3A_533 = vector.shape_cast %mul3A_528 : vector<16xf32> to vector<1x16xf32>
        tpu.vector_store %arg16[%swap3A_529, %swap3A_530], %swap3A_533 {strides = array<i32>} : memref<64x128xf32, #tpu.memory_space<vmem>>, vector<1x16xf32>,
        %get3A_534 = arith.index_cast %scan3A_451 : i32 to index
        %get3A_535 = arith.constant 112 : index
        %get3A_536 = tpu.vector_load %arg10[%get3A_534, %get3A_535] {strides = array<i32>} : memref<64x128xf32, #tpu.memory_space<vmem>>, vector<1x16xf32>,
        %get3A_537 = vector.shape_cast %get3A_536 : vector<1x16xf32> to vector<16xf32>
        %mul3A_538 = arith.constant 11.3137083 : f32
        %mul3A_539 = vector.broadcast %mul3A_538 : f32 to vector<16xf32>
        %mul3A_540 = arith.mulf %get3A_537, %mul3A_539 : vector<16xf32>
        %swap3A_541 = arith.index_cast %scan3A_451 : i32 to index
        %swap3A_542 = arith.constant 112 : index
        %swap3A_543 = tpu.vector_load %arg16[%swap3A_541, %swap3A_542] {strides = array<i32>} : memref<64x128xf32, #tpu.memory_space<vmem>>, vector<1x16xf32>,
        %swap3A_544 = vector.shape_cast %swap3A_543 : vector<1x16xf32> to vector<16xf32>
        %swap3A_545 = vector.shape_cast %mul3A_540 : vector<16xf32> to vector<1x16xf32>
        tpu.vector_store %arg16[%swap3A_541, %swap3A_542], %swap3A_545 {strides = array<i32>} : memref<64x128xf32, #tpu.memory_space<vmem>>, vector<1x16xf32>,
      }
      %scan3A_401 = arith.constant 64 : i32
      %add3A_402 = arith.constant 6 : i32
      %add3A_403 = arith.addi %add3A_384, %add3A_402 : i32
      %lt3A_404 = arith.constant 100 : i32
      %lt3A_405 = arith.cmpi slt, %add3A_403, %lt3A_404 : i32
      %convert_element_type3A_406 = arith.extui %lt3A_405 : i1 to i32
      %cond3A_407 = arith.constant 0 : i32
      %cond3A_408 = arith.cmpi ne, %convert_element_type3A_406, %cond3A_407 : i32
      scf.if %cond3A_408 {
        %add3A_451 = arith.constant 6 : i32
        %add3A_452 = arith.addi %add3A_384, %add3A_451 : i32
        %dma_start3A_453 = arith.constant 0 : i32
        %dma_start3A_454 = tpu.memref_slice %arg5[%add3A_452, %dma_start3A_453] : memref<100x64xi32, #tpu.memory_space<vmem>> -> memref<1x64xi32, #tpu.memory_space<vmem>>
        %dma_start3A_455 = tpu.memref_squeeze %dma_start3A_454 : memref<1x64xi32, #tpu.memory_space<vmem>> -> memref<64xi32, #tpu.memory_space<vmem>>
        %dma_start3A_456 = arith.constant 0 : i32
        %dma_start3A_457 = arith.constant 0 : i32
        %dma_start3A_458 = tpu.memref_slice %arg3[%dma_start3A_456, %dma_start3A_457] : memref<100000x128xf32, #tpu.memory_space<hbm>> -> memref<100000x128xf32, #tpu.memory_space<hbm>>
        tpu.enqueue_indirect_dma source(%dma_start3A_458 : memref<100000x128xf32, #tpu.memory_space<hbm>>) target(%arg10 : memref<64x128xf32, #tpu.memory_space<vmem>>) offsets(%dma_start3A_455 : memref<64xi32, #tpu.memory_space<vmem>>) semaphore(%arg22 : memref<!tpu.dma_semaphore, #tpu.memory_space<semaphore_mem>>)
      } else {
      }
      %mul3A_409 = arith.constant 64 : i32
      %mul3A_410 = arith.muli %add3A_384, %mul3A_409 : i32
      %add3A_411 = arith.addi %mul3A_2, %mul3A_410 : i32
      %dma_start3A_412 = arith.constant 0 : i32
      %dma_start3A_413 = tpu.memref_slice %arg4[%add3A_411, %dma_start3A_412] : memref<204800x128xf32, #tpu.memory_space<hbm>> -> memref<64x128xf32, #tpu.memory_space<hbm>>
      %dma_start3A_414 = arith.constant 0 : i32
      %dma_start3A_415 = tpu.memref_slice %arg4[%add3A_411, %dma_start3A_414] : memref<204800x128xf32, #tpu.memory_space<hbm>> -> memref<64x128xf32, #tpu.memory_space<hbm>>
      tpu.enqueue_dma source(%arg16 : memref<64x128xf32, #tpu.memory_space<vmem>>) target(%dma_start3A_415 : memref<64x128xf32, #tpu.memory_space<hbm>>) target_semaphore(%arg28 : memref<!tpu.dma_semaphore, #tpu.memory_space<semaphore_mem>>)
      %mul3A_416 = arith.constant 6 : i32
      %mul3A_417 = arith.muli %scan3A_240, %mul3A_416 : i32
      %add3A_418 = arith.constant 5 : i32
      %add3A_419 = arith.addi %mul3A_417, %add3A_418 : i32
      %dma_wait3A_420 = arith.constant 0 : i32
      %dma_wait3A_421 = tpu.memref_slice %arg5[%add3A_419, %dma_wait3A_420] : memref<100x64xi32, #tpu.memory_space<vmem>> -> memref<1x64xi32, #tpu.memory_space<vmem>>
      %dma_wait3A_422 = tpu.memref_squeeze %dma_wait3A_421 : memref<1x64xi32, #tpu.memory_space<vmem>> -> memref<64xi32, #tpu.memory_space<vmem>>
      %dma_wait3A_423 = arith.constant 0 : i32
      %dma_wait3A_424 = arith.constant 0 : i32
      %dma_wait3A_425 = tpu.memref_slice %arg3[%dma_wait3A_423, %dma_wait3A_424] : memref<100000x128xf32, #tpu.memory_space<hbm>> -> memref<100000x128xf32, #tpu.memory_space<hbm>>
      tpu.wait_indirect_dma semaphore(%arg23 : memref<!tpu.dma_semaphore, #tpu.memory_space<semaphore_mem>>) src(%dma_wait3A_425 : memref<100000x128xf32, #tpu.memory_space<hbm>>) dst(%arg11 : memref<64x128xf32, #tpu.memory_space<vmem>>)
      %ge3A_426 = arith.constant 6 : i32
      %ge3A_427 = arith.cmpi sge, %add3A_419, %ge3A_426 : i32
      %convert_element_type3A_428 = arith.extui %ge3A_427 : i1 to i32
      %cond3A_429 = arith.constant 0 : i32
      %cond3A_430 = arith.cmpi ne, %convert_element_type3A_428, %cond3A_429 : i32
      scf.if %cond3A_430 {
        %sub3A = arith.constant 6 : i32
        %sub3A_451 = arith.subi %add3A_419, %sub3A : i32
        %mul3A_452 = arith.constant 64 : i32
        %mul3A_453 = arith.muli %sub3A_451, %mul3A_452 : i32
        %add3A_454 = arith.addi %mul3A_2, %mul3A_453 : i32
        %dma_wait3A_455 = arith.constant 0 : i32
        %dma_wait3A_456 = tpu.memref_slice %arg4[%add3A_454, %dma_wait3A_455] : memref<204800x128xf32, #tpu.memory_space<hbm>> -> memref<64x128xf32, #tpu.memory_space<hbm>>
        %dma_wait3A_457 = arith.constant 0 : i32
        %dma_wait3A_458 = tpu.memref_slice %arg4[%add3A_454, %dma_wait3A_457] : memref<204800x128xf32, #tpu.memory_space<hbm>> -> memref<64x128xf32, #tpu.memory_space<hbm>>
        tpu.wait_dma2 semaphore(%arg29 : memref<!tpu.dma_semaphore, #tpu.memory_space<semaphore_mem>>) src(%arg17 : memref<64x128xf32, #tpu.memory_space<vmem>>) dst(%dma_wait3A_458 : memref<64x128xf32, #tpu.memory_space<hbm>>)
      } else {
      }
      %scan3A_431 = arith.constant 0 : i32
      %scan3A_432 = arith.constant 0 : i32
      %scan3A_433 = arith.constant 64 : i32
      %scan3A_434 = arith.addi %scan3A_432, %scan3A_433 : i32
      %scan3A_435 = arith.constant 1 : i32
      scf.for %scan3A_451 = %scan3A_432 to %scan3A_434 step %scan3A_435  : i32 {
        %get3A = arith.index_cast %scan3A_451 : i32 to index
        %get3A_452 = arith.constant 0 : index
        %get3A_453 = tpu.vector_load %arg11[%get3A, %get3A_452] {strides = array<i32>} : memref<64x128xf32, #tpu.memory_space<vmem>>, vector<1x16xf32>,
        %get3A_454 = vector.shape_cast %get3A_453 : vector<1x16xf32> to vector<16xf32>
        %mul3A_455 = arith.constant 11.3137083 : f32
        %mul3A_456 = vector.broadcast %mul3A_455 : f32 to vector<16xf32>
        %mul3A_457 = arith.mulf %get3A_454, %mul3A_456 : vector<16xf32>
        %swap3A = arith.index_cast %scan3A_451 : i32 to index
        %swap3A_458 = arith.constant 0 : index
        %swap3A_459 = tpu.vector_load %arg17[%swap3A, %swap3A_458] {strides = array<i32>} : memref<64x128xf32, #tpu.memory_space<vmem>>, vector<1x16xf32>,
        %swap3A_460 = vector.shape_cast %swap3A_459 : vector<1x16xf32> to vector<16xf32>
        %swap3A_461 = vector.shape_cast %mul3A_457 : vector<16xf32> to vector<1x16xf32>
        tpu.vector_store %arg17[%swap3A, %swap3A_458], %swap3A_461 {strides = array<i32>} : memref<64x128xf32, #tpu.memory_space<vmem>>, vector<1x16xf32>,
        %get3A_462 = arith.index_cast %scan3A_451 : i32 to index
        %get3A_463 = arith.constant 16 : index
        %get3A_464 = tpu.vector_load %arg11[%get3A_462, %get3A_463] {strides = array<i32>} : memref<64x128xf32, #tpu.memory_space<vmem>>, vector<1x16xf32>,
        %get3A_465 = vector.shape_cast %get3A_464 : vector<1x16xf32> to vector<16xf32>
        %mul3A_466 = arith.constant 11.3137083 : f32
        %mul3A_467 = vector.broadcast %mul3A_466 : f32 to vector<16xf32>
        %mul3A_468 = arith.mulf %get3A_465, %mul3A_467 : vector<16xf32>
        %swap3A_469 = arith.index_cast %scan3A_451 : i32 to index
        %swap3A_470 = arith.constant 16 : index
        %swap3A_471 = tpu.vector_load %arg17[%swap3A_469, %swap3A_470] {strides = array<i32>} : memref<64x128xf32, #tpu.memory_space<vmem>>, vector<1x16xf32>,
        %swap3A_472 = vector.shape_cast %swap3A_471 : vector<1x16xf32> to vector<16xf32>
        %swap3A_473 = vector.shape_cast %mul3A_468 : vector<16xf32> to vector<1x16xf32>
        tpu.vector_store %arg17[%swap3A_469, %swap3A_470], %swap3A_473 {strides = array<i32>} : memref<64x128xf32, #tpu.memory_space<vmem>>, vector<1x16xf32>,
        %get3A_474 = arith.index_cast %scan3A_451 : i32 to index
        %get3A_475 = arith.constant 32 : index
        %get3A_476 = tpu.vector_load %arg11[%get3A_474, %get3A_475] {strides = array<i32>} : memref<64x128xf32, #tpu.memory_space<vmem>>, vector<1x16xf32>,
        %get3A_477 = vector.shape_cast %get3A_476 : vector<1x16xf32> to vector<16xf32>
        %mul3A_478 = arith.constant 11.3137083 : f32
        %mul3A_479 = vector.broadcast %mul3A_478 : f32 to vector<16xf32>
        %mul3A_480 = arith.mulf %get3A_477, %mul3A_479 : vector<16xf32>
        %swap3A_481 = arith.index_cast %scan3A_451 : i32 to index
        %swap3A_482 = arith.constant 32 : index
        %swap3A_483 = tpu.vector_load %arg17[%swap3A_481, %swap3A_482] {strides = array<i32>} : memref<64x128xf32, #tpu.memory_space<vmem>>, vector<1x16xf32>,
        %swap3A_484 = vector.shape_cast %swap3A_483 : vector<1x16xf32> to vector<16xf32>
        %swap3A_485 = vector.shape_cast %mul3A_480 : vector<16xf32> to vector<1x16xf32>
        tpu.vector_store %arg17[%swap3A_481, %swap3A_482], %swap3A_485 {strides = array<i32>} : memref<64x128xf32, #tpu.memory_space<vmem>>, vector<1x16xf32>,
        %get3A_486 = arith.index_cast %scan3A_451 : i32 to index
        %get3A_487 = arith.constant 48 : index
        %get3A_488 = tpu.vector_load %arg11[%get3A_486, %get3A_487] {strides = array<i32>} : memref<64x128xf32, #tpu.memory_space<vmem>>, vector<1x16xf32>,
        %get3A_489 = vector.shape_cast %get3A_488 : vector<1x16xf32> to vector<16xf32>
        %mul3A_490 = arith.constant 11.3137083 : f32
        %mul3A_491 = vector.broadcast %mul3A_490 : f32 to vector<16xf32>
        %mul3A_492 = arith.mulf %get3A_489, %mul3A_491 : vector<16xf32>
        %swap3A_493 = arith.index_cast %scan3A_451 : i32 to index
        %swap3A_494 = arith.constant 48 : index
        %swap3A_495 = tpu.vector_load %arg17[%swap3A_493, %swap3A_494] {strides = array<i32>} : memref<64x128xf32, #tpu.memory_space<vmem>>, vector<1x16xf32>,
        %swap3A_496 = vector.shape_cast %swap3A_495 : vector<1x16xf32> to vector<16xf32>
        %swap3A_497 = vector.shape_cast %mul3A_492 : vector<16xf32> to vector<1x16xf32>
        tpu.vector_store %arg17[%swap3A_493, %swap3A_494], %swap3A_497 {strides = array<i32>} : memref<64x128xf32, #tpu.memory_space<vmem>>, vector<1x16xf32>,
        %get3A_498 = arith.index_cast %scan3A_451 : i32 to index
        %get3A_499 = arith.constant 64 : index
        %get3A_500 = tpu.vector_load %arg11[%get3A_498, %get3A_499] {strides = array<i32>} : memref<64x128xf32, #tpu.memory_space<vmem>>, vector<1x16xf32>,
        %get3A_501 = vector.shape_cast %get3A_500 : vector<1x16xf32> to vector<16xf32>
        %mul3A_502 = arith.constant 11.3137083 : f32
        %mul3A_503 = vector.broadcast %mul3A_502 : f32 to vector<16xf32>
        %mul3A_504 = arith.mulf %get3A_501, %mul3A_503 : vector<16xf32>
        %swap3A_505 = arith.index_cast %scan3A_451 : i32 to index
        %swap3A_506 = arith.constant 64 : index
        %swap3A_507 = tpu.vector_load %arg17[%swap3A_505, %swap3A_506] {strides = array<i32>} : memref<64x128xf32, #tpu.memory_space<vmem>>, vector<1x16xf32>,
        %swap3A_508 = vector.shape_cast %swap3A_507 : vector<1x16xf32> to vector<16xf32>
        %swap3A_509 = vector.shape_cast %mul3A_504 : vector<16xf32> to vector<1x16xf32>
        tpu.vector_store %arg17[%swap3A_505, %swap3A_506], %swap3A_509 {strides = array<i32>} : memref<64x128xf32, #tpu.memory_space<vmem>>, vector<1x16xf32>,
        %get3A_510 = arith.index_cast %scan3A_451 : i32 to index
        %get3A_511 = arith.constant 80 : index
        %get3A_512 = tpu.vector_load %arg11[%get3A_510, %get3A_511] {strides = array<i32>} : memref<64x128xf32, #tpu.memory_space<vmem>>, vector<1x16xf32>,
        %get3A_513 = vector.shape_cast %get3A_512 : vector<1x16xf32> to vector<16xf32>
        %mul3A_514 = arith.constant 11.3137083 : f32
        %mul3A_515 = vector.broadcast %mul3A_514 : f32 to vector<16xf32>
        %mul3A_516 = arith.mulf %get3A_513, %mul3A_515 : vector<16xf32>
        %swap3A_517 = arith.index_cast %scan3A_451 : i32 to index
        %swap3A_518 = arith.constant 80 : index
        %swap3A_519 = tpu.vector_load %arg17[%swap3A_517, %swap3A_518] {strides = array<i32>} : memref<64x128xf32, #tpu.memory_space<vmem>>, vector<1x16xf32>,
        %swap3A_520 = vector.shape_cast %swap3A_519 : vector<1x16xf32> to vector<16xf32>
        %swap3A_521 = vector.shape_cast %mul3A_516 : vector<16xf32> to vector<1x16xf32>
        tpu.vector_store %arg17[%swap3A_517, %swap3A_518], %swap3A_521 {strides = array<i32>} : memref<64x128xf32, #tpu.memory_space<vmem>>, vector<1x16xf32>,
        %get3A_522 = arith.index_cast %scan3A_451 : i32 to index
        %get3A_523 = arith.constant 96 : index
        %get3A_524 = tpu.vector_load %arg11[%get3A_522, %get3A_523] {strides = array<i32>} : memref<64x128xf32, #tpu.memory_space<vmem>>, vector<1x16xf32>,
        %get3A_525 = vector.shape_cast %get3A_524 : vector<1x16xf32> to vector<16xf32>
        %mul3A_526 = arith.constant 11.3137083 : f32
        %mul3A_527 = vector.broadcast %mul3A_526 : f32 to vector<16xf32>
        %mul3A_528 = arith.mulf %get3A_525, %mul3A_527 : vector<16xf32>
        %swap3A_529 = arith.index_cast %scan3A_451 : i32 to index
        %swap3A_530 = arith.constant 96 : index
        %swap3A_531 = tpu.vector_load %arg17[%swap3A_529, %swap3A_530] {strides = array<i32>} : memref<64x128xf32, #tpu.memory_space<vmem>>, vector<1x16xf32>,
        %swap3A_532 = vector.shape_cast %swap3A_531 : vector<1x16xf32> to vector<16xf32>
        %swap3A_533 = vector.shape_cast %mul3A_528 : vector<16xf32> to vector<1x16xf32>
        tpu.vector_store %arg17[%swap3A_529, %swap3A_530], %swap3A_533 {strides = array<i32>} : memref<64x128xf32, #tpu.memory_space<vmem>>, vector<1x16xf32>,
        %get3A_534 = arith.index_cast %scan3A_451 : i32 to index
        %get3A_535 = arith.constant 112 : index
        %get3A_536 = tpu.vector_load %arg11[%get3A_534, %get3A_535] {strides = array<i32>} : memref<64x128xf32, #tpu.memory_space<vmem>>, vector<1x16xf32>,
        %get3A_537 = vector.shape_cast %get3A_536 : vector<1x16xf32> to vector<16xf32>
        %mul3A_538 = arith.constant 11.3137083 : f32
        %mul3A_539 = vector.broadcast %mul3A_538 : f32 to vector<16xf32>
        %mul3A_540 = arith.mulf %get3A_537, %mul3A_539 : vector<16xf32>
        %swap3A_541 = arith.index_cast %scan3A_451 : i32 to index
        %swap3A_542 = arith.constant 112 : index
        %swap3A_543 = tpu.vector_load %arg17[%swap3A_541, %swap3A_542] {strides = array<i32>} : memref<64x128xf32, #tpu.memory_space<vmem>>, vector<1x16xf32>,
        %swap3A_544 = vector.shape_cast %swap3A_543 : vector<1x16xf32> to vector<16xf32>
        %swap3A_545 = vector.shape_cast %mul3A_540 : vector<16xf32> to vector<1x16xf32>
        tpu.vector_store %arg17[%swap3A_541, %swap3A_542], %swap3A_545 {strides = array<i32>} : memref<64x128xf32, #tpu.memory_space<vmem>>, vector<1x16xf32>,
      }
      %scan3A_436 = arith.constant 64 : i32
      %add3A_437 = arith.constant 6 : i32
      %add3A_438 = arith.addi %add3A_419, %add3A_437 : i32
      %lt3A_439 = arith.constant 100 : i32
      %lt3A_440 = arith.cmpi slt, %add3A_438, %lt3A_439 : i32
      %convert_element_type3A_441 = arith.extui %lt3A_440 : i1 to i32
      %cond3A_442 = arith.constant 0 : i32
      %cond3A_443 = arith.cmpi ne, %convert_element_type3A_441, %cond3A_442 : i32
      scf.if %cond3A_443 {
        %add3A_451 = arith.constant 6 : i32
        %add3A_452 = arith.addi %add3A_419, %add3A_451 : i32
        %dma_start3A_453 = arith.constant 0 : i32
        %dma_start3A_454 = tpu.memref_slice %arg5[%add3A_452, %dma_start3A_453] : memref<100x64xi32, #tpu.memory_space<vmem>> -> memref<1x64xi32, #tpu.memory_space<vmem>>
        %dma_start3A_455 = tpu.memref_squeeze %dma_start3A_454 : memref<1x64xi32, #tpu.memory_space<vmem>> -> memref<64xi32, #tpu.memory_space<vmem>>
        %dma_start3A_456 = arith.constant 0 : i32
        %dma_start3A_457 = arith.constant 0 : i32
        %dma_start3A_458 = tpu.memref_slice %arg3[%dma_start3A_456, %dma_start3A_457] : memref<100000x128xf32, #tpu.memory_space<hbm>> -> memref<100000x128xf32, #tpu.memory_space<hbm>>
        tpu.enqueue_indirect_dma source(%dma_start3A_458 : memref<100000x128xf32, #tpu.memory_space<hbm>>) target(%arg11 : memref<64x128xf32, #tpu.memory_space<vmem>>) offsets(%dma_start3A_455 : memref<64xi32, #tpu.memory_space<vmem>>) semaphore(%arg23 : memref<!tpu.dma_semaphore, #tpu.memory_space<semaphore_mem>>)
      } else {
      }
      %mul3A_444 = arith.constant 64 : i32
      %mul3A_445 = arith.muli %add3A_419, %mul3A_444 : i32
      %add3A_446 = arith.addi %mul3A_2, %mul3A_445 : i32
      %dma_start3A_447 = arith.constant 0 : i32
      %dma_start3A_448 = tpu.memref_slice %arg4[%add3A_446, %dma_start3A_447] : memref<204800x128xf32, #tpu.memory_space<hbm>> -> memref<64x128xf32, #tpu.memory_space<hbm>>
      %dma_start3A_449 = arith.constant 0 : i32
      %dma_start3A_450 = tpu.memref_slice %arg4[%add3A_446, %dma_start3A_449] : memref<204800x128xf32, #tpu.memory_space<hbm>> -> memref<64x128xf32, #tpu.memory_space<hbm>>
      tpu.enqueue_dma source(%arg17 : memref<64x128xf32, #tpu.memory_space<vmem>>) target(%dma_start3A_450 : memref<64x128xf32, #tpu.memory_space<hbm>>) target_semaphore(%arg29 : memref<!tpu.dma_semaphore, #tpu.memory_space<semaphore_mem>>)
    }
    %scan3A_48 = arith.constant 16 : i32
    %dma_wait3A = arith.constant 96 : i32
    %dma_wait3A_49 = arith.constant 0 : i32
    %dma_wait3A_50 = tpu.memref_slice %arg5[%dma_wait3A, %dma_wait3A_49] : memref<100x64xi32, #tpu.memory_space<vmem>> -> memref<1x64xi32, #tpu.memory_space<vmem>>
    %dma_wait3A_51 = tpu.memref_squeeze %dma_wait3A_50 : memref<1x64xi32, #tpu.memory_space<vmem>> -> memref<64xi32, #tpu.memory_space<vmem>>
    %dma_wait3A_52 = arith.constant 0 : i32
    %dma_wait3A_53 = arith.constant 0 : i32
    %dma_wait3A_54 = tpu.memref_slice %arg3[%dma_wait3A_52, %dma_wait3A_53] : memref<100000x128xf32, #tpu.memory_space<hbm>> -> memref<100000x128xf32, #tpu.memory_space<hbm>>
    tpu.wait_indirect_dma semaphore(%arg18 : memref<!tpu.dma_semaphore, #tpu.memory_space<semaphore_mem>>) src(%dma_wait3A_54 : memref<100000x128xf32, #tpu.memory_space<hbm>>) dst(%arg6 : memref<64x128xf32, #tpu.memory_space<vmem>>)
    %ge3A = arith.constant 96 : i32
    %ge3A_55 = arith.constant 6 : i32
    %ge3A_56 = arith.cmpi sge, %ge3A, %ge3A_55 : i32
    %convert_element_type3A = arith.extui %ge3A_56 : i1 to i32
    %cond3A = arith.constant 96 : i32
    %cond3A_57 = arith.constant 0 : i32
    %cond3A_58 = arith.cmpi ne, %convert_element_type3A, %cond3A_57 : i32
    scf.if %cond3A_58 {
      %sub3A = arith.constant 6 : i32
      %sub3A_240 = arith.subi %cond3A, %sub3A : i32
      %mul3A_241 = arith.constant 64 : i32
      %mul3A_242 = arith.muli %sub3A_240, %mul3A_241 : i32
      %add3A_243 = arith.addi %mul3A_2, %mul3A_242 : i32
      %dma_wait3A_244 = arith.constant 0 : i32
      %dma_wait3A_245 = tpu.memref_slice %arg4[%add3A_243, %dma_wait3A_244] : memref<204800x128xf32, #tpu.memory_space<hbm>> -> memref<64x128xf32, #tpu.memory_space<hbm>>
      %dma_wait3A_246 = arith.constant 0 : i32
      %dma_wait3A_247 = tpu.memref_slice %arg4[%add3A_243, %dma_wait3A_246] : memref<204800x128xf32, #tpu.memory_space<hbm>> -> memref<64x128xf32, #tpu.memory_space<hbm>>
      tpu.wait_dma2 semaphore(%arg24 : memref<!tpu.dma_semaphore, #tpu.memory_space<semaphore_mem>>) src(%arg12 : memref<64x128xf32, #tpu.memory_space<vmem>>) dst(%dma_wait3A_247 : memref<64x128xf32, #tpu.memory_space<hbm>>)
    } else {
    }
    %scan3A_59 = arith.constant 0 : i32
    %scan3A_60 = arith.constant 0 : i32
    %scan3A_61 = arith.constant 64 : i32
    %scan3A_62 = arith.addi %scan3A_60, %scan3A_61 : i32
    %scan3A_63 = arith.constant 1 : i32
    scf.for %scan3A_240 = %scan3A_60 to %scan3A_62 step %scan3A_63  : i32 {
      %get3A = arith.index_cast %scan3A_240 : i32 to index
      %get3A_241 = arith.constant 0 : index
      %get3A_242 = tpu.vector_load %arg6[%get3A, %get3A_241] {strides = array<i32>} : memref<64x128xf32, #tpu.memory_space<vmem>>, vector<1x16xf32>,
      %get3A_243 = vector.shape_cast %get3A_242 : vector<1x16xf32> to vector<16xf32>
      %mul3A_244 = arith.constant 11.3137083 : f32
      %mul3A_245 = vector.broadcast %mul3A_244 : f32 to vector<16xf32>
      %mul3A_246 = arith.mulf %get3A_243, %mul3A_245 : vector<16xf32>
      %swap3A = arith.index_cast %scan3A_240 : i32 to index
      %swap3A_247 = arith.constant 0 : index
      %swap3A_248 = tpu.vector_load %arg12[%swap3A, %swap3A_247] {strides = array<i32>} : memref<64x128xf32, #tpu.memory_space<vmem>>, vector<1x16xf32>,
      %swap3A_249 = vector.shape_cast %swap3A_248 : vector<1x16xf32> to vector<16xf32>
      %swap3A_250 = vector.shape_cast %mul3A_246 : vector<16xf32> to vector<1x16xf32>
      tpu.vector_store %arg12[%swap3A, %swap3A_247], %swap3A_250 {strides = array<i32>} : memref<64x128xf32, #tpu.memory_space<vmem>>, vector<1x16xf32>,
      %get3A_251 = arith.index_cast %scan3A_240 : i32 to index
      %get3A_252 = arith.constant 16 : index
      %get3A_253 = tpu.vector_load %arg6[%get3A_251, %get3A_252] {strides = array<i32>} : memref<64x128xf32, #tpu.memory_space<vmem>>, vector<1x16xf32>,
      %get3A_254 = vector.shape_cast %get3A_253 : vector<1x16xf32> to vector<16xf32>
      %mul3A_255 = arith.constant 11.3137083 : f32
      %mul3A_256 = vector.broadcast %mul3A_255 : f32 to vector<16xf32>
      %mul3A_257 = arith.mulf %get3A_254, %mul3A_256 : vector<16xf32>
      %swap3A_258 = arith.index_cast %scan3A_240 : i32 to index
      %swap3A_259 = arith.constant 16 : index
      %swap3A_260 = tpu.vector_load %arg12[%swap3A_258, %swap3A_259] {strides = array<i32>} : memref<64x128xf32, #tpu.memory_space<vmem>>, vector<1x16xf32>,
      %swap3A_261 = vector.shape_cast %swap3A_260 : vector<1x16xf32> to vector<16xf32>
      %swap3A_262 = vector.shape_cast %mul3A_257 : vector<16xf32> to vector<1x16xf32>
      tpu.vector_store %arg12[%swap3A_258, %swap3A_259], %swap3A_262 {strides = array<i32>} : memref<64x128xf32, #tpu.memory_space<vmem>>, vector<1x16xf32>,
      %get3A_263 = arith.index_cast %scan3A_240 : i32 to index
      %get3A_264 = arith.constant 32 : index
      %get3A_265 = tpu.vector_load %arg6[%get3A_263, %get3A_264] {strides = array<i32>} : memref<64x128xf32, #tpu.memory_space<vmem>>, vector<1x16xf32>,
      %get3A_266 = vector.shape_cast %get3A_265 : vector<1x16xf32> to vector<16xf32>
      %mul3A_267 = arith.constant 11.3137083 : f32
      %mul3A_268 = vector.broadcast %mul3A_267 : f32 to vector<16xf32>
      %mul3A_269 = arith.mulf %get3A_266, %mul3A_268 : vector<16xf32>
      %swap3A_270 = arith.index_cast %scan3A_240 : i32 to index
      %swap3A_271 = arith.constant 32 : index
      %swap3A_272 = tpu.vector_load %arg12[%swap3A_270, %swap3A_271] {strides = array<i32>} : memref<64x128xf32, #tpu.memory_space<vmem>>, vector<1x16xf32>,
      %swap3A_273 = vector.shape_cast %swap3A_272 : vector<1x16xf32> to vector<16xf32>
      %swap3A_274 = vector.shape_cast %mul3A_269 : vector<16xf32> to vector<1x16xf32>
      tpu.vector_store %arg12[%swap3A_270, %swap3A_271], %swap3A_274 {strides = array<i32>} : memref<64x128xf32, #tpu.memory_space<vmem>>, vector<1x16xf32>,
      %get3A_275 = arith.index_cast %scan3A_240 : i32 to index
      %get3A_276 = arith.constant 48 : index
      %get3A_277 = tpu.vector_load %arg6[%get3A_275, %get3A_276] {strides = array<i32>} : memref<64x128xf32, #tpu.memory_space<vmem>>, vector<1x16xf32>,
      %get3A_278 = vector.shape_cast %get3A_277 : vector<1x16xf32> to vector<16xf32>
      %mul3A_279 = arith.constant 11.3137083 : f32
      %mul3A_280 = vector.broadcast %mul3A_279 : f32 to vector<16xf32>
      %mul3A_281 = arith.mulf %get3A_278, %mul3A_280 : vector<16xf32>
      %swap3A_282 = arith.index_cast %scan3A_240 : i32 to index
      %swap3A_283 = arith.constant 48 : index
      %swap3A_284 = tpu.vector_load %arg12[%swap3A_282, %swap3A_283] {strides = array<i32>} : memref<64x128xf32, #tpu.memory_space<vmem>>, vector<1x16xf32>,
      %swap3A_285 = vector.shape_cast %swap3A_284 : vector<1x16xf32> to vector<16xf32>
      %swap3A_286 = vector.shape_cast %mul3A_281 : vector<16xf32> to vector<1x16xf32>
      tpu.vector_store %arg12[%swap3A_282, %swap3A_283], %swap3A_286 {strides = array<i32>} : memref<64x128xf32, #tpu.memory_space<vmem>>, vector<1x16xf32>,
      %get3A_287 = arith.index_cast %scan3A_240 : i32 to index
      %get3A_288 = arith.constant 64 : index
      %get3A_289 = tpu.vector_load %arg6[%get3A_287, %get3A_288] {strides = array<i32>} : memref<64x128xf32, #tpu.memory_space<vmem>>, vector<1x16xf32>,
      %get3A_290 = vector.shape_cast %get3A_289 : vector<1x16xf32> to vector<16xf32>
      %mul3A_291 = arith.constant 11.3137083 : f32
      %mul3A_292 = vector.broadcast %mul3A_291 : f32 to vector<16xf32>
      %mul3A_293 = arith.mulf %get3A_290, %mul3A_292 : vector<16xf32>
      %swap3A_294 = arith.index_cast %scan3A_240 : i32 to index
      %swap3A_295 = arith.constant 64 : index
      %swap3A_296 = tpu.vector_load %arg12[%swap3A_294, %swap3A_295] {strides = array<i32>} : memref<64x128xf32, #tpu.memory_space<vmem>>, vector<1x16xf32>,
      %swap3A_297 = vector.shape_cast %swap3A_296 : vector<1x16xf32> to vector<16xf32>
      %swap3A_298 = vector.shape_cast %mul3A_293 : vector<16xf32> to vector<1x16xf32>
      tpu.vector_store %arg12[%swap3A_294, %swap3A_295], %swap3A_298 {strides = array<i32>} : memref<64x128xf32, #tpu.memory_space<vmem>>, vector<1x16xf32>,
      %get3A_299 = arith.index_cast %scan3A_240 : i32 to index
      %get3A_300 = arith.constant 80 : index
      %get3A_301 = tpu.vector_load %arg6[%get3A_299, %get3A_300] {strides = array<i32>} : memref<64x128xf32, #tpu.memory_space<vmem>>, vector<1x16xf32>,
      %get3A_302 = vector.shape_cast %get3A_301 : vector<1x16xf32> to vector<16xf32>
      %mul3A_303 = arith.constant 11.3137083 : f32
      %mul3A_304 = vector.broadcast %mul3A_303 : f32 to vector<16xf32>
      %mul3A_305 = arith.mulf %get3A_302, %mul3A_304 : vector<16xf32>
      %swap3A_306 = arith.index_cast %scan3A_240 : i32 to index
      %swap3A_307 = arith.constant 80 : index
      %swap3A_308 = tpu.vector_load %arg12[%swap3A_306, %swap3A_307] {strides = array<i32>} : memref<64x128xf32, #tpu.memory_space<vmem>>, vector<1x16xf32>,
      %swap3A_309 = vector.shape_cast %swap3A_308 : vector<1x16xf32> to vector<16xf32>
      %swap3A_310 = vector.shape_cast %mul3A_305 : vector<16xf32> to vector<1x16xf32>
      tpu.vector_store %arg12[%swap3A_306, %swap3A_307], %swap3A_310 {strides = array<i32>} : memref<64x128xf32, #tpu.memory_space<vmem>>, vector<1x16xf32>,
      %get3A_311 = arith.index_cast %scan3A_240 : i32 to index
      %get3A_312 = arith.constant 96 : index
      %get3A_313 = tpu.vector_load %arg6[%get3A_311, %get3A_312] {strides = array<i32>} : memref<64x128xf32, #tpu.memory_space<vmem>>, vector<1x16xf32>,
      %get3A_314 = vector.shape_cast %get3A_313 : vector<1x16xf32> to vector<16xf32>
      %mul3A_315 = arith.constant 11.3137083 : f32
      %mul3A_316 = vector.broadcast %mul3A_315 : f32 to vector<16xf32>
      %mul3A_317 = arith.mulf %get3A_314, %mul3A_316 : vector<16xf32>
      %swap3A_318 = arith.index_cast %scan3A_240 : i32 to index
      %swap3A_319 = arith.constant 96 : index
      %swap3A_320 = tpu.vector_load %arg12[%swap3A_318, %swap3A_319] {strides = array<i32>} : memref<64x128xf32, #tpu.memory_space<vmem>>, vector<1x16xf32>,
      %swap3A_321 = vector.shape_cast %swap3A_320 : vector<1x16xf32> to vector<16xf32>
      %swap3A_322 = vector.shape_cast %mul3A_317 : vector<16xf32> to vector<1x16xf32>
      tpu.vector_store %arg12[%swap3A_318, %swap3A_319], %swap3A_322 {strides = array<i32>} : memref<64x128xf32, #tpu.memory_space<vmem>>, vector<1x16xf32>,
      %get3A_323 = arith.index_cast %scan3A_240 : i32 to index
      %get3A_324 = arith.constant 112 : index
      %get3A_325 = tpu.vector_load %arg6[%get3A_323, %get3A_324] {strides = array<i32>} : memref<64x128xf32, #tpu.memory_space<vmem>>, vector<1x16xf32>,
      %get3A_326 = vector.shape_cast %get3A_325 : vector<1x16xf32> to vector<16xf32>
      %mul3A_327 = arith.constant 11.3137083 : f32
      %mul3A_328 = vector.broadcast %mul3A_327 : f32 to vector<16xf32>
      %mul3A_329 = arith.mulf %get3A_326, %mul3A_328 : vector<16xf32>
      %swap3A_330 = arith.index_cast %scan3A_240 : i32 to index
      %swap3A_331 = arith.constant 112 : index
      %swap3A_332 = tpu.vector_load %arg12[%swap3A_330, %swap3A_331] {strides = array<i32>} : memref<64x128xf32, #tpu.memory_space<vmem>>, vector<1x16xf32>,
      %swap3A_333 = vector.shape_cast %swap3A_332 : vector<1x16xf32> to vector<16xf32>
      %swap3A_334 = vector.shape_cast %mul3A_329 : vector<16xf32> to vector<1x16xf32>
      tpu.vector_store %arg12[%swap3A_330, %swap3A_331], %swap3A_334 {strides = array<i32>} : memref<64x128xf32, #tpu.memory_space<vmem>>, vector<1x16xf32>,
    }
    %scan3A_64 = arith.constant 64 : i32
    %add3A_65 = arith.constant 96 : i32
    %add3A_66 = arith.constant 6 : i32
    %add3A_67 = arith.addi %add3A_65, %add3A_66 : i32
    %lt3A = arith.constant 100 : i32
    %lt3A_68 = arith.cmpi slt, %add3A_67, %lt3A : i32
    %convert_element_type3A_69 = arith.extui %lt3A_68 : i1 to i32
    %cond3A_70 = arith.constant 96 : i32
    %cond3A_71 = arith.constant 0 : i32
    %cond3A_72 = arith.cmpi ne, %convert_element_type3A_69, %cond3A_71 : i32
    scf.if %cond3A_72 {
      %add3A_240 = arith.constant 6 : i32
      %add3A_241 = arith.addi %cond3A_70, %add3A_240 : i32
      %dma_start3A_242 = arith.constant 0 : i32
      %dma_start3A_243 = tpu.memref_slice %arg5[%add3A_241, %dma_start3A_242] : memref<100x64xi32, #tpu.memory_space<vmem>> -> memref<1x64xi32, #tpu.memory_space<vmem>>
      %dma_start3A_244 = tpu.memref_squeeze %dma_start3A_243 : memref<1x64xi32, #tpu.memory_space<vmem>> -> memref<64xi32, #tpu.memory_space<vmem>>
      %dma_start3A_245 = arith.constant 0 : i32
      %dma_start3A_246 = arith.constant 0 : i32
      %dma_start3A_247 = tpu.memref_slice %arg3[%dma_start3A_245, %dma_start3A_246] : memref<100000x128xf32, #tpu.memory_space<hbm>> -> memref<100000x128xf32, #tpu.memory_space<hbm>>
      tpu.enqueue_indirect_dma source(%dma_start3A_247 : memref<100000x128xf32, #tpu.memory_space<hbm>>) target(%arg6 : memref<64x128xf32, #tpu.memory_space<vmem>>) offsets(%dma_start3A_244 : memref<64xi32, #tpu.memory_space<vmem>>) semaphore(%arg18 : memref<!tpu.dma_semaphore, #tpu.memory_space<semaphore_mem>>)
    } else {
    }
    %mul3A_73 = arith.constant 96 : i32
    %mul3A_74 = arith.constant 64 : i32
    %mul3A_75 = arith.muli %mul3A_73, %mul3A_74 : i32
    %add3A_76 = arith.addi %mul3A_2, %mul3A_75 : i32
    %dma_start3A_77 = arith.constant 0 : i32
    %dma_start3A_78 = tpu.memref_slice %arg4[%add3A_76, %dma_start3A_77] : memref<204800x128xf32, #tpu.memory_space<hbm>> -> memref<64x128xf32, #tpu.memory_space<hbm>>
    %dma_start3A_79 = arith.constant 0 : i32
    %dma_start3A_80 = tpu.memref_slice %arg4[%add3A_76, %dma_start3A_79] : memref<204800x128xf32, #tpu.memory_space<hbm>> -> memref<64x128xf32, #tpu.memory_space<hbm>>
    tpu.enqueue_dma source(%arg12 : memref<64x128xf32, #tpu.memory_space<vmem>>) target(%dma_start3A_80 : memref<64x128xf32, #tpu.memory_space<hbm>>) target_semaphore(%arg24 : memref<!tpu.dma_semaphore, #tpu.memory_space<semaphore_mem>>)
    %dma_wait3A_81 = arith.constant 97 : i32
    %dma_wait3A_82 = arith.constant 0 : i32
    %dma_wait3A_83 = tpu.memref_slice %arg5[%dma_wait3A_81, %dma_wait3A_82] : memref<100x64xi32, #tpu.memory_space<vmem>> -> memref<1x64xi32, #tpu.memory_space<vmem>>
    %dma_wait3A_84 = tpu.memref_squeeze %dma_wait3A_83 : memref<1x64xi32, #tpu.memory_space<vmem>> -> memref<64xi32, #tpu.memory_space<vmem>>
    %dma_wait3A_85 = arith.constant 0 : i32
    %dma_wait3A_86 = arith.constant 0 : i32
    %dma_wait3A_87 = tpu.memref_slice %arg3[%dma_wait3A_85, %dma_wait3A_86] : memref<100000x128xf32, #tpu.memory_space<hbm>> -> memref<100000x128xf32, #tpu.memory_space<hbm>>
    tpu.wait_indirect_dma semaphore(%arg19 : memref<!tpu.dma_semaphore, #tpu.memory_space<semaphore_mem>>) src(%dma_wait3A_87 : memref<100000x128xf32, #tpu.memory_space<hbm>>) dst(%arg7 : memref<64x128xf32, #tpu.memory_space<vmem>>)
    %ge3A_88 = arith.constant 97 : i32
    %ge3A_89 = arith.constant 6 : i32
    %ge3A_90 = arith.cmpi sge, %ge3A_88, %ge3A_89 : i32
    %convert_element_type3A_91 = arith.extui %ge3A_90 : i1 to i32
    %cond3A_92 = arith.constant 97 : i32
    %cond3A_93 = arith.constant 0 : i32
    %cond3A_94 = arith.cmpi ne, %convert_element_type3A_91, %cond3A_93 : i32
    scf.if %cond3A_94 {
      %sub3A = arith.constant 6 : i32
      %sub3A_240 = arith.subi %cond3A_92, %sub3A : i32
      %mul3A_241 = arith.constant 64 : i32
      %mul3A_242 = arith.muli %sub3A_240, %mul3A_241 : i32
      %add3A_243 = arith.addi %mul3A_2, %mul3A_242 : i32
      %dma_wait3A_244 = arith.constant 0 : i32
      %dma_wait3A_245 = tpu.memref_slice %arg4[%add3A_243, %dma_wait3A_244] : memref<204800x128xf32, #tpu.memory_space<hbm>> -> memref<64x128xf32, #tpu.memory_space<hbm>>
      %dma_wait3A_246 = arith.constant 0 : i32
      %dma_wait3A_247 = tpu.memref_slice %arg4[%add3A_243, %dma_wait3A_246] : memref<204800x128xf32, #tpu.memory_space<hbm>> -> memref<64x128xf32, #tpu.memory_space<hbm>>
      tpu.wait_dma2 semaphore(%arg25 : memref<!tpu.dma_semaphore, #tpu.memory_space<semaphore_mem>>) src(%arg13 : memref<64x128xf32, #tpu.memory_space<vmem>>) dst(%dma_wait3A_247 : memref<64x128xf32, #tpu.memory_space<hbm>>)
    } else {
    }
    %scan3A_95 = arith.constant 0 : i32
    %scan3A_96 = arith.constant 0 : i32
    %scan3A_97 = arith.constant 64 : i32
    %scan3A_98 = arith.addi %scan3A_96, %scan3A_97 : i32
    %scan3A_99 = arith.constant 1 : i32
    scf.for %scan3A_240 = %scan3A_96 to %scan3A_98 step %scan3A_99  : i32 {
      %get3A = arith.index_cast %scan3A_240 : i32 to index
      %get3A_241 = arith.constant 0 : index
      %get3A_242 = tpu.vector_load %arg7[%get3A, %get3A_241] {strides = array<i32>} : memref<64x128xf32, #tpu.memory_space<vmem>>, vector<1x16xf32>,
      %get3A_243 = vector.shape_cast %get3A_242 : vector<1x16xf32> to vector<16xf32>
      %mul3A_244 = arith.constant 11.3137083 : f32
      %mul3A_245 = vector.broadcast %mul3A_244 : f32 to vector<16xf32>
      %mul3A_246 = arith.mulf %get3A_243, %mul3A_245 : vector<16xf32>
      %swap3A = arith.index_cast %scan3A_240 : i32 to index
      %swap3A_247 = arith.constant 0 : index
      %swap3A_248 = tpu.vector_load %arg13[%swap3A, %swap3A_247] {strides = array<i32>} : memref<64x128xf32, #tpu.memory_space<vmem>>, vector<1x16xf32>,
      %swap3A_249 = vector.shape_cast %swap3A_248 : vector<1x16xf32> to vector<16xf32>
      %swap3A_250 = vector.shape_cast %mul3A_246 : vector<16xf32> to vector<1x16xf32>
      tpu.vector_store %arg13[%swap3A, %swap3A_247], %swap3A_250 {strides = array<i32>} : memref<64x128xf32, #tpu.memory_space<vmem>>, vector<1x16xf32>,
      %get3A_251 = arith.index_cast %scan3A_240 : i32 to index
      %get3A_252 = arith.constant 16 : index
      %get3A_253 = tpu.vector_load %arg7[%get3A_251, %get3A_252] {strides = array<i32>} : memref<64x128xf32, #tpu.memory_space<vmem>>, vector<1x16xf32>,
      %get3A_254 = vector.shape_cast %get3A_253 : vector<1x16xf32> to vector<16xf32>
      %mul3A_255 = arith.constant 11.3137083 : f32
      %mul3A_256 = vector.broadcast %mul3A_255 : f32 to vector<16xf32>
      %mul3A_257 = arith.mulf %get3A_254, %mul3A_256 : vector<16xf32>
      %swap3A_258 = arith.index_cast %scan3A_240 : i32 to index
      %swap3A_259 = arith.constant 16 : index
      %swap3A_260 = tpu.vector_load %arg13[%swap3A_258, %swap3A_259] {strides = array<i32>} : memref<64x128xf32, #tpu.memory_space<vmem>>, vector<1x16xf32>,
      %swap3A_261 = vector.shape_cast %swap3A_260 : vector<1x16xf32> to vector<16xf32>
      %swap3A_262 = vector.shape_cast %mul3A_257 : vector<16xf32> to vector<1x16xf32>
      tpu.vector_store %arg13[%swap3A_258, %swap3A_259], %swap3A_262 {strides = array<i32>} : memref<64x128xf32, #tpu.memory_space<vmem>>, vector<1x16xf32>,
      %get3A_263 = arith.index_cast %scan3A_240 : i32 to index
      %get3A_264 = arith.constant 32 : index
      %get3A_265 = tpu.vector_load %arg7[%get3A_263, %get3A_264] {strides = array<i32>} : memref<64x128xf32, #tpu.memory_space<vmem>>, vector<1x16xf32>,
      %get3A_266 = vector.shape_cast %get3A_265 : vector<1x16xf32> to vector<16xf32>
      %mul3A_267 = arith.constant 11.3137083 : f32
      %mul3A_268 = vector.broadcast %mul3A_267 : f32 to vector<16xf32>
      %mul3A_269 = arith.mulf %get3A_266, %mul3A_268 : vector<16xf32>
      %swap3A_270 = arith.index_cast %scan3A_240 : i32 to index
      %swap3A_271 = arith.constant 32 : index
      %swap3A_272 = tpu.vector_load %arg13[%swap3A_270, %swap3A_271] {strides = array<i32>} : memref<64x128xf32, #tpu.memory_space<vmem>>, vector<1x16xf32>,
      %swap3A_273 = vector.shape_cast %swap3A_272 : vector<1x16xf32> to vector<16xf32>
      %swap3A_274 = vector.shape_cast %mul3A_269 : vector<16xf32> to vector<1x16xf32>
      tpu.vector_store %arg13[%swap3A_270, %swap3A_271], %swap3A_274 {strides = array<i32>} : memref<64x128xf32, #tpu.memory_space<vmem>>, vector<1x16xf32>,
      %get3A_275 = arith.index_cast %scan3A_240 : i32 to index
      %get3A_276 = arith.constant 48 : index
      %get3A_277 = tpu.vector_load %arg7[%get3A_275, %get3A_276] {strides = array<i32>} : memref<64x128xf32, #tpu.memory_space<vmem>>, vector<1x16xf32>,
      %get3A_278 = vector.shape_cast %get3A_277 : vector<1x16xf32> to vector<16xf32>
      %mul3A_279 = arith.constant 11.3137083 : f32
      %mul3A_280 = vector.broadcast %mul3A_279 : f32 to vector<16xf32>
      %mul3A_281 = arith.mulf %get3A_278, %mul3A_280 : vector<16xf32>
      %swap3A_282 = arith.index_cast %scan3A_240 : i32 to index
      %swap3A_283 = arith.constant 48 : index
      %swap3A_284 = tpu.vector_load %arg13[%swap3A_282, %swap3A_283] {strides = array<i32>} : memref<64x128xf32, #tpu.memory_space<vmem>>, vector<1x16xf32>,
      %swap3A_285 = vector.shape_cast %swap3A_284 : vector<1x16xf32> to vector<16xf32>
      %swap3A_286 = vector.shape_cast %mul3A_281 : vector<16xf32> to vector<1x16xf32>
      tpu.vector_store %arg13[%swap3A_282, %swap3A_283], %swap3A_286 {strides = array<i32>} : memref<64x128xf32, #tpu.memory_space<vmem>>, vector<1x16xf32>,
      %get3A_287 = arith.index_cast %scan3A_240 : i32 to index
      %get3A_288 = arith.constant 64 : index
      %get3A_289 = tpu.vector_load %arg7[%get3A_287, %get3A_288] {strides = array<i32>} : memref<64x128xf32, #tpu.memory_space<vmem>>, vector<1x16xf32>,
      %get3A_290 = vector.shape_cast %get3A_289 : vector<1x16xf32> to vector<16xf32>
      %mul3A_291 = arith.constant 11.3137083 : f32
      %mul3A_292 = vector.broadcast %mul3A_291 : f32 to vector<16xf32>
      %mul3A_293 = arith.mulf %get3A_290, %mul3A_292 : vector<16xf32>
      %swap3A_294 = arith.index_cast %scan3A_240 : i32 to index
      %swap3A_295 = arith.constant 64 : index
      %swap3A_296 = tpu.vector_load %arg13[%swap3A_294, %swap3A_295] {strides = array<i32>} : memref<64x128xf32, #tpu.memory_space<vmem>>, vector<1x16xf32>,
      %swap3A_297 = vector.shape_cast %swap3A_296 : vector<1x16xf32> to vector<16xf32>
      %swap3A_298 = vector.shape_cast %mul3A_293 : vector<16xf32> to vector<1x16xf32>
      tpu.vector_store %arg13[%swap3A_294, %swap3A_295], %swap3A_298 {strides = array<i32>} : memref<64x128xf32, #tpu.memory_space<vmem>>, vector<1x16xf32>,
      %get3A_299 = arith.index_cast %scan3A_240 : i32 to index
      %get3A_300 = arith.constant 80 : index
      %get3A_301 = tpu.vector_load %arg7[%get3A_299, %get3A_300] {strides = array<i32>} : memref<64x128xf32, #tpu.memory_space<vmem>>, vector<1x16xf32>,
      %get3A_302 = vector.shape_cast %get3A_301 : vector<1x16xf32> to vector<16xf32>
      %mul3A_303 = arith.constant 11.3137083 : f32
      %mul3A_304 = vector.broadcast %mul3A_303 : f32 to vector<16xf32>
      %mul3A_305 = arith.mulf %get3A_302, %mul3A_304 : vector<16xf32>
      %swap3A_306 = arith.index_cast %scan3A_240 : i32 to index
      %swap3A_307 = arith.constant 80 : index
      %swap3A_308 = tpu.vector_load %arg13[%swap3A_306, %swap3A_307] {strides = array<i32>} : memref<64x128xf32, #tpu.memory_space<vmem>>, vector<1x16xf32>,
      %swap3A_309 = vector.shape_cast %swap3A_308 : vector<1x16xf32> to vector<16xf32>
      %swap3A_310 = vector.shape_cast %mul3A_305 : vector<16xf32> to vector<1x16xf32>
      tpu.vector_store %arg13[%swap3A_306, %swap3A_307], %swap3A_310 {strides = array<i32>} : memref<64x128xf32, #tpu.memory_space<vmem>>, vector<1x16xf32>,
      %get3A_311 = arith.index_cast %scan3A_240 : i32 to index
      %get3A_312 = arith.constant 96 : index
      %get3A_313 = tpu.vector_load %arg7[%get3A_311, %get3A_312] {strides = array<i32>} : memref<64x128xf32, #tpu.memory_space<vmem>>, vector<1x16xf32>,
      %get3A_314 = vector.shape_cast %get3A_313 : vector<1x16xf32> to vector<16xf32>
      %mul3A_315 = arith.constant 11.3137083 : f32
      %mul3A_316 = vector.broadcast %mul3A_315 : f32 to vector<16xf32>
      %mul3A_317 = arith.mulf %get3A_314, %mul3A_316 : vector<16xf32>
      %swap3A_318 = arith.index_cast %scan3A_240 : i32 to index
      %swap3A_319 = arith.constant 96 : index
      %swap3A_320 = tpu.vector_load %arg13[%swap3A_318, %swap3A_319] {strides = array<i32>} : memref<64x128xf32, #tpu.memory_space<vmem>>, vector<1x16xf32>,
      %swap3A_321 = vector.shape_cast %swap3A_320 : vector<1x16xf32> to vector<16xf32>
      %swap3A_322 = vector.shape_cast %mul3A_317 : vector<16xf32> to vector<1x16xf32>
      tpu.vector_store %arg13[%swap3A_318, %swap3A_319], %swap3A_322 {strides = array<i32>} : memref<64x128xf32, #tpu.memory_space<vmem>>, vector<1x16xf32>,
      %get3A_323 = arith.index_cast %scan3A_240 : i32 to index
      %get3A_324 = arith.constant 112 : index
      %get3A_325 = tpu.vector_load %arg7[%get3A_323, %get3A_324] {strides = array<i32>} : memref<64x128xf32, #tpu.memory_space<vmem>>, vector<1x16xf32>,
      %get3A_326 = vector.shape_cast %get3A_325 : vector<1x16xf32> to vector<16xf32>
      %mul3A_327 = arith.constant 11.3137083 : f32
      %mul3A_328 = vector.broadcast %mul3A_327 : f32 to vector<16xf32>
      %mul3A_329 = arith.mulf %get3A_326, %mul3A_328 : vector<16xf32>
      %swap3A_330 = arith.index_cast %scan3A_240 : i32 to index
      %swap3A_331 = arith.constant 112 : index
      %swap3A_332 = tpu.vector_load %arg13[%swap3A_330, %swap3A_331] {strides = array<i32>} : memref<64x128xf32, #tpu.memory_space<vmem>>, vector<1x16xf32>,
      %swap3A_333 = vector.shape_cast %swap3A_332 : vector<1x16xf32> to vector<16xf32>
      %swap3A_334 = vector.shape_cast %mul3A_329 : vector<16xf32> to vector<1x16xf32>
      tpu.vector_store %arg13[%swap3A_330, %swap3A_331], %swap3A_334 {strides = array<i32>} : memref<64x128xf32, #tpu.memory_space<vmem>>, vector<1x16xf32>,
    }
    %scan3A_100 = arith.constant 64 : i32
    %add3A_101 = arith.constant 97 : i32
    %add3A_102 = arith.constant 6 : i32
    %add3A_103 = arith.addi %add3A_101, %add3A_102 : i32
    %lt3A_104 = arith.constant 100 : i32
    %lt3A_105 = arith.cmpi slt, %add3A_103, %lt3A_104 : i32
    %convert_element_type3A_106 = arith.extui %lt3A_105 : i1 to i32
    %cond3A_107 = arith.constant 97 : i32
    %cond3A_108 = arith.constant 0 : i32
    %cond3A_109 = arith.cmpi ne, %convert_element_type3A_106, %cond3A_108 : i32
    scf.if %cond3A_109 {
      %add3A_240 = arith.constant 6 : i32
      %add3A_241 = arith.addi %cond3A_107, %add3A_240 : i32
      %dma_start3A_242 = arith.constant 0 : i32
      %dma_start3A_243 = tpu.memref_slice %arg5[%add3A_241, %dma_start3A_242] : memref<100x64xi32, #tpu.memory_space<vmem>> -> memref<1x64xi32, #tpu.memory_space<vmem>>
      %dma_start3A_244 = tpu.memref_squeeze %dma_start3A_243 : memref<1x64xi32, #tpu.memory_space<vmem>> -> memref<64xi32, #tpu.memory_space<vmem>>
      %dma_start3A_245 = arith.constant 0 : i32
      %dma_start3A_246 = arith.constant 0 : i32
      %dma_start3A_247 = tpu.memref_slice %arg3[%dma_start3A_245, %dma_start3A_246] : memref<100000x128xf32, #tpu.memory_space<hbm>> -> memref<100000x128xf32, #tpu.memory_space<hbm>>
      tpu.enqueue_indirect_dma source(%dma_start3A_247 : memref<100000x128xf32, #tpu.memory_space<hbm>>) target(%arg7 : memref<64x128xf32, #tpu.memory_space<vmem>>) offsets(%dma_start3A_244 : memref<64xi32, #tpu.memory_space<vmem>>) semaphore(%arg19 : memref<!tpu.dma_semaphore, #tpu.memory_space<semaphore_mem>>)
    } else {
    }
    %mul3A_110 = arith.constant 97 : i32
    %mul3A_111 = arith.constant 64 : i32
    %mul3A_112 = arith.muli %mul3A_110, %mul3A_111 : i32
    %add3A_113 = arith.addi %mul3A_2, %mul3A_112 : i32
    %dma_start3A_114 = arith.constant 0 : i32
    %dma_start3A_115 = tpu.memref_slice %arg4[%add3A_113, %dma_start3A_114] : memref<204800x128xf32, #tpu.memory_space<hbm>> -> memref<64x128xf32, #tpu.memory_space<hbm>>
    %dma_start3A_116 = arith.constant 0 : i32
    %dma_start3A_117 = tpu.memref_slice %arg4[%add3A_113, %dma_start3A_116] : memref<204800x128xf32, #tpu.memory_space<hbm>> -> memref<64x128xf32, #tpu.memory_space<hbm>>
    tpu.enqueue_dma source(%arg13 : memref<64x128xf32, #tpu.memory_space<vmem>>) target(%dma_start3A_117 : memref<64x128xf32, #tpu.memory_space<hbm>>) target_semaphore(%arg25 : memref<!tpu.dma_semaphore, #tpu.memory_space<semaphore_mem>>)
    %dma_wait3A_118 = arith.constant 98 : i32
    %dma_wait3A_119 = arith.constant 0 : i32
    %dma_wait3A_120 = tpu.memref_slice %arg5[%dma_wait3A_118, %dma_wait3A_119] : memref<100x64xi32, #tpu.memory_space<vmem>> -> memref<1x64xi32, #tpu.memory_space<vmem>>
    %dma_wait3A_121 = tpu.memref_squeeze %dma_wait3A_120 : memref<1x64xi32, #tpu.memory_space<vmem>> -> memref<64xi32, #tpu.memory_space<vmem>>
    %dma_wait3A_122 = arith.constant 0 : i32
    %dma_wait3A_123 = arith.constant 0 : i32
    %dma_wait3A_124 = tpu.memref_slice %arg3[%dma_wait3A_122, %dma_wait3A_123] : memref<100000x128xf32, #tpu.memory_space<hbm>> -> memref<100000x128xf32, #tpu.memory_space<hbm>>
    tpu.wait_indirect_dma semaphore(%arg20 : memref<!tpu.dma_semaphore, #tpu.memory_space<semaphore_mem>>) src(%dma_wait3A_124 : memref<100000x128xf32, #tpu.memory_space<hbm>>) dst(%arg8 : memref<64x128xf32, #tpu.memory_space<vmem>>)
    %ge3A_125 = arith.constant 98 : i32
    %ge3A_126 = arith.constant 6 : i32
    %ge3A_127 = arith.cmpi sge, %ge3A_125, %ge3A_126 : i32
    %convert_element_type3A_128 = arith.extui %ge3A_127 : i1 to i32
    %cond3A_129 = arith.constant 98 : i32
    %cond3A_130 = arith.constant 0 : i32
    %cond3A_131 = arith.cmpi ne, %convert_element_type3A_128, %cond3A_130 : i32
    scf.if %cond3A_131 {
      %sub3A = arith.constant 6 : i32
      %sub3A_240 = arith.subi %cond3A_129, %sub3A : i32
      %mul3A_241 = arith.constant 64 : i32
      %mul3A_242 = arith.muli %sub3A_240, %mul3A_241 : i32
      %add3A_243 = arith.addi %mul3A_2, %mul3A_242 : i32
      %dma_wait3A_244 = arith.constant 0 : i32
      %dma_wait3A_245 = tpu.memref_slice %arg4[%add3A_243, %dma_wait3A_244] : memref<204800x128xf32, #tpu.memory_space<hbm>> -> memref<64x128xf32, #tpu.memory_space<hbm>>
      %dma_wait3A_246 = arith.constant 0 : i32
      %dma_wait3A_247 = tpu.memref_slice %arg4[%add3A_243, %dma_wait3A_246] : memref<204800x128xf32, #tpu.memory_space<hbm>> -> memref<64x128xf32, #tpu.memory_space<hbm>>
      tpu.wait_dma2 semaphore(%arg26 : memref<!tpu.dma_semaphore, #tpu.memory_space<semaphore_mem>>) src(%arg14 : memref<64x128xf32, #tpu.memory_space<vmem>>) dst(%dma_wait3A_247 : memref<64x128xf32, #tpu.memory_space<hbm>>)
    } else {
    }
    %scan3A_132 = arith.constant 0 : i32
    %scan3A_133 = arith.constant 0 : i32
    %scan3A_134 = arith.constant 64 : i32
    %scan3A_135 = arith.addi %scan3A_133, %scan3A_134 : i32
    %scan3A_136 = arith.constant 1 : i32
    scf.for %scan3A_240 = %scan3A_133 to %scan3A_135 step %scan3A_136  : i32 {
      %get3A = arith.index_cast %scan3A_240 : i32 to index
      %get3A_241 = arith.constant 0 : index
      %get3A_242 = tpu.vector_load %arg8[%get3A, %get3A_241] {strides = array<i32>} : memref<64x128xf32, #tpu.memory_space<vmem>>, vector<1x16xf32>,
      %get3A_243 = vector.shape_cast %get3A_242 : vector<1x16xf32> to vector<16xf32>
      %mul3A_244 = arith.constant 11.3137083 : f32
      %mul3A_245 = vector.broadcast %mul3A_244 : f32 to vector<16xf32>
      %mul3A_246 = arith.mulf %get3A_243, %mul3A_245 : vector<16xf32>
      %swap3A = arith.index_cast %scan3A_240 : i32 to index
      %swap3A_247 = arith.constant 0 : index
      %swap3A_248 = tpu.vector_load %arg14[%swap3A, %swap3A_247] {strides = array<i32>} : memref<64x128xf32, #tpu.memory_space<vmem>>, vector<1x16xf32>,
      %swap3A_249 = vector.shape_cast %swap3A_248 : vector<1x16xf32> to vector<16xf32>
      %swap3A_250 = vector.shape_cast %mul3A_246 : vector<16xf32> to vector<1x16xf32>
      tpu.vector_store %arg14[%swap3A, %swap3A_247], %swap3A_250 {strides = array<i32>} : memref<64x128xf32, #tpu.memory_space<vmem>>, vector<1x16xf32>,
      %get3A_251 = arith.index_cast %scan3A_240 : i32 to index
      %get3A_252 = arith.constant 16 : index
      %get3A_253 = tpu.vector_load %arg8[%get3A_251, %get3A_252] {strides = array<i32>} : memref<64x128xf32, #tpu.memory_space<vmem>>, vector<1x16xf32>,
      %get3A_254 = vector.shape_cast %get3A_253 : vector<1x16xf32> to vector<16xf32>
      %mul3A_255 = arith.constant 11.3137083 : f32
      %mul3A_256 = vector.broadcast %mul3A_255 : f32 to vector<16xf32>
      %mul3A_257 = arith.mulf %get3A_254, %mul3A_256 : vector<16xf32>
      %swap3A_258 = arith.index_cast %scan3A_240 : i32 to index
      %swap3A_259 = arith.constant 16 : index
      %swap3A_260 = tpu.vector_load %arg14[%swap3A_258, %swap3A_259] {strides = array<i32>} : memref<64x128xf32, #tpu.memory_space<vmem>>, vector<1x16xf32>,
      %swap3A_261 = vector.shape_cast %swap3A_260 : vector<1x16xf32> to vector<16xf32>
      %swap3A_262 = vector.shape_cast %mul3A_257 : vector<16xf32> to vector<1x16xf32>
      tpu.vector_store %arg14[%swap3A_258, %swap3A_259], %swap3A_262 {strides = array<i32>} : memref<64x128xf32, #tpu.memory_space<vmem>>, vector<1x16xf32>,
      %get3A_263 = arith.index_cast %scan3A_240 : i32 to index
      %get3A_264 = arith.constant 32 : index
      %get3A_265 = tpu.vector_load %arg8[%get3A_263, %get3A_264] {strides = array<i32>} : memref<64x128xf32, #tpu.memory_space<vmem>>, vector<1x16xf32>,
      %get3A_266 = vector.shape_cast %get3A_265 : vector<1x16xf32> to vector<16xf32>
      %mul3A_267 = arith.constant 11.3137083 : f32
      %mul3A_268 = vector.broadcast %mul3A_267 : f32 to vector<16xf32>
      %mul3A_269 = arith.mulf %get3A_266, %mul3A_268 : vector<16xf32>
      %swap3A_270 = arith.index_cast %scan3A_240 : i32 to index
      %swap3A_271 = arith.constant 32 : index
      %swap3A_272 = tpu.vector_load %arg14[%swap3A_270, %swap3A_271] {strides = array<i32>} : memref<64x128xf32, #tpu.memory_space<vmem>>, vector<1x16xf32>,
      %swap3A_273 = vector.shape_cast %swap3A_272 : vector<1x16xf32> to vector<16xf32>
      %swap3A_274 = vector.shape_cast %mul3A_269 : vector<16xf32> to vector<1x16xf32>
      tpu.vector_store %arg14[%swap3A_270, %swap3A_271], %swap3A_274 {strides = array<i32>} : memref<64x128xf32, #tpu.memory_space<vmem>>, vector<1x16xf32>,
      %get3A_275 = arith.index_cast %scan3A_240 : i32 to index
      %get3A_276 = arith.constant 48 : index
      %get3A_277 = tpu.vector_load %arg8[%get3A_275, %get3A_276] {strides = array<i32>} : memref<64x128xf32, #tpu.memory_space<vmem>>, vector<1x16xf32>,
      %get3A_278 = vector.shape_cast %get3A_277 : vector<1x16xf32> to vector<16xf32>
      %mul3A_279 = arith.constant 11.3137083 : f32
      %mul3A_280 = vector.broadcast %mul3A_279 : f32 to vector<16xf32>
      %mul3A_281 = arith.mulf %get3A_278, %mul3A_280 : vector<16xf32>
      %swap3A_282 = arith.index_cast %scan3A_240 : i32 to index
      %swap3A_283 = arith.constant 48 : index
      %swap3A_284 = tpu.vector_load %arg14[%swap3A_282, %swap3A_283] {strides = array<i32>} : memref<64x128xf32, #tpu.memory_space<vmem>>, vector<1x16xf32>,
      %swap3A_285 = vector.shape_cast %swap3A_284 : vector<1x16xf32> to vector<16xf32>
      %swap3A_286 = vector.shape_cast %mul3A_281 : vector<16xf32> to vector<1x16xf32>
      tpu.vector_store %arg14[%swap3A_282, %swap3A_283], %swap3A_286 {strides = array<i32>} : memref<64x128xf32, #tpu.memory_space<vmem>>, vector<1x16xf32>,
      %get3A_287 = arith.index_cast %scan3A_240 : i32 to index
      %get3A_288 = arith.constant 64 : index
      %get3A_289 = tpu.vector_load %arg8[%get3A_287, %get3A_288] {strides = array<i32>} : memref<64x128xf32, #tpu.memory_space<vmem>>, vector<1x16xf32>,
      %get3A_290 = vector.shape_cast %get3A_289 : vector<1x16xf32> to vector<16xf32>
      %mul3A_291 = arith.constant 11.3137083 : f32
      %mul3A_292 = vector.broadcast %mul3A_291 : f32 to vector<16xf32>
      %mul3A_293 = arith.mulf %get3A_290, %mul3A_292 : vector<16xf32>
      %swap3A_294 = arith.index_cast %scan3A_240 : i32 to index
      %swap3A_295 = arith.constant 64 : index
      %swap3A_296 = tpu.vector_load %arg14[%swap3A_294, %swap3A_295] {strides = array<i32>} : memref<64x128xf32, #tpu.memory_space<vmem>>, vector<1x16xf32>,
      %swap3A_297 = vector.shape_cast %swap3A_296 : vector<1x16xf32> to vector<16xf32>
      %swap3A_298 = vector.shape_cast %mul3A_293 : vector<16xf32> to vector<1x16xf32>
      tpu.vector_store %arg14[%swap3A_294, %swap3A_295], %swap3A_298 {strides = array<i32>} : memref<64x128xf32, #tpu.memory_space<vmem>>, vector<1x16xf32>,
      %get3A_299 = arith.index_cast %scan3A_240 : i32 to index
      %get3A_300 = arith.constant 80 : index
      %get3A_301 = tpu.vector_load %arg8[%get3A_299, %get3A_300] {strides = array<i32>} : memref<64x128xf32, #tpu.memory_space<vmem>>, vector<1x16xf32>,
      %get3A_302 = vector.shape_cast %get3A_301 : vector<1x16xf32> to vector<16xf32>
      %mul3A_303 = arith.constant 11.3137083 : f32
      %mul3A_304 = vector.broadcast %mul3A_303 : f32 to vector<16xf32>
      %mul3A_305 = arith.mulf %get3A_302, %mul3A_304 : vector<16xf32>
      %swap3A_306 = arith.index_cast %scan3A_240 : i32 to index
      %swap3A_307 = arith.constant 80 : index
      %swap3A_308 = tpu.vector_load %arg14[%swap3A_306, %swap3A_307] {strides = array<i32>} : memref<64x128xf32, #tpu.memory_space<vmem>>, vector<1x16xf32>,
      %swap3A_309 = vector.shape_cast %swap3A_308 : vector<1x16xf32> to vector<16xf32>
      %swap3A_310 = vector.shape_cast %mul3A_305 : vector<16xf32> to vector<1x16xf32>
      tpu.vector_store %arg14[%swap3A_306, %swap3A_307], %swap3A_310 {strides = array<i32>} : memref<64x128xf32, #tpu.memory_space<vmem>>, vector<1x16xf32>,
      %get3A_311 = arith.index_cast %scan3A_240 : i32 to index
      %get3A_312 = arith.constant 96 : index
      %get3A_313 = tpu.vector_load %arg8[%get3A_311, %get3A_312] {strides = array<i32>} : memref<64x128xf32, #tpu.memory_space<vmem>>, vector<1x16xf32>,
      %get3A_314 = vector.shape_cast %get3A_313 : vector<1x16xf32> to vector<16xf32>
      %mul3A_315 = arith.constant 11.3137083 : f32
      %mul3A_316 = vector.broadcast %mul3A_315 : f32 to vector<16xf32>
      %mul3A_317 = arith.mulf %get3A_314, %mul3A_316 : vector<16xf32>
      %swap3A_318 = arith.index_cast %scan3A_240 : i32 to index
      %swap3A_319 = arith.constant 96 : index
      %swap3A_320 = tpu.vector_load %arg14[%swap3A_318, %swap3A_319] {strides = array<i32>} : memref<64x128xf32, #tpu.memory_space<vmem>>, vector<1x16xf32>,
      %swap3A_321 = vector.shape_cast %swap3A_320 : vector<1x16xf32> to vector<16xf32>
      %swap3A_322 = vector.shape_cast %mul3A_317 : vector<16xf32> to vector<1x16xf32>
      tpu.vector_store %arg14[%swap3A_318, %swap3A_319], %swap3A_322 {strides = array<i32>} : memref<64x128xf32, #tpu.memory_space<vmem>>, vector<1x16xf32>,
      %get3A_323 = arith.index_cast %scan3A_240 : i32 to index
      %get3A_324 = arith.constant 112 : index
      %get3A_325 = tpu.vector_load %arg8[%get3A_323, %get3A_324] {strides = array<i32>} : memref<64x128xf32, #tpu.memory_space<vmem>>, vector<1x16xf32>,
      %get3A_326 = vector.shape_cast %get3A_325 : vector<1x16xf32> to vector<16xf32>
      %mul3A_327 = arith.constant 11.3137083 : f32
      %mul3A_328 = vector.broadcast %mul3A_327 : f32 to vector<16xf32>
      %mul3A_329 = arith.mulf %get3A_326, %mul3A_328 : vector<16xf32>
      %swap3A_330 = arith.index_cast %scan3A_240 : i32 to index
      %swap3A_331 = arith.constant 112 : index
      %swap3A_332 = tpu.vector_load %arg14[%swap3A_330, %swap3A_331] {strides = array<i32>} : memref<64x128xf32, #tpu.memory_space<vmem>>, vector<1x16xf32>,
      %swap3A_333 = vector.shape_cast %swap3A_332 : vector<1x16xf32> to vector<16xf32>
      %swap3A_334 = vector.shape_cast %mul3A_329 : vector<16xf32> to vector<1x16xf32>
      tpu.vector_store %arg14[%swap3A_330, %swap3A_331], %swap3A_334 {strides = array<i32>} : memref<64x128xf32, #tpu.memory_space<vmem>>, vector<1x16xf32>,
    }
    %scan3A_137 = arith.constant 64 : i32
    %add3A_138 = arith.constant 98 : i32
    %add3A_139 = arith.constant 6 : i32
    %add3A_140 = arith.addi %add3A_138, %add3A_139 : i32
    %lt3A_141 = arith.constant 100 : i32
    %lt3A_142 = arith.cmpi slt, %add3A_140, %lt3A_141 : i32
    %convert_element_type3A_143 = arith.extui %lt3A_142 : i1 to i32
    %cond3A_144 = arith.constant 98 : i32
    %cond3A_145 = arith.constant 0 : i32
    %cond3A_146 = arith.cmpi ne, %convert_element_type3A_143, %cond3A_145 : i32
    scf.if %cond3A_146 {
      %add3A_240 = arith.constant 6 : i32
      %add3A_241 = arith.addi %cond3A_144, %add3A_240 : i32
      %dma_start3A_242 = arith.constant 0 : i32
      %dma_start3A_243 = tpu.memref_slice %arg5[%add3A_241, %dma_start3A_242] : memref<100x64xi32, #tpu.memory_space<vmem>> -> memref<1x64xi32, #tpu.memory_space<vmem>>
      %dma_start3A_244 = tpu.memref_squeeze %dma_start3A_243 : memref<1x64xi32, #tpu.memory_space<vmem>> -> memref<64xi32, #tpu.memory_space<vmem>>
      %dma_start3A_245 = arith.constant 0 : i32
      %dma_start3A_246 = arith.constant 0 : i32
      %dma_start3A_247 = tpu.memref_slice %arg3[%dma_start3A_245, %dma_start3A_246] : memref<100000x128xf32, #tpu.memory_space<hbm>> -> memref<100000x128xf32, #tpu.memory_space<hbm>>
      tpu.enqueue_indirect_dma source(%dma_start3A_247 : memref<100000x128xf32, #tpu.memory_space<hbm>>) target(%arg8 : memref<64x128xf32, #tpu.memory_space<vmem>>) offsets(%dma_start3A_244 : memref<64xi32, #tpu.memory_space<vmem>>) semaphore(%arg20 : memref<!tpu.dma_semaphore, #tpu.memory_space<semaphore_mem>>)
    } else {
    }
    %mul3A_147 = arith.constant 98 : i32
    %mul3A_148 = arith.constant 64 : i32
    %mul3A_149 = arith.muli %mul3A_147, %mul3A_148 : i32
    %add3A_150 = arith.addi %mul3A_2, %mul3A_149 : i32
    %dma_start3A_151 = arith.constant 0 : i32
    %dma_start3A_152 = tpu.memref_slice %arg4[%add3A_150, %dma_start3A_151] : memref<204800x128xf32, #tpu.memory_space<hbm>> -> memref<64x128xf32, #tpu.memory_space<hbm>>
    %dma_start3A_153 = arith.constant 0 : i32
    %dma_start3A_154 = tpu.memref_slice %arg4[%add3A_150, %dma_start3A_153] : memref<204800x128xf32, #tpu.memory_space<hbm>> -> memref<64x128xf32, #tpu.memory_space<hbm>>
    tpu.enqueue_dma source(%arg14 : memref<64x128xf32, #tpu.memory_space<vmem>>) target(%dma_start3A_154 : memref<64x128xf32, #tpu.memory_space<hbm>>) target_semaphore(%arg26 : memref<!tpu.dma_semaphore, #tpu.memory_space<semaphore_mem>>)
    %dma_wait3A_155 = arith.constant 99 : i32
    %dma_wait3A_156 = arith.constant 0 : i32
    %dma_wait3A_157 = tpu.memref_slice %arg5[%dma_wait3A_155, %dma_wait3A_156] : memref<100x64xi32, #tpu.memory_space<vmem>> -> memref<1x64xi32, #tpu.memory_space<vmem>>
    %dma_wait3A_158 = tpu.memref_squeeze %dma_wait3A_157 : memref<1x64xi32, #tpu.memory_space<vmem>> -> memref<64xi32, #tpu.memory_space<vmem>>
    %dma_wait3A_159 = arith.constant 0 : i32
    %dma_wait3A_160 = arith.constant 0 : i32
    %dma_wait3A_161 = tpu.memref_slice %arg3[%dma_wait3A_159, %dma_wait3A_160] : memref<100000x128xf32, #tpu.memory_space<hbm>> -> memref<100000x128xf32, #tpu.memory_space<hbm>>
    tpu.wait_indirect_dma semaphore(%arg21 : memref<!tpu.dma_semaphore, #tpu.memory_space<semaphore_mem>>) src(%dma_wait3A_161 : memref<100000x128xf32, #tpu.memory_space<hbm>>) dst(%arg9 : memref<64x128xf32, #tpu.memory_space<vmem>>)
    %ge3A_162 = arith.constant 99 : i32
    %ge3A_163 = arith.constant 6 : i32
    %ge3A_164 = arith.cmpi sge, %ge3A_162, %ge3A_163 : i32
    %convert_element_type3A_165 = arith.extui %ge3A_164 : i1 to i32
    %cond3A_166 = arith.constant 99 : i32
    %cond3A_167 = arith.constant 0 : i32
    %cond3A_168 = arith.cmpi ne, %convert_element_type3A_165, %cond3A_167 : i32
    scf.if %cond3A_168 {
      %sub3A = arith.constant 6 : i32
      %sub3A_240 = arith.subi %cond3A_166, %sub3A : i32
      %mul3A_241 = arith.constant 64 : i32
      %mul3A_242 = arith.muli %sub3A_240, %mul3A_241 : i32
      %add3A_243 = arith.addi %mul3A_2, %mul3A_242 : i32
      %dma_wait3A_244 = arith.constant 0 : i32
      %dma_wait3A_245 = tpu.memref_slice %arg4[%add3A_243, %dma_wait3A_244] : memref<204800x128xf32, #tpu.memory_space<hbm>> -> memref<64x128xf32, #tpu.memory_space<hbm>>
      %dma_wait3A_246 = arith.constant 0 : i32
      %dma_wait3A_247 = tpu.memref_slice %arg4[%add3A_243, %dma_wait3A_246] : memref<204800x128xf32, #tpu.memory_space<hbm>> -> memref<64x128xf32, #tpu.memory_space<hbm>>
      tpu.wait_dma2 semaphore(%arg27 : memref<!tpu.dma_semaphore, #tpu.memory_space<semaphore_mem>>) src(%arg15 : memref<64x128xf32, #tpu.memory_space<vmem>>) dst(%dma_wait3A_247 : memref<64x128xf32, #tpu.memory_space<hbm>>)
    } else {
    }
    %scan3A_169 = arith.constant 0 : i32
    %scan3A_170 = arith.constant 0 : i32
    %scan3A_171 = arith.constant 64 : i32
    %scan3A_172 = arith.addi %scan3A_170, %scan3A_171 : i32
    %scan3A_173 = arith.constant 1 : i32
    scf.for %scan3A_240 = %scan3A_170 to %scan3A_172 step %scan3A_173  : i32 {
      %get3A = arith.index_cast %scan3A_240 : i32 to index
      %get3A_241 = arith.constant 0 : index
      %get3A_242 = tpu.vector_load %arg9[%get3A, %get3A_241] {strides = array<i32>} : memref<64x128xf32, #tpu.memory_space<vmem>>, vector<1x16xf32>,
      %get3A_243 = vector.shape_cast %get3A_242 : vector<1x16xf32> to vector<16xf32>
      %mul3A_244 = arith.constant 11.3137083 : f32
      %mul3A_245 = vector.broadcast %mul3A_244 : f32 to vector<16xf32>
      %mul3A_246 = arith.mulf %get3A_243, %mul3A_245 : vector<16xf32>
      %swap3A = arith.index_cast %scan3A_240 : i32 to index
      %swap3A_247 = arith.constant 0 : index
      %swap3A_248 = tpu.vector_load %arg15[%swap3A, %swap3A_247] {strides = array<i32>} : memref<64x128xf32, #tpu.memory_space<vmem>>, vector<1x16xf32>,
      %swap3A_249 = vector.shape_cast %swap3A_248 : vector<1x16xf32> to vector<16xf32>
      %swap3A_250 = vector.shape_cast %mul3A_246 : vector<16xf32> to vector<1x16xf32>
      tpu.vector_store %arg15[%swap3A, %swap3A_247], %swap3A_250 {strides = array<i32>} : memref<64x128xf32, #tpu.memory_space<vmem>>, vector<1x16xf32>,
      %get3A_251 = arith.index_cast %scan3A_240 : i32 to index
      %get3A_252 = arith.constant 16 : index
      %get3A_253 = tpu.vector_load %arg9[%get3A_251, %get3A_252] {strides = array<i32>} : memref<64x128xf32, #tpu.memory_space<vmem>>, vector<1x16xf32>,
      %get3A_254 = vector.shape_cast %get3A_253 : vector<1x16xf32> to vector<16xf32>
      %mul3A_255 = arith.constant 11.3137083 : f32
      %mul3A_256 = vector.broadcast %mul3A_255 : f32 to vector<16xf32>
      %mul3A_257 = arith.mulf %get3A_254, %mul3A_256 : vector<16xf32>
      %swap3A_258 = arith.index_cast %scan3A_240 : i32 to index
      %swap3A_259 = arith.constant 16 : index
      %swap3A_260 = tpu.vector_load %arg15[%swap3A_258, %swap3A_259] {strides = array<i32>} : memref<64x128xf32, #tpu.memory_space<vmem>>, vector<1x16xf32>,
      %swap3A_261 = vector.shape_cast %swap3A_260 : vector<1x16xf32> to vector<16xf32>
      %swap3A_262 = vector.shape_cast %mul3A_257 : vector<16xf32> to vector<1x16xf32>
      tpu.vector_store %arg15[%swap3A_258, %swap3A_259], %swap3A_262 {strides = array<i32>} : memref<64x128xf32, #tpu.memory_space<vmem>>, vector<1x16xf32>,
      %get3A_263 = arith.index_cast %scan3A_240 : i32 to index
      %get3A_264 = arith.constant 32 : index
      %get3A_265 = tpu.vector_load %arg9[%get3A_263, %get3A_264] {strides = array<i32>} : memref<64x128xf32, #tpu.memory_space<vmem>>, vector<1x16xf32>,
      %get3A_266 = vector.shape_cast %get3A_265 : vector<1x16xf32> to vector<16xf32>
      %mul3A_267 = arith.constant 11.3137083 : f32
      %mul3A_268 = vector.broadcast %mul3A_267 : f32 to vector<16xf32>
      %mul3A_269 = arith.mulf %get3A_266, %mul3A_268 : vector<16xf32>
      %swap3A_270 = arith.index_cast %scan3A_240 : i32 to index
      %swap3A_271 = arith.constant 32 : index
      %swap3A_272 = tpu.vector_load %arg15[%swap3A_270, %swap3A_271] {strides = array<i32>} : memref<64x128xf32, #tpu.memory_space<vmem>>, vector<1x16xf32>,
      %swap3A_273 = vector.shape_cast %swap3A_272 : vector<1x16xf32> to vector<16xf32>
      %swap3A_274 = vector.shape_cast %mul3A_269 : vector<16xf32> to vector<1x16xf32>
      tpu.vector_store %arg15[%swap3A_270, %swap3A_271], %swap3A_274 {strides = array<i32>} : memref<64x128xf32, #tpu.memory_space<vmem>>, vector<1x16xf32>,
      %get3A_275 = arith.index_cast %scan3A_240 : i32 to index
      %get3A_276 = arith.constant 48 : index
      %get3A_277 = tpu.vector_load %arg9[%get3A_275, %get3A_276] {strides = array<i32>} : memref<64x128xf32, #tpu.memory_space<vmem>>, vector<1x16xf32>,
      %get3A_278 = vector.shape_cast %get3A_277 : vector<1x16xf32> to vector<16xf32>
      %mul3A_279 = arith.constant 11.3137083 : f32
      %mul3A_280 = vector.broadcast %mul3A_279 : f32 to vector<16xf32>
      %mul3A_281 = arith.mulf %get3A_278, %mul3A_280 : vector<16xf32>
      %swap3A_282 = arith.index_cast %scan3A_240 : i32 to index
      %swap3A_283 = arith.constant 48 : index
      %swap3A_284 = tpu.vector_load %arg15[%swap3A_282, %swap3A_283] {strides = array<i32>} : memref<64x128xf32, #tpu.memory_space<vmem>>, vector<1x16xf32>,
      %swap3A_285 = vector.shape_cast %swap3A_284 : vector<1x16xf32> to vector<16xf32>
      %swap3A_286 = vector.shape_cast %mul3A_281 : vector<16xf32> to vector<1x16xf32>
      tpu.vector_store %arg15[%swap3A_282, %swap3A_283], %swap3A_286 {strides = array<i32>} : memref<64x128xf32, #tpu.memory_space<vmem>>, vector<1x16xf32>,
      %get3A_287 = arith.index_cast %scan3A_240 : i32 to index
      %get3A_288 = arith.constant 64 : index
      %get3A_289 = tpu.vector_load %arg9[%get3A_287, %get3A_288] {strides = array<i32>} : memref<64x128xf32, #tpu.memory_space<vmem>>, vector<1x16xf32>,
      %get3A_290 = vector.shape_cast %get3A_289 : vector<1x16xf32> to vector<16xf32>
      %mul3A_291 = arith.constant 11.3137083 : f32
      %mul3A_292 = vector.broadcast %mul3A_291 : f32 to vector<16xf32>
      %mul3A_293 = arith.mulf %get3A_290, %mul3A_292 : vector<16xf32>
      %swap3A_294 = arith.index_cast %scan3A_240 : i32 to index
      %swap3A_295 = arith.constant 64 : index
      %swap3A_296 = tpu.vector_load %arg15[%swap3A_294, %swap3A_295] {strides = array<i32>} : memref<64x128xf32, #tpu.memory_space<vmem>>, vector<1x16xf32>,
      %swap3A_297 = vector.shape_cast %swap3A_296 : vector<1x16xf32> to vector<16xf32>
      %swap3A_298 = vector.shape_cast %mul3A_293 : vector<16xf32> to vector<1x16xf32>
      tpu.vector_store %arg15[%swap3A_294, %swap3A_295], %swap3A_298 {strides = array<i32>} : memref<64x128xf32, #tpu.memory_space<vmem>>, vector<1x16xf32>,
      %get3A_299 = arith.index_cast %scan3A_240 : i32 to index
      %get3A_300 = arith.constant 80 : index
      %get3A_301 = tpu.vector_load %arg9[%get3A_299, %get3A_300] {strides = array<i32>} : memref<64x128xf32, #tpu.memory_space<vmem>>, vector<1x16xf32>,
      %get3A_302 = vector.shape_cast %get3A_301 : vector<1x16xf32> to vector<16xf32>
      %mul3A_303 = arith.constant 11.3137083 : f32
      %mul3A_304 = vector.broadcast %mul3A_303 : f32 to vector<16xf32>
      %mul3A_305 = arith.mulf %get3A_302, %mul3A_304 : vector<16xf32>
      %swap3A_306 = arith.index_cast %scan3A_240 : i32 to index
      %swap3A_307 = arith.constant 80 : index
      %swap3A_308 = tpu.vector_load %arg15[%swap3A_306, %swap3A_307] {strides = array<i32>} : memref<64x128xf32, #tpu.memory_space<vmem>>, vector<1x16xf32>,
      %swap3A_309 = vector.shape_cast %swap3A_308 : vector<1x16xf32> to vector<16xf32>
      %swap3A_310 = vector.shape_cast %mul3A_305 : vector<16xf32> to vector<1x16xf32>
      tpu.vector_store %arg15[%swap3A_306, %swap3A_307], %swap3A_310 {strides = array<i32>} : memref<64x128xf32, #tpu.memory_space<vmem>>, vector<1x16xf32>,
      %get3A_311 = arith.index_cast %scan3A_240 : i32 to index
      %get3A_312 = arith.constant 96 : index
      %get3A_313 = tpu.vector_load %arg9[%get3A_311, %get3A_312] {strides = array<i32>} : memref<64x128xf32, #tpu.memory_space<vmem>>, vector<1x16xf32>,
      %get3A_314 = vector.shape_cast %get3A_313 : vector<1x16xf32> to vector<16xf32>
      %mul3A_315 = arith.constant 11.3137083 : f32
      %mul3A_316 = vector.broadcast %mul3A_315 : f32 to vector<16xf32>
      %mul3A_317 = arith.mulf %get3A_314, %mul3A_316 : vector<16xf32>
      %swap3A_318 = arith.index_cast %scan3A_240 : i32 to index
      %swap3A_319 = arith.constant 96 : index
      %swap3A_320 = tpu.vector_load %arg15[%swap3A_318, %swap3A_319] {strides = array<i32>} : memref<64x128xf32, #tpu.memory_space<vmem>>, vector<1x16xf32>,
      %swap3A_321 = vector.shape_cast %swap3A_320 : vector<1x16xf32> to vector<16xf32>
      %swap3A_322 = vector.shape_cast %mul3A_317 : vector<16xf32> to vector<1x16xf32>
      tpu.vector_store %arg15[%swap3A_318, %swap3A_319], %swap3A_322 {strides = array<i32>} : memref<64x128xf32, #tpu.memory_space<vmem>>, vector<1x16xf32>,
      %get3A_323 = arith.index_cast %scan3A_240 : i32 to index
      %get3A_324 = arith.constant 112 : index
      %get3A_325 = tpu.vector_load %arg9[%get3A_323, %get3A_324] {strides = array<i32>} : memref<64x128xf32, #tpu.memory_space<vmem>>, vector<1x16xf32>,
      %get3A_326 = vector.shape_cast %get3A_325 : vector<1x16xf32> to vector<16xf32>
      %mul3A_327 = arith.constant 11.3137083 : f32
      %mul3A_328 = vector.broadcast %mul3A_327 : f32 to vector<16xf32>
      %mul3A_329 = arith.mulf %get3A_326, %mul3A_328 : vector<16xf32>
      %swap3A_330 = arith.index_cast %scan3A_240 : i32 to index
      %swap3A_331 = arith.constant 112 : index
      %swap3A_332 = tpu.vector_load %arg15[%swap3A_330, %swap3A_331] {strides = array<i32>} : memref<64x128xf32, #tpu.memory_space<vmem>>, vector<1x16xf32>,
      %swap3A_333 = vector.shape_cast %swap3A_332 : vector<1x16xf32> to vector<16xf32>
      %swap3A_334 = vector.shape_cast %mul3A_329 : vector<16xf32> to vector<1x16xf32>
      tpu.vector_store %arg15[%swap3A_330, %swap3A_331], %swap3A_334 {strides = array<i32>} : memref<64x128xf32, #tpu.memory_space<vmem>>, vector<1x16xf32>,
    }
    %scan3A_174 = arith.constant 64 : i32
    %add3A_175 = arith.constant 99 : i32
    %add3A_176 = arith.constant 6 : i32
    %add3A_177 = arith.addi %add3A_175, %add3A_176 : i32
    %lt3A_178 = arith.constant 100 : i32
    %lt3A_179 = arith.cmpi slt, %add3A_177, %lt3A_178 : i32
    %convert_element_type3A_180 = arith.extui %lt3A_179 : i1 to i32
    %cond3A_181 = arith.constant 99 : i32
    %cond3A_182 = arith.constant 0 : i32
    %cond3A_183 = arith.cmpi ne, %convert_element_type3A_180, %cond3A_182 : i32
    scf.if %cond3A_183 {
      %add3A_240 = arith.constant 6 : i32
      %add3A_241 = arith.addi %cond3A_181, %add3A_240 : i32
      %dma_start3A_242 = arith.constant 0 : i32
      %dma_start3A_243 = tpu.memref_slice %arg5[%add3A_241, %dma_start3A_242] : memref<100x64xi32, #tpu.memory_space<vmem>> -> memref<1x64xi32, #tpu.memory_space<vmem>>
      %dma_start3A_244 = tpu.memref_squeeze %dma_start3A_243 : memref<1x64xi32, #tpu.memory_space<vmem>> -> memref<64xi32, #tpu.memory_space<vmem>>
      %dma_start3A_245 = arith.constant 0 : i32
      %dma_start3A_246 = arith.constant 0 : i32
      %dma_start3A_247 = tpu.memref_slice %arg3[%dma_start3A_245, %dma_start3A_246] : memref<100000x128xf32, #tpu.memory_space<hbm>> -> memref<100000x128xf32, #tpu.memory_space<hbm>>
      tpu.enqueue_indirect_dma source(%dma_start3A_247 : memref<100000x128xf32, #tpu.memory_space<hbm>>) target(%arg9 : memref<64x128xf32, #tpu.memory_space<vmem>>) offsets(%dma_start3A_244 : memref<64xi32, #tpu.memory_space<vmem>>) semaphore(%arg21 : memref<!tpu.dma_semaphore, #tpu.memory_space<semaphore_mem>>)
    } else {
    }
    %mul3A_184 = arith.constant 99 : i32
    %mul3A_185 = arith.constant 64 : i32
    %mul3A_186 = arith.muli %mul3A_184, %mul3A_185 : i32
    %add3A_187 = arith.addi %mul3A_2, %mul3A_186 : i32
    %dma_start3A_188 = arith.constant 0 : i32
    %dma_start3A_189 = tpu.memref_slice %arg4[%add3A_187, %dma_start3A_188] : memref<204800x128xf32, #tpu.memory_space<hbm>> -> memref<64x128xf32, #tpu.memory_space<hbm>>
    %dma_start3A_190 = arith.constant 0 : i32
    %dma_start3A_191 = tpu.memref_slice %arg4[%add3A_187, %dma_start3A_190] : memref<204800x128xf32, #tpu.memory_space<hbm>> -> memref<64x128xf32, #tpu.memory_space<hbm>>
    tpu.enqueue_dma source(%arg15 : memref<64x128xf32, #tpu.memory_space<vmem>>) target(%dma_start3A_191 : memref<64x128xf32, #tpu.memory_space<hbm>>) target_semaphore(%arg27 : memref<!tpu.dma_semaphore, #tpu.memory_space<semaphore_mem>>)
    %mul3A_192 = arith.constant 94 : i32
    %mul3A_193 = arith.constant 64 : i32
    %mul3A_194 = arith.muli %mul3A_192, %mul3A_193 : i32
    %add3A_195 = arith.addi %mul3A_2, %mul3A_194 : i32
    %dma_wait3A_196 = arith.constant 0 : i32
    %dma_wait3A_197 = tpu.memref_slice %arg4[%add3A_195, %dma_wait3A_196] : memref<204800x128xf32, #tpu.memory_space<hbm>> -> memref<64x128xf32, #tpu.memory_space<hbm>>
    %dma_wait3A_198 = arith.constant 0 : i32
    %dma_wait3A_199 = tpu.memref_slice %arg4[%add3A_195, %dma_wait3A_198] : memref<204800x128xf32, #tpu.memory_space<hbm>> -> memref<64x128xf32, #tpu.memory_space<hbm>>
    tpu.wait_dma2 semaphore(%arg28 : memref<!tpu.dma_semaphore, #tpu.memory_space<semaphore_mem>>) src(%arg16 : memref<64x128xf32, #tpu.memory_space<vmem>>) dst(%dma_wait3A_199 : memref<64x128xf32, #tpu.memory_space<hbm>>)
    %mul3A_200 = arith.constant 95 : i32
    %mul3A_201 = arith.constant 64 : i32
    %mul3A_202 = arith.muli %mul3A_200, %mul3A_201 : i32
    %add3A_203 = arith.addi %mul3A_2, %mul3A_202 : i32
    %dma_wait3A_204 = arith.constant 0 : i32
    %dma_wait3A_205 = tpu.memref_slice %arg4[%add3A_203, %dma_wait3A_204] : memref<204800x128xf32, #tpu.memory_space<hbm>> -> memref<64x128xf32, #tpu.memory_space<hbm>>
    %dma_wait3A_206 = arith.constant 0 : i32
    %dma_wait3A_207 = tpu.memref_slice %arg4[%add3A_203, %dma_wait3A_206] : memref<204800x128xf32, #tpu.memory_space<hbm>> -> memref<64x128xf32, #tpu.memory_space<hbm>>
    tpu.wait_dma2 semaphore(%arg29 : memref<!tpu.dma_semaphore, #tpu.memory_space<semaphore_mem>>) src(%arg17 : memref<64x128xf32, #tpu.memory_space<vmem>>) dst(%dma_wait3A_207 : memref<64x128xf32, #tpu.memory_space<hbm>>)
    %mul3A_208 = arith.constant 96 : i32
    %mul3A_209 = arith.constant 64 : i32
    %mul3A_210 = arith.muli %mul3A_208, %mul3A_209 : i32
    %add3A_211 = arith.addi %mul3A_2, %mul3A_210 : i32
    %dma_wait3A_212 = arith.constant 0 : i32
    %dma_wait3A_213 = tpu.memref_slice %arg4[%add3A_211, %dma_wait3A_212] : memref<204800x128xf32, #tpu.memory_space<hbm>> -> memref<64x128xf32, #tpu.memory_space<hbm>>
    %dma_wait3A_214 = arith.constant 0 : i32
    %dma_wait3A_215 = tpu.memref_slice %arg4[%add3A_211, %dma_wait3A_214] : memref<204800x128xf32, #tpu.memory_space<hbm>> -> memref<64x128xf32, #tpu.memory_space<hbm>>
    tpu.wait_dma2 semaphore(%arg24 : memref<!tpu.dma_semaphore, #tpu.memory_space<semaphore_mem>>) src(%arg12 : memref<64x128xf32, #tpu.memory_space<vmem>>) dst(%dma_wait3A_215 : memref<64x128xf32, #tpu.memory_space<hbm>>)
    %mul3A_216 = arith.constant 97 : i32
    %mul3A_217 = arith.constant 64 : i32
    %mul3A_218 = arith.muli %mul3A_216, %mul3A_217 : i32
    %add3A_219 = arith.addi %mul3A_2, %mul3A_218 : i32
    %dma_wait3A_220 = arith.constant 0 : i32
    %dma_wait3A_221 = tpu.memref_slice %arg4[%add3A_219, %dma_wait3A_220] : memref<204800x128xf32, #tpu.memory_space<hbm>> -> memref<64x128xf32, #tpu.memory_space<hbm>>
    %dma_wait3A_222 = arith.constant 0 : i32
    %dma_wait3A_223 = tpu.memref_slice %arg4[%add3A_219, %dma_wait3A_222] : memref<204800x128xf32, #tpu.memory_space<hbm>> -> memref<64x128xf32, #tpu.memory_space<hbm>>
    tpu.wait_dma2 semaphore(%arg25 : memref<!tpu.dma_semaphore, #tpu.memory_space<semaphore_mem>>) src(%arg13 : memref<64x128xf32, #tpu.memory_space<vmem>>) dst(%dma_wait3A_223 : memref<64x128xf32, #tpu.memory_space<hbm>>)
    %mul3A_224 = arith.constant 98 : i32
    %mul3A_225 = arith.constant 64 : i32
    %mul3A_226 = arith.muli %mul3A_224, %mul3A_225 : i32
    %add3A_227 = arith.addi %mul3A_2, %mul3A_226 : i32
    %dma_wait3A_228 = arith.constant 0 : i32
    %dma_wait3A_229 = tpu.memref_slice %arg4[%add3A_227, %dma_wait3A_228] : memref<204800x128xf32, #tpu.memory_space<hbm>> -> memref<64x128xf32, #tpu.memory_space<hbm>>
    %dma_wait3A_230 = arith.constant 0 : i32
    %dma_wait3A_231 = tpu.memref_slice %arg4[%add3A_227, %dma_wait3A_230] : memref<204800x128xf32, #tpu.memory_space<hbm>> -> memref<64x128xf32, #tpu.memory_space<hbm>>
    tpu.wait_dma2 semaphore(%arg26 : memref<!tpu.dma_semaphore, #tpu.memory_space<semaphore_mem>>) src(%arg14 : memref<64x128xf32, #tpu.memory_space<vmem>>) dst(%dma_wait3A_231 : memref<64x128xf32, #tpu.memory_space<hbm>>)
    %mul3A_232 = arith.constant 99 : i32
    %mul3A_233 = arith.constant 64 : i32
    %mul3A_234 = arith.muli %mul3A_232, %mul3A_233 : i32
    %add3A_235 = arith.addi %mul3A_2, %mul3A_234 : i32
    %dma_wait3A_236 = arith.constant 0 : i32
    %dma_wait3A_237 = tpu.memref_slice %arg4[%add3A_235, %dma_wait3A_236] : memref<204800x128xf32, #tpu.memory_space<hbm>> -> memref<64x128xf32, #tpu.memory_space<hbm>>
    %dma_wait3A_238 = arith.constant 0 : i32
    %dma_wait3A_239 = tpu.memref_slice %arg4[%add3A_235, %dma_wait3A_238] : memref<204800x128xf32, #tpu.memory_space<hbm>> -> memref<64x128xf32, #tpu.memory_space<hbm>>
    tpu.wait_dma2 semaphore(%arg27 : memref<!tpu.dma_semaphore, #tpu.memory_space<semaphore_mem>>) src(%arg15 : memref<64x128xf32, #tpu.memory_space<vmem>>) dst(%dma_wait3A_239 : memref<64x128xf32, #tpu.memory_space<hbm>>)
    return
  }
}

</mosaic_0001>

<sc_bundles>
// kernel: kernel.3.cloned.1.call-start
scs
__scs_entry_jumppad:
0x0: {  	(pc) =	sbr.rel $0x88, $3  }
0x1: {  	(tag) =	ssettag $0x0;
	lr =	simm.s32 $0x1  }
0x2: {  	[smem:$0x3F9F] =	sst lr;
	_ =	strace $0xD0000000  }
0x3: {  	_ = 	snop  }
0x4: {  	_ = 	snop  }
0x5: {  	_ = 	snop  }
0x6: {  	_ = 	snop  }
0x7: {  	_ = 	snop  }
__scs_overlays_trampoline_lowered:
0x8: {  	[smem:$0x3FAE] =	sst s0  }
0x9: {  	[smem:$0x3FAF] =	sst s1  }
0xa: {  	[smem:$0x3FB0] =	sst s2  }
0xb: {  	[smem:$0x3FB1] =	sst s3  }
0xc: {  	[smem:$0x3FB2] =	sst s4  }
0xd: {  	[smem:$0x3FB3] =	sst s5  }
0xe: {  	[smem:$0x3FB4] =	sst s6  }
0xf: {  	[smem:$0x3FB5] =	sst s7  }
0x10: {  	[smem:$0x3FB6] =	sst s8  }
0x11: {  	[smem:$0x3FB7] =	sst s9;
	s0 =	simm.s32 @!p0 $0x0  }
0x12: {  	s1 =	sld [smem:$0x3F9D];
	s0 =	simm.s32 @p0 $0x1  }
0x13: {  	[smem:$0x3FB8] =	sst s0;
	s0 =	simm.s32 @!p1 $0x0  }
0x14: {  	s2 =	sld [smem:$0x3F9C];
	s0 =	simm.s32 @p1 $0x1  }
0x15: {  	[smem:$0x3FB9] =	sst s0;
	s0 =	simm.s32 @!p2 $0x0  }
0x16: {  	s3 =	sld [smem:$0x3FDB];
	s0 =	simm.s32 @p2 $0x1  }
0x17: {  	s4 =	simm.s32 $0x1BF5;
	[smem:$0x3FBB] =	sst s0  }
0x18: {  	s0 =	sld [smem:$0x3F9E];
	_ =	swait.ge [sflag:s4], $0x0  }
0x19: {  	s7 =	sld [smem:$0x3F9F]  }
0x1a: {  	s8 =	sadd.s32 $0xFFFFE003, lr  }
0x1b: {  	s9 =	sadd.s32 $0xFFFFFEF7, lr;
	s5 =	simm.s32 $0xFFFFFFFF;
	p2 =	slt.u32 s8, $0xFFFFF086  }
0x1c: {  	p1 =	slt.u32 s9, $0xF7A;
	s5 =	simm.s32 @!p2 $0x0  }
0x1d: {  	s5 =	simm.s32 @p1 $0x1;
	p0 =	seq.s32 s7, s2  }
0x1e: {  	s7 =	smul.u32 @!p0 $0xF7A, s2;
	p2 =	seq.s32 @!p0 s5, $0x0  }
0x1f: {  	s9 =	smul.u32 $0xF7A, s1;
	s8 =	simm.s32 @!p0 $0x1BF5;
	p2 =	por !p2, p0  }
0x20: {  	[sflag:s8] =	ssyncset.s32 @!p0 $0xFFFFF086;
	s6 =	sadd.s32 @!p0 s3, s7;
	s7 =	simm.s32 @!p0 $0x108  }
0x21: {  	s3 =	sadd.s32 s3, s9;
	s6 =	sadd.s32 @!p0 $0x88, s6;
	s7 =	simm.s32 @p2 $0x1082  }
0x22: {  	[simem:s7], [sflag:s8] =	dma.local @!p0 [hbm:s6], $0xF7A  }
0x23: {  	s9 =	sor.u32 $0xD0000000, s2;
	s6 =	simm.s32 $0x108;
	_ =	swait.ge @!p0 [sflag:s8], $0x0  }
0x24: {  	s3 =	sadd.s32 $0x88, s3;
	s6 =	simm.s32 @!p1 $0x1082;
	[sflag:s4] =	ssyncset.s32 $0xFFFFF086  }
0x25: {  	[simem:s6], [sflag:s4] =	dma.local [hbm:s3], $0xF7A  }
0x26: {  	[smem:$0x3F9F] =	sst s1;
	(tag) =	ssettag s2;
	_ =	strace s9  }
0x27: {  	s1 =	sld [smem:$0x3FAF]  }
0x28: {  	s2 =	sld [smem:$0x3FB0]  }
0x29: {  	s4 =	sld [smem:$0x3FB2]  }
0x2a: {  	p0 =	seq.s32 s5, $0x0;
	s5 =	sld [smem:$0x3FB3]  }
0x2b: {  	s6 =	sld [smem:$0x3FB4]  }
0x2c: {  	s7 =	sld [smem:$0x3FB5]  }
0x2d: {  	s3 =	simm.s32 $0x108;
	s8 =	sld [smem:$0x3FB6]  }
0x2e: {  	s3 =	simm.s32 @!p0 $0x1082;
	s9 =	sld [smem:$0x3FB7]  }
0x2f: {  	lr =	sadd.s32 s0, s3;
	s0 =	sld [smem:$0x3FAE]  }
0x30: {  	s3 =	sld [smem:$0x3FB1]  }
0x31: {  	[smem:$0x3FBA] =	sst s10  }
0x32: {  	s10 =	sld [smem:$0x3FB8];
	_ =	sdelay $0x3  }
0x33: {  	p0 =	seq.s32 s10, $0x1;
	s10 =	sld [smem:$0x3FBA];
	_ =	sdelay $0x3  }
0x34: {  	[smem:$0x3FBA] =	sst s10  }
0x35: {  	s10 =	sld [smem:$0x3FB9];
	_ =	sdelay $0x3  }
0x36: {  	p1 =	seq.s32 s10, $0x1;
	s10 =	sld [smem:$0x3FBA];
	_ =	sdelay $0x3  }
0x37: {  	[smem:$0x3FBA] =	sst s10  }
0x38: {  	s10 =	sld [smem:$0x3FBB]  }
0x39: {  	_ = 	snop;
	(pc) =	sbr.ind lr, $3  }
0x3a: {  	_ = 	snop  }
0x3b: {  	_ = 	snop  }
0x3c: {  	p2 =	seq.s32 s10, $0x1;
	s10 =	sld [smem:$0x3FBA]  }
0x3d: {  	_ =	shalt  }
0x3e: {  	_ =	shalt  }
0x3f: {  	_ =	shalt  }
0x40: {  	_ =	shalt  }
0x41: {  	_ =	shalt  }
0x42: {  	_ =	shalt  }
0x43: {  	_ =	shalt  }
0x44: {  	_ =	shalt  }
0x45: {  	_ =	shalt  }
0x46: {  	_ =	shalt  }
0x47: {  	_ =	shalt  }
0x48: {  	_ =	shalt  }
0x49: {  	_ =	shalt  }
0x4a: {  	_ =	shalt  }
0x4b: {  	_ =	shalt  }
0x4c: {  	_ =	shalt  }
0x4d: {  	_ =	shalt  }
0x4e: {  	_ =	shalt  }
0x4f: {  	_ =	shalt  }
0x50: {  	_ =	shalt  }
0x51: {  	_ =	shalt  }
0x52: {  	_ =	shalt  }
0x53: {  	_ =	shalt  }
0x54: {  	_ =	shalt  }
0x55: {  	_ =	shalt  }
0x56: {  	_ =	shalt  }
0x57: {  	_ =	shalt  }
0x58: {  	_ =	shalt  }
0x59: {  	_ =	shalt  }
0x5a: {  	_ =	shalt  }
0x5b: {  	_ =	shalt  }
0x5c: {  	_ =	shalt  }
0x5d: {  	_ =	shalt  }
0x5e: {  	_ =	shalt  }
0x5f: {  	_ =	shalt  }
0x60: {  	_ =	shalt  }
0x61: {  	_ =	shalt  }
0x62: {  	_ =	shalt  }
0x63: {  	_ =	shalt  }
0x64: {  	_ =	shalt  }
0x65: {  	_ =	shalt  }
0x66: {  	_ =	shalt  }
0x67: {  	_ =	shalt  }
0x68: {  	_ =	shalt  }
0x69: {  	_ =	shalt  }
0x6a: {  	_ =	shalt  }
0x6b: {  	_ =	shalt  }
0x6c: {  	_ =	shalt  }
0x6d: {  	_ =	shalt  }
0x6e: {  	_ =	shalt  }
0x6f: {  	_ =	shalt  }
0x70: {  	_ =	shalt  }
0x71: {  	_ =	shalt  }
0x72: {  	_ =	shalt  }
0x73: {  	_ =	shalt  }
0x74: {  	_ =	shalt  }
0x75: {  	_ =	shalt  }
0x76: {  	_ =	shalt  }
0x77: {  	_ =	shalt  }
0x78: {  	_ =	shalt  }
0x79: {  	_ =	shalt  }
0x7a: {  	_ =	shalt  }
0x7b: {  	_ =	shalt  }
0x7c: {  	_ =	shalt  }
0x7d: {  	_ =	shalt  }
0x7e: {  	_ =	shalt  }
0x7f: {  	_ =	shalt  }
0x80: {  	_ =	shalt  }
0x81: {  	_ =	shalt  }
0x82: {  	_ =	shalt  }
0x83: {  	_ =	shalt  }
0x84: {  	_ =	shalt  }
0x85: {  	_ =	shalt  }
0x86: {  	_ =	shalt  }
0x87: {  	_ =	shalt  }
.Lfunc_end0:
.L_simem_size_0:
called_computation_lowered:
.L_overlay_start_0:
0x88: {  	s2 =	sld [smem:$0x3FD9]  }
0x89: {  	s3 =	sld [smem:$0x3FFE];
	_ =	sdelay $0x1  }
0x8a: {  	s1 =	srdreg.scid  }
0x8b: {  	s0 =	sand.u32 $0x1, s1  }
0x8c: {  	s17 =	sshll.u32 s0, $0xA;
	s2 =	sadd.s32 s3, s2  }
0x8d: {  	s2 =	sadd.s32 s2, s17  }
0x8e: {  	[smem:$0x3FC6] =	sst s2  }
0x8f: {  	_ = 	snop  }
0x90: {  	s2 =	sld [smem:$0x3FC8]  }
0x91: {  	s18 =	sld [smem:$0x3FD0];
	(tm) =	ssettm $0x1  }
0x92: {  	s4 =	sld [smem:$0x3FFB];
	_ =	sdelay $0x3  }
0x93: {  	_ =	strace s4  }
0x94: {  	s4 =	sld [smem:$0x3FFC];
	_ =	sdelay $0x3  }
0x95: {  	_ =	strace s4  }
0x96: {  	s4 =	sld [smem:$0x3FFD];
	_ =	sdelay $0x3  }
0x97: {  	_ =	strace s4  }
0x98: {  	_ =	strace $0x8FFFFFFF  }
0x99: {  	s19 =	sld [smem:$0x3FDB];
	_ =	sdelay $0x1  }
0x9a: {  	s5 =	simm.s32 $_scs_section_size  }
0x9b: {  	s6 =	simm.s32 $_size__tile_overlayer_lowered;
	s7 =	simm.s32 $_tile_overlayer_lowered  }
0x9c: {  	s22 =	simm.s32 $0x1BFF;
	s21 =	sshll.u32 s7, $0x1;
	s4 =	sadd.s32 s5, s19  }
0x9d: {  	s8 =	simm.s32 $0x0;
	s20 =	sshll.u32 s6, $0x1;
	s6 =	sadd.s32 s21, s4  }
0x9e: {  	[timem:s8], [sflag:s22] =	dma.local [hbm:s6], s20  }
0x9f: {  	_ =	swait.ge [sflag:s22], s20  }
0xa0: {  	s5 =	ssub.s32 $0x0, s20;
	[sflag:s22] =	ssyncset.done $0x0  }
0xa1: {  	[sflag:s22] =	ssyncadd.s32 s5;
	_ =	sdelay $0x1  }
0xa2: {  	s23 =	simm.s32 $0x1B8B  }
0xa3: {  	_ =	swait.ge [sflag:s23], $0x1  }
0xa4: {  	[sflag:s23] =	ssyncset.done $0x0  }
0xa5: {  	s25 =	simm.s32 $0x1B8E;
	s24 =	sld [smem:$0x3FFE];
	[sflag:s23] =	ssyncadd.s32 $0xFFFFFFFF  }
0xa6: {  	s26 =	simm.s32 $execute0_lowered;
	[smem:$0x3FD2] =	sst s25  }
0xa7: {  	s6 =	sshll.u32 s26, $0x1;
	_ =	strace $0x80000046;
	[dreg:$0x1] =	wrdreg $0xFFFFFFFF  }
0xa8: {  	s28 =	simm.s32 $_size_execute0_lowered;
	s4 =	sadd.s32 s4, s6;
	[dreg:$0x0] =	wrdreg $0x0  }
0xa9: {  	s6 =	sshll.u32 s28, $0x1;
	[dreg:$0x2] =	wrdreg s4  }
0xaa: {  	[dreg:$0x3] =	wrdreg s6  }
0xab: {  	[dreg:$0x4] =	wrdreg $0xC0  }
0xac: {  	_ =	task [dreg:s8], $0x5FFFF  }
0xad: {  	[dreg:$0x1] =	wrdreg $0xFFFFFFFF  }
0xae: {  	[dreg:$0x0] =	wrdreg $0x60  }
0xaf: {  	[dreg:$0x2] =	wrdreg s24  }
0xb0: {  	[dreg:$0x3] =	wrdreg s2  }
0xb1: {  	[dreg:$0x4] =	wrdreg s18  }
0xb2: {  	[dreg:$0x5] =	wrdreg $0x9  }
0xb3: {  	_ =	task.clear_ibuf [dreg:s8], $0x6FFFF;
	_ =	strace $0x90000046  }
0xb4: {  	s29 =	simm.s32 $0x9;
	_ =	strace $0x80000048  }
0xb5: {  	_ =	swait.ge [sflag:s29], $0x1  }
0xb6: {  	[sflag:s29] =	ssyncadd.s32 $0xFFFFFFFF  }
0xb7: {  	_ =	strace $0x90000048  }
0xb8: {  	_ =	sfence  }
0xb9: {  	s30 =	sld [smem:$0x0];
	_ =	sdelay $0x2  }
0xba: {  	s31 =	sshll.u32 s1, $0xD;
	s1 =	sshrl.u32 s1, $0x2  }
0xbb: {  	s3 =	sand.u32 $0x4000, s31;
	s1 =	sadd.s32 s1, s30  }
0xbc: {  	s0 =	sor.u32 s3, s0;
	s1 =	sshll.u32 s1, $0x11  }
0xbd: {  	s0 =	sor.u32 s1, s0  }
0xbe: {  	s0 =	sadd.s32 $0x8F2B, s0  }
0xbf: {  	[sflag:s0] =	ssyncadd.remote.s32 $0x1  }
0xc0: {  	_ =	sfence.sel $0xFFFF  }
0xc1: {  	[dreg:$0x0] =	wrdreg $0xFFFFFFFF;
	(pc) =	sbr.abs _section_cstart, $3  }
0xc2: {  	[dreg:$0x1] =	wrdreg $0xFFFFFFFF  }
0xc3: {  	_ =	task.clear_ibuf [dreg:s8], $0x2FFFF;
	_ =	strace $0x9FFFFFFF  }
0xc4: {  	(tm) =	ssettm $0x7FFFFFFF  }
0xc5: {  	_ =	shalt  }
tec
execute0_lowered:
.L_overlay_start_1:
0x0: {  	(tag) =	ssettag $0x1  }
0x1: {  	s0 =	rddreg [dreg:$0x0]  }
0x2: {  	s1 =	srdreg.scid;
	s3 =	stileid.u32  }
0x3: {  	s2 =	rddreg [dreg:$0x1];
	s18 =	simm.s32 $0x40;
	s19 =	simm.s32 $0x3400  }
0x4: {  	s21 =	simm.s32 $0x5400;
	s31 =	simm.s32 $0x1;
	s20 =	simm.s32 $0x11400  }
0x5: {  	s22 =	simm.s32 $0x3;
	s1 =	sand.u32 $0x1, s1;
	s4 =	sshll.u32 s3, $0x1  }
0x6: {  	s28 =	simm.s32 $0x15400;
	s29 =	simm.s32 $0x5;
	s6 =	sor.u32 s1, s4  }
0x7: {  	s12 =	simm.s32 $0x19400;
	s15 =	simm.s32 $0x0;
	s7 =	smul.u32 $0x680, s6  }
0x8: {  	s4 =	simm.s32 $0x0;
	s1 =	ssub.s32 $0x2, s1;
	s5 =	smul.u32 $0x1900, s6  }
0x9: {  	[smem:$0x7FF] =	sst s4;
	s8 =	sshrl.u32 s1, $0x1;
	s6 =	smul.u32 $0xC8000, s6  }
0xa: {  	s3 =	rddreg [dreg:$0x2];
	_ =	strace $0x80000047;
	s1 =	ssub.s32 s1, s8  }
0xb: {  	s0 =	sadd.s32 s7, s0;
	s7 =	sor.u32 $0x40, s5;
	s23 =	sshrl.u32 s6, $0x3  }
0xc: {  	s8 =	sor.u32 $0x4000, s6;
	s9 =	sor.u32 $0x6000, s6;
	s0 =	sadd.s32 $0x400, s0  }
0xd: {  	s30 =	smax.u32 s1, $0x1;
	[dreg:$0x4] =	wrdreg s0;
	s0 =	sadd.s32 s3, s23  }
0xe: {  	s10 =	sadd.s32 $0x8000, s6;
	[dreg:$0x9] =	wrdreg s30;
	s24 =	sadd.s32 $0x18000, s0  }
0xf: {  	s11 =	sadd.s32 $0xA000, s6;
	s25 =	sadd.s32 $0x18400, s0;
	[dreg:$0x5] =	wrdreg s24  }
0x10: {  	s1 =	simm.s32 $0xF400;
	s26 =	sadd.s32 $0x18800, s0;
	[dreg:$0x6] =	wrdreg s25  }
0x11: {  	s6 =	simm.s32 $0x6;
	s0 =	sadd.s32 $0x18C00, s0;
	[dreg:$0x7] =	wrdreg s26  }
0x12: {  	s23 =	simm.s32 $0x7400;
	[dreg:$0x8] =	wrdreg s0;
	s25 =	simm.s32 $0x9400  }
0x13: {  	s0 =	simm.s32 $0x2;
	s24 =	simm.s32 $0x13400;
	s26 =	simm.s32 $0x4  }
.LBB2_1:
0x14: {  	[dreg:$0xa] =	wrdreg s15  }
0x15: {  	s13 =	rddreg [dreg:$0x4];
	s17 =	simm.s32 $0xD  }
0x16: {  	[tilespmem:s4], [sflag:$0xD] =	stream.linear.gather [hbm4b:s13+s4], $0x3200, $0x38;
	[tilespmem:$0x1B400] =	vst v63  }
0x17: {  	_ =	swait.ge [sflag:s17], $0x3200  }
0x18: {  	[sflag:s17] =	ssyncset.done $0x0  }
0x19: {  	[sflag:s17] =	ssyncadd.s32 $0xFFFFCE00  }
0x1a: {  	[tilespmem:s19], [sflag:$0x1] =	stream.indirect.gather [hbm4b:s2+s18], $0x80, s4, s18, $0xb8;
	[tilespmem:$0x1B400] =	vst v63  }
0x1b: {  	s30 =	simm.s32 $0x80  }
0x1c: {  	[tilespmem:s21], [sflag:$0x2] =	stream.indirect.gather [hbm4b:s2+s18], $0x80, s30, s18, $0xb8;
	[tilespmem:$0x1B400] =	vst v63  }
0x1d: {  	s14 =	simm.s32 $0x100  }
0x1e: {  	[tilespmem:s23], [sflag:$0x3] =	stream.indirect.gather [hbm4b:s2+s18], $0x80, s14, s18, $0xb8;
	[tilespmem:$0x1B400] =	vst v63  }
0x1f: {  	s15 =	simm.s32 $0x180  }
0x20: {  	[tilespmem:s25], [sflag:$0x4] =	stream.indirect.gather [hbm4b:s2+s18], $0x80, s15, s18, $0xb8;
	[tilespmem:$0x1B400] =	vst v63  }
0x21: {  	s16 =	simm.s32 $0x200;
	s14 =	simm.s32 $0xB400  }
0x22: {  	[tilespmem:s14], [sflag:$0x5] =	stream.indirect.gather [hbm4b:s2+s18], $0x80, s16, s18, $0xb8;
	[tilespmem:$0x1B400] =	vst v63  }
0x23: {  	s13 =	simm.s32 $0x0;
	s17 =	simm.s32 $0x280;
	s30 =	simm.s32 $0xD400  }
0x24: {  	[tilespmem:s30], [sflag:$0x6] =	stream.indirect.gather [hbm4b:s2+s18], $0x80, s17, s18, $0xb8;
	[tilespmem:$0x1B400] =	vst v63  }
.LBB2_2:
0x25: {  	_ =	swait.ge [sflag:s31], $0x2000  }
0x26: {  	p0 =	seq.s32 s13, $0x0;
	[sflag:s31] =	ssyncset.done $0x0  }
0x27: {  	s14 =	simm.s32 @!p0 $0x7;
	[sflag:s31] =	ssyncadd.s32 $0xFFFFE000  }
0x28: {  	_ =	swait.ge @!p0 [sflag:s14], $0x2000  }
0x29: {  	[sflag:s14] =	ssyncset.done @!p0 $0x0  }
0x2a: {  	[sflag:s14] =	ssyncadd.s32 @!p0 $0xFFFFE000;
	s14 =	simm.s32 $0x0  }
0x2b: {  	v1 =	vld [tilespmem:s14+$0x3470]  }
0x2c: {  	v5 =	vld [tilespmem:s14+$0x3400]  }
0x2d: {  	v6 =	vld [tilespmem:s14+$0x3410]  }
0x2e: {  	v4 =	vld [tilespmem:s14+$0x3420]  }
0x2f: {  	v3 =	vld [tilespmem:s14+$0x3430]  }
0x30: {  	v0 =	vld [tilespmem:s14+$0x3440];
	v7 =	vmul.f32 $1.131370830e+01, v1  }
0x31: {  	v1 =	vld [tilespmem:s14+$0x3450];
	v5 =	vmul.f32 $1.131370830e+01, v5  }
0x32: {  	s15 =	simm.s32 $0x80;
	s16 =	simm.s32 $0x400;
	v2 =	vld [tilespmem:s14+$0x3460];
	v6 =	vmul.f32 $1.131370830e+01, v6;
	[tilespmem:s14+$0xF470] =	vst v7  }
.LBB2_3:
0x33: {  	p1 =	sne.s32 s16, $0x7E00;
	v7 =	vld [tilespmem:s15+$0x3470];
	[tilespmem:s14+$0xF400] =	vst v5;
	v4 =	vmul.f32 $1.131370830e+01, v4  }
0x34: {  	v5 =	vld [tilespmem:s15+$0x3400];
	[tilespmem:s14+$0xF410] =	vst v6;
	v3 =	vmul.f32 $1.131370830e+01, v3  }
0x35: {  	v6 =	vld [tilespmem:s15+$0x3410];
	[tilespmem:s14+$0xF420] =	vst v4;
	v0 =	vmul.f32 $1.131370830e+01, v0  }
.Ltmp0:
0x36: {  	v4 =	vld [tilespmem:s15+$0x3420];
	[tilespmem:s14+$0xF430] =	vst v3;
	v1 =	vmul.f32 $1.131370830e+01, v1;
	(pc) =	sbr.rel @p1 .LBB2_3-.Ltmp0, $4  }
0x37: {  	v3 =	vld [tilespmem:s15+$0x3430];
	[tilespmem:s14+$0xF440] =	vst v0;
	v2 =	vmul.f32 $1.131370830e+01, v2  }
0x38: {  	v0 =	vld [tilespmem:s15+$0x3440];
	v7 =	vmul.f32 $1.131370830e+01, v7;
	[tilespmem:s14+$0xF450] =	vst v1  }
0x39: {  	v5 =	vmul.f32 $1.131370830e+01, v5;
	v1 =	vld [tilespmem:s15+$0x3450];
	[tilespmem:s14+$0xF460] =	vst v2;
	s14 =	smov.u32 s15  }
0x3a: {  	s15 =	sshra.s32 s16, $0x2;
	s16 =	sadd.s32 $0x200, s16;
	v6 =	vmul.f32 $1.131370830e+01, v6;
	v2 =	vld [tilespmem:s14+$0x3460];
	[tilespmem:s14+$0xF470] =	vst v7  }
0x3b: {  	v7 =	vld [tilespmem:s15+$0x3470];
	[tilespmem:s14+$0xF400] =	vst v5;
	v4 =	vmul.f32 $1.131370830e+01, v4  }
0x3c: {  	v5 =	vld [tilespmem:s15+$0x3400];
	[tilespmem:s14+$0xF410] =	vst v6;
	v3 =	vmul.f32 $1.131370830e+01, v3  }
0x3d: {  	v6 =	vld [tilespmem:s15+$0x3410];
	[tilespmem:s14+$0xF420] =	vst v4;
	v0 =	vmul.f32 $1.131370830e+01, v0  }
0x3e: {  	v4 =	vld [tilespmem:s15+$0x3420];
	[tilespmem:s14+$0xF430] =	vst v3;
	v1 =	vmul.f32 $1.131370830e+01, v1  }
0x3f: {  	v3 =	vld [tilespmem:s15+$0x3430];
	[tilespmem:s14+$0xF440] =	vst v0;
	v2 =	vmul.f32 $1.131370830e+01, v2  }
0x40: {  	v0 =	vld [tilespmem:s15+$0x3440];
	[tilespmem:s14+$0xF450] =	vst v1;
	v7 =	vmul.f32 $1.131370830e+01, v7  }
0x41: {  	v1 =	vld [tilespmem:s15+$0x3450];
	[tilespmem:s14+$0xF460] =	vst v2;
	v2 =	vmul.f32 $1.131370830e+01, v5  }
0x42: {  	v5 =	vld [tilespmem:s15+$0x3460];
	v6 =	vmul.f32 $1.131370830e+01, v6;
	[tilespmem:s15+$0xF470] =	vst v7  }
0x43: {  	[tilespmem:s15+$0xF400] =	vst v2;
	v2 =	vmul.f32 $1.131370830e+01, v4  }
0x44: {  	[tilespmem:s15+$0xF410] =	vst v6;
	v3 =	vmul.f32 $1.131370830e+01, v3  }
0x45: {  	[tilespmem:s15+$0xF420] =	vst v2;
	v0 =	vmul.f32 $1.131370830e+01, v0  }
0x46: {  	s16 =	smul.u32 $0xC00, s13;
	[tilespmem:s15+$0xF430] =	vst v3;
	v1 =	vmul.f32 $1.131370830e+01, v1  }
0x47: {  	[tilespmem:s15+$0xF440] =	vst v0;
	v0 =	vmul.f32 $1.131370830e+01, v5  }
0x48: {  	s14 =	sshra.s32 s16, $0x2;
	[tilespmem:s15+$0xF450] =	vst v1  }
0x49: {  	s16 =	sadd.s32 $0x300, s14;
	[tilespmem:s15+$0xF460] =	vst v0;
	s15 =	smul.u32 $0x180, s13  }
0x4a: {  	[tilespmem:s19], [sflag:$0x1] =	stream.indirect.gather [hbm4b:s2+s18], $0x80, s16, s18, $0xb8;
	[tilespmem:$0x1B400] =	vst v63  }
0x4b: {  	s17 =	sadd.s32 s5, s15  }
0x4c: {  	s16 =	sshll.u32 s17, $0x4  }
0x4d: {  	s16 =	sadd.s32 s3, s16  }
0x4e: {  	[hbm4b:s16+s4] =	stream.linear.scatter [tilespmem:s1], [sflag:$0x7], $0x2000, $0x38;
	[tilespmem:$0x1B400] =	vst v63  }
0x4f: {  	_ =	swait.ge [sflag:s0], $0x2000  }
0x50: {  	[sflag:s0] =	ssyncset.done $0x0  }
0x51: {  	s16 =	simm.s32 @!p0 $0x8;
	[sflag:s0] =	ssyncadd.s32 $0xFFFFE000  }
0x52: {  	_ =	swait.ge @!p0 [sflag:s16], $0x2000  }
0x53: {  	[sflag:s16] =	ssyncset.done @!p0 $0x0  }
0x54: {  	s17 =	simm.s32 $0x0;
	[sflag:s16] =	ssyncadd.s32 @!p0 $0xFFFFE000  }
0x55: {  	v1 =	vld [tilespmem:s17+$0x5470]  }
0x56: {  	v5 =	vld [tilespmem:s17+$0x5400]  }
0x57: {  	v6 =	vld [tilespmem:s17+$0x5410]  }
0x58: {  	v4 =	vld [tilespmem:s17+$0x5420]  }
0x59: {  	v3 =	vld [tilespmem:s17+$0x5430]  }
0x5a: {  	v0 =	vld [tilespmem:s17+$0x5440];
	v7 =	vmul.f32 $1.131370830e+01, v1  }
0x5b: {  	v1 =	vld [tilespmem:s17+$0x5450];
	v5 =	vmul.f32 $1.131370830e+01, v5  }
0x5c: {  	s30 =	simm.s32 $0x400;
	s16 =	simm.s32 $0x80;
	v2 =	vld [tilespmem:s17+$0x5460];
	v6 =	vmul.f32 $1.131370830e+01, v6;
	[tilespmem:s17+$0x11470] =	vst v7  }
.LBB2_5:
0x5d: {  	p1 =	sne.s32 s30, $0x7E00;
	v7 =	vld [tilespmem:s16+$0x5470];
	[tilespmem:s17+$0x11400] =	vst v5;
	v4 =	vmul.f32 $1.131370830e+01, v4  }
0x5e: {  	v5 =	vld [tilespmem:s16+$0x5400];
	[tilespmem:s17+$0x11410] =	vst v6;
	v3 =	vmul.f32 $1.131370830e+01, v3  }
0x5f: {  	v6 =	vld [tilespmem:s16+$0x5410];
	[tilespmem:s17+$0x11420] =	vst v4;
	v0 =	vmul.f32 $1.131370830e+01, v0  }
.Ltmp1:
0x60: {  	v4 =	vld [tilespmem:s16+$0x5420];
	[tilespmem:s17+$0x11430] =	vst v3;
	v1 =	vmul.f32 $1.131370830e+01, v1;
	(pc) =	sbr.rel @p1 .LBB2_5-.Ltmp1, $4  }
0x61: {  	v3 =	vld [tilespmem:s16+$0x5430];
	[tilespmem:s17+$0x11440] =	vst v0;
	v2 =	vmul.f32 $1.131370830e+01, v2  }
0x62: {  	v0 =	vld [tilespmem:s16+$0x5440];
	v7 =	vmul.f32 $1.131370830e+01, v7;
	[tilespmem:s17+$0x11450] =	vst v1  }
0x63: {  	v5 =	vmul.f32 $1.131370830e+01, v5;
	v1 =	vld [tilespmem:s16+$0x5450];
	[tilespmem:s17+$0x11460] =	vst v2;
	s17 =	smov.u32 s16  }
0x64: {  	s16 =	sshra.s32 s30, $0x2;
	s30 =	sadd.s32 $0x200, s30;
	v6 =	vmul.f32 $1.131370830e+01, v6;
	v2 =	vld [tilespmem:s17+$0x5460];
	[tilespmem:s17+$0x11470] =	vst v7  }
0x65: {  	v7 =	vld [tilespmem:s16+$0x5470];
	[tilespmem:s17+$0x11400] =	vst v5;
	v4 =	vmul.f32 $1.131370830e+01, v4  }
0x66: {  	v5 =	vld [tilespmem:s16+$0x5400];
	[tilespmem:s17+$0x11410] =	vst v6;
	v3 =	vmul.f32 $1.131370830e+01, v3  }
0x67: {  	v6 =	vld [tilespmem:s16+$0x5410];
	[tilespmem:s17+$0x11420] =	vst v4;
	v0 =	vmul.f32 $1.131370830e+01, v0  }
0x68: {  	v4 =	vld [tilespmem:s16+$0x5420];
	[tilespmem:s17+$0x11430] =	vst v3;
	v1 =	vmul.f32 $1.131370830e+01, v1  }
0x69: {  	v3 =	vld [tilespmem:s16+$0x5430];
	[tilespmem:s17+$0x11440] =	vst v0;
	v2 =	vmul.f32 $1.131370830e+01, v2  }
0x6a: {  	v0 =	vld [tilespmem:s16+$0x5440];
	[tilespmem:s17+$0x11450] =	vst v1;
	v7 =	vmul.f32 $1.131370830e+01, v7  }
0x6b: {  	v1 =	vld [tilespmem:s16+$0x5450];
	[tilespmem:s17+$0x11460] =	vst v2;
	v2 =	vmul.f32 $1.131370830e+01, v5  }
0x6c: {  	v5 =	vld [tilespmem:s16+$0x5460];
	v6 =	vmul.f32 $1.131370830e+01, v6;
	[tilespmem:s16+$0x11470] =	vst v7  }
0x6d: {  	[tilespmem:s16+$0x11400] =	vst v2;
	v2 =	vmul.f32 $1.131370830e+01, v4  }
0x6e: {  	[tilespmem:s16+$0x11410] =	vst v6;
	v3 =	vmul.f32 $1.131370830e+01, v3  }
0x6f: {  	[tilespmem:s16+$0x11420] =	vst v2;
	v0 =	vmul.f32 $1.131370830e+01, v0  }
0x70: {  	[tilespmem:s16+$0x11430] =	vst v3;
	v1 =	vmul.f32 $1.131370830e+01, v1  }
0x71: {  	[tilespmem:s16+$0x11440] =	vst v0;
	v0 =	vmul.f32 $1.131370830e+01, v5  }
0x72: {  	s15 =	sadd.s32 s15, s7;
	[tilespmem:s16+$0x11450] =	vst v1  }
0x73: {  	s30 =	sadd.s32 $0x380, s14;
	s15 =	sshll.u32 s15, $0x4;
	[tilespmem:s16+$0x11460] =	vst v0  }
0x74: {  	[tilespmem:s21], [sflag:$0x2] =	stream.indirect.gather [hbm4b:s2+s18], $0x80, s30, s18, $0xb8;
	[tilespmem:$0x1B400] =	vst v63  }
0x75: {  	s15 =	sadd.s32 s3, s15  }
0x76: {  	[hbm4b:s15+s4] =	stream.linear.scatter [tilespmem:s20], [sflag:$0x8], $0x2000, $0x38;
	[tilespmem:$0x1B400] =	vst v63  }
0x77: {  	_ =	swait.ge [sflag:s22], $0x2000  }
0x78: {  	[sflag:s22] =	ssyncset.done $0x0  }
0x79: {  	s15 =	simm.s32 @!p0 $0x9;
	[sflag:s22] =	ssyncadd.s32 $0xFFFFE000  }
0x7a: {  	_ =	swait.ge @!p0 [sflag:s15], $0x2000  }
0x7b: {  	[sflag:s15] =	ssyncset.done @!p0 $0x0  }
0x7c: {  	s16 =	simm.s32 $0x0;
	[sflag:s15] =	ssyncadd.s32 @!p0 $0xFFFFE000  }
0x7d: {  	v1 =	vld [tilespmem:s16+$0x7470]  }
0x7e: {  	v5 =	vld [tilespmem:s16+$0x7400]  }
0x7f: {  	v6 =	vld [tilespmem:s16+$0x7410]  }
0x80: {  	v4 =	vld [tilespmem:s16+$0x7420]  }
0x81: {  	v3 =	vld [tilespmem:s16+$0x7430]  }
0x82: {  	v0 =	vld [tilespmem:s16+$0x7440];
	v7 =	vmul.f32 $1.131370830e+01, v1  }
0x83: {  	v1 =	vld [tilespmem:s16+$0x7450];
	v5 =	vmul.f32 $1.131370830e+01, v5  }
0x84: {  	s17 =	simm.s32 $0x400;
	s15 =	simm.s32 $0x80;
	v2 =	vld [tilespmem:s16+$0x7460];
	v6 =	vmul.f32 $1.131370830e+01, v6;
	[tilespmem:s16+$0x13470] =	vst v7  }
.LBB2_7:
0x85: {  	p1 =	sne.s32 s17, $0x7E00;
	v7 =	vld [tilespmem:s15+$0x7470];
	[tilespmem:s16+$0x13400] =	vst v5;
	v4 =	vmul.f32 $1.131370830e+01, v4  }
0x86: {  	v5 =	vld [tilespmem:s15+$0x7400];
	[tilespmem:s16+$0x13410] =	vst v6;
	v3 =	vmul.f32 $1.131370830e+01, v3  }
0x87: {  	v6 =	vld [tilespmem:s15+$0x7410];
	[tilespmem:s16+$0x13420] =	vst v4;
	v0 =	vmul.f32 $1.131370830e+01, v0  }
.Ltmp2:
0x88: {  	v4 =	vld [tilespmem:s15+$0x7420];
	[tilespmem:s16+$0x13430] =	vst v3;
	v1 =	vmul.f32 $1.131370830e+01, v1;
	(pc) =	sbr.rel @p1 .LBB2_7-.Ltmp2, $4  }
0x89: {  	v3 =	vld [tilespmem:s15+$0x7430];
	[tilespmem:s16+$0x13440] =	vst v0;
	v2 =	vmul.f32 $1.131370830e+01, v2  }
0x8a: {  	v0 =	vld [tilespmem:s15+$0x7440];
	v7 =	vmul.f32 $1.131370830e+01, v7;
	[tilespmem:s16+$0x13450] =	vst v1  }
0x8b: {  	v5 =	vmul.f32 $1.131370830e+01, v5;
	v1 =	vld [tilespmem:s15+$0x7450];
	[tilespmem:s16+$0x13460] =	vst v2;
	s16 =	smov.u32 s15  }
0x8c: {  	s15 =	sshra.s32 s17, $0x2;
	s17 =	sadd.s32 $0x200, s17;
	v6 =	vmul.f32 $1.131370830e+01, v6;
	v2 =	vld [tilespmem:s16+$0x7460];
	[tilespmem:s16+$0x13470] =	vst v7  }
0x8d: {  	v7 =	vld [tilespmem:s15+$0x7470];
	[tilespmem:s16+$0x13400] =	vst v5;
	v4 =	vmul.f32 $1.131370830e+01, v4  }
0x8e: {  	v5 =	vld [tilespmem:s15+$0x7400];
	[tilespmem:s16+$0x13410] =	vst v6;
	v3 =	vmul.f32 $1.131370830e+01, v3  }
0x8f: {  	v6 =	vld [tilespmem:s15+$0x7410];
	[tilespmem:s16+$0x13420] =	vst v4;
	v0 =	vmul.f32 $1.131370830e+01, v0  }
0x90: {  	v4 =	vld [tilespmem:s15+$0x7420];
	[tilespmem:s16+$0x13430] =	vst v3;
	v1 =	vmul.f32 $1.131370830e+01, v1  }
0x91: {  	v3 =	vld [tilespmem:s15+$0x7430];
	[tilespmem:s16+$0x13440] =	vst v0;
	v2 =	vmul.f32 $1.131370830e+01, v2  }
0x92: {  	v0 =	vld [tilespmem:s15+$0x7440];
	[tilespmem:s16+$0x13450] =	vst v1;
	v7 =	vmul.f32 $1.131370830e+01, v7  }
0x93: {  	v1 =	vld [tilespmem:s15+$0x7450];
	[tilespmem:s16+$0x13460] =	vst v2;
	v2 =	vmul.f32 $1.131370830e+01, v5  }
0x94: {  	v5 =	vld [tilespmem:s15+$0x7460];
	v6 =	vmul.f32 $1.131370830e+01, v6;
	[tilespmem:s15+$0x13470] =	vst v7  }
0x95: {  	[tilespmem:s15+$0x13400] =	vst v2;
	v2 =	vmul.f32 $1.131370830e+01, v4  }
0x96: {  	[tilespmem:s15+$0x13410] =	vst v6;
	v3 =	vmul.f32 $1.131370830e+01, v3  }
0x97: {  	[tilespmem:s15+$0x13420] =	vst v2;
	v0 =	vmul.f32 $1.131370830e+01, v0  }
0x98: {  	[tilespmem:s15+$0x13430] =	vst v3;
	v1 =	vmul.f32 $1.131370830e+01, v1  }
0x99: {  	[tilespmem:s15+$0x13440] =	vst v0;
	v0 =	vmul.f32 $1.131370830e+01, v5  }
0x9a: {  	[tilespmem:s15+$0x13450] =	vst v1  }
0x9b: {  	s17 =	sadd.s32 $0x400, s14;
	[tilespmem:s15+$0x13460] =	vst v0;
	s15 =	smul.u32 $0xC000, s13  }
0x9c: {  	[tilespmem:s23], [sflag:$0x3] =	stream.indirect.gather [hbm4b:s2+s18], $0x80, s17, s18, $0xb8;
	[tilespmem:$0x1B400] =	vst v63  }
0x9d: {  	s17 =	sadd.s32 s8, s15  }
0x9e: {  	s16 =	sshrl.u32 s17, $0x3  }
0x9f: {  	s16 =	sadd.s32 s3, s16  }
0xa0: {  	[hbm4b:s16+s4] =	stream.linear.scatter [tilespmem:s24], [sflag:$0x9], $0x2000, $0x38;
	[tilespmem:$0x1B400] =	vst v63  }
0xa1: {  	_ =	swait.ge [sflag:s26], $0x2000  }
0xa2: {  	[sflag:s26] =	ssyncset.done $0x0  }
0xa3: {  	s16 =	simm.s32 @!p0 $0xA;
	[sflag:s26] =	ssyncadd.s32 $0xFFFFE000  }
0xa4: {  	_ =	swait.ge @!p0 [sflag:s16], $0x2000  }
0xa5: {  	[sflag:s16] =	ssyncset.done @!p0 $0x0  }
0xa6: {  	s17 =	simm.s32 $0x0;
	[sflag:s16] =	ssyncadd.s32 @!p0 $0xFFFFE000  }
0xa7: {  	v1 =	vld [tilespmem:s17+$0x9470]  }
0xa8: {  	v5 =	vld [tilespmem:s17+$0x9400]  }
0xa9: {  	v6 =	vld [tilespmem:s17+$0x9410]  }
0xaa: {  	v4 =	vld [tilespmem:s17+$0x9420]  }
0xab: {  	v3 =	vld [tilespmem:s17+$0x9430]  }
0xac: {  	v0 =	vld [tilespmem:s17+$0x9440];
	v7 =	vmul.f32 $1.131370830e+01, v1  }
0xad: {  	v1 =	vld [tilespmem:s17+$0x9450];
	v5 =	vmul.f32 $1.131370830e+01, v5  }
0xae: {  	s30 =	simm.s32 $0x400;
	s16 =	simm.s32 $0x80;
	v2 =	vld [tilespmem:s17+$0x9460];
	v6 =	vmul.f32 $1.131370830e+01, v6;
	[tilespmem:s17+$0x15470] =	vst v7  }
.LBB2_9:
0xaf: {  	p1 =	sne.s32 s30, $0x7E00;
	v7 =	vld [tilespmem:s16+$0x9470];
	[tilespmem:s17+$0x15400] =	vst v5;
	v4 =	vmul.f32 $1.131370830e+01, v4  }
0xb0: {  	v5 =	vld [tilespmem:s16+$0x9400];
	[tilespmem:s17+$0x15410] =	vst v6;
	v3 =	vmul.f32 $1.131370830e+01, v3  }
0xb1: {  	v6 =	vld [tilespmem:s16+$0x9410];
	[tilespmem:s17+$0x15420] =	vst v4;
	v0 =	vmul.f32 $1.131370830e+01, v0  }
.Ltmp3:
0xb2: {  	v4 =	vld [tilespmem:s16+$0x9420];
	[tilespmem:s17+$0x15430] =	vst v3;
	v1 =	vmul.f32 $1.131370830e+01, v1;
	(pc) =	sbr.rel @p1 .LBB2_9-.Ltmp3, $4  }
0xb3: {  	v3 =	vld [tilespmem:s16+$0x9430];
	[tilespmem:s17+$0x15440] =	vst v0;
	v2 =	vmul.f32 $1.131370830e+01, v2  }
0xb4: {  	v0 =	vld [tilespmem:s16+$0x9440];
	v7 =	vmul.f32 $1.131370830e+01, v7;
	[tilespmem:s17+$0x15450] =	vst v1  }
0xb5: {  	v5 =	vmul.f32 $1.131370830e+01, v5;
	v1 =	vld [tilespmem:s16+$0x9450];
	[tilespmem:s17+$0x15460] =	vst v2;
	s17 =	smov.u32 s16  }
0xb6: {  	s16 =	sshra.s32 s30, $0x2;
	s30 =	sadd.s32 $0x200, s30;
	v6 =	vmul.f32 $1.131370830e+01, v6;
	v2 =	vld [tilespmem:s17+$0x9460];
	[tilespmem:s17+$0x15470] =	vst v7  }
0xb7: {  	v7 =	vld [tilespmem:s16+$0x9470];
	[tilespmem:s17+$0x15400] =	vst v5;
	v4 =	vmul.f32 $1.131370830e+01, v4  }
0xb8: {  	v5 =	vld [tilespmem:s16+$0x9400];
	[tilespmem:s17+$0x15410] =	vst v6;
	v3 =	vmul.f32 $1.131370830e+01, v3  }
0xb9: {  	v6 =	vld [tilespmem:s16+$0x9410];
	[tilespmem:s17+$0x15420] =	vst v4;
	v0 =	vmul.f32 $1.131370830e+01, v0  }
0xba: {  	v4 =	vld [tilespmem:s16+$0x9420];
	[tilespmem:s17+$0x15430] =	vst v3;
	v1 =	vmul.f32 $1.131370830e+01, v1  }
0xbb: {  	v3 =	vld [tilespmem:s16+$0x9430];
	[tilespmem:s17+$0x15440] =	vst v0;
	v2 =	vmul.f32 $1.131370830e+01, v2  }
0xbc: {  	v0 =	vld [tilespmem:s16+$0x9440];
	[tilespmem:s17+$0x15450] =	vst v1;
	v7 =	vmul.f32 $1.131370830e+01, v7  }
0xbd: {  	v1 =	vld [tilespmem:s16+$0x9450];
	[tilespmem:s17+$0x15460] =	vst v2;
	v2 =	vmul.f32 $1.131370830e+01, v5  }
0xbe: {  	v5 =	vld [tilespmem:s16+$0x9460];
	v6 =	vmul.f32 $1.131370830e+01, v6;
	[tilespmem:s16+$0x15470] =	vst v7  }
0xbf: {  	[tilespmem:s16+$0x15400] =	vst v2;
	v2 =	vmul.f32 $1.131370830e+01, v4  }
0xc0: {  	[tilespmem:s16+$0x15410] =	vst v6;
	v3 =	vmul.f32 $1.131370830e+01, v3  }
0xc1: {  	[tilespmem:s16+$0x15420] =	vst v2;
	v0 =	vmul.f32 $1.131370830e+01, v0  }
0xc2: {  	[tilespmem:s16+$0x15430] =	vst v3;
	v1 =	vmul.f32 $1.131370830e+01, v1  }
0xc3: {  	[tilespmem:s16+$0x15440] =	vst v0;
	v0 =	vmul.f32 $1.131370830e+01, v5  }
0xc4: {  	[tilespmem:s16+$0x15450] =	vst v1  }
0xc5: {  	s17 =	sadd.s32 $0x480, s14;
	[tilespmem:s16+$0x15460] =	vst v0  }
0xc6: {  	[tilespmem:s25], [sflag:$0x4] =	stream.indirect.gather [hbm4b:s2+s18], $0x80, s17, s18, $0xb8;
	[tilespmem:$0x1B400] =	vst v63  }
0xc7: {  	s17 =	sadd.s32 s9, s15  }
0xc8: {  	s16 =	sshrl.u32 s17, $0x3  }
0xc9: {  	s16 =	sadd.s32 s3, s16  }
0xca: {  	[hbm4b:s16+s4] =	stream.linear.scatter [tilespmem:s28], [sflag:$0xA], $0x2000, $0x38;
	[tilespmem:$0x1B400] =	vst v63  }
0xcb: {  	_ =	swait.ge [sflag:s29], $0x2000  }
0xcc: {  	[sflag:s29] =	ssyncset.done $0x0  }
0xcd: {  	s16 =	simm.s32 @!p0 $0xB;
	[sflag:s29] =	ssyncadd.s32 $0xFFFFE000  }
0xce: {  	_ =	swait.ge @!p0 [sflag:s16], $0x2000  }
0xcf: {  	[sflag:s16] =	ssyncset.done @!p0 $0x0  }
0xd0: {  	s17 =	simm.s32 $0x0;
	[sflag:s16] =	ssyncadd.s32 @!p0 $0xFFFFE000  }
0xd1: {  	v1 =	vld [tilespmem:s17+$0xB470]  }
0xd2: {  	v5 =	vld [tilespmem:s17+$0xB400]  }
0xd3: {  	v6 =	vld [tilespmem:s17+$0xB410]  }
0xd4: {  	v4 =	vld [tilespmem:s17+$0xB420]  }
0xd5: {  	v3 =	vld [tilespmem:s17+$0xB430]  }
0xd6: {  	v0 =	vld [tilespmem:s17+$0xB440];
	v7 =	vmul.f32 $1.131370830e+01, v1  }
0xd7: {  	v1 =	vld [tilespmem:s17+$0xB450];
	v5 =	vmul.f32 $1.131370830e+01, v5  }
0xd8: {  	s30 =	simm.s32 $0x400;
	s16 =	simm.s32 $0x80;
	v2 =	vld [tilespmem:s17+$0xB460];
	v6 =	vmul.f32 $1.131370830e+01, v6;
	[tilespmem:s17+$0x17470] =	vst v7  }
.LBB2_11:
0xd9: {  	p1 =	sne.s32 s30, $0x7E00;
	v7 =	vld [tilespmem:s16+$0xB470];
	[tilespmem:s17+$0x17400] =	vst v5;
	v4 =	vmul.f32 $1.131370830e+01, v4  }
0xda: {  	v5 =	vld [tilespmem:s16+$0xB400];
	[tilespmem:s17+$0x17410] =	vst v6;
	v3 =	vmul.f32 $1.131370830e+01, v3  }
0xdb: {  	v6 =	vld [tilespmem:s16+$0xB410];
	[tilespmem:s17+$0x17420] =	vst v4;
	v0 =	vmul.f32 $1.131370830e+01, v0  }
.Ltmp4:
0xdc: {  	v4 =	vld [tilespmem:s16+$0xB420];
	[tilespmem:s17+$0x17430] =	vst v3;
	v1 =	vmul.f32 $1.131370830e+01, v1;
	(pc) =	sbr.rel @p1 .LBB2_11-.Ltmp4, $4  }
0xdd: {  	v3 =	vld [tilespmem:s16+$0xB430];
	[tilespmem:s17+$0x17440] =	vst v0;
	v2 =	vmul.f32 $1.131370830e+01, v2  }
0xde: {  	v0 =	vld [tilespmem:s16+$0xB440];
	v7 =	vmul.f32 $1.131370830e+01, v7;
	[tilespmem:s17+$0x17450] =	vst v1  }
0xdf: {  	v5 =	vmul.f32 $1.131370830e+01, v5;
	v1 =	vld [tilespmem:s16+$0xB450];
	[tilespmem:s17+$0x17460] =	vst v2;
	s17 =	smov.u32 s16  }
0xe0: {  	s16 =	sshra.s32 s30, $0x2;
	s30 =	sadd.s32 $0x200, s30;
	v6 =	vmul.f32 $1.131370830e+01, v6;
	v2 =	vld [tilespmem:s17+$0xB460];
	[tilespmem:s17+$0x17470] =	vst v7  }
0xe1: {  	v7 =	vld [tilespmem:s16+$0xB470];
	[tilespmem:s17+$0x17400] =	vst v5;
	v4 =	vmul.f32 $1.131370830e+01, v4  }
0xe2: {  	v5 =	vld [tilespmem:s16+$0xB400];
	[tilespmem:s17+$0x17410] =	vst v6;
	v3 =	vmul.f32 $1.131370830e+01, v3  }
0xe3: {  	v6 =	vld [tilespmem:s16+$0xB410];
	[tilespmem:s17+$0x17420] =	vst v4;
	v0 =	vmul.f32 $1.131370830e+01, v0  }
0xe4: {  	v4 =	vld [tilespmem:s16+$0xB420];
	[tilespmem:s17+$0x17430] =	vst v3;
	v1 =	vmul.f32 $1.131370830e+01, v1  }
0xe5: {  	v3 =	vld [tilespmem:s16+$0xB430];
	[tilespmem:s17+$0x17440] =	vst v0;
	v2 =	vmul.f32 $1.131370830e+01, v2  }
0xe6: {  	v0 =	vld [tilespmem:s16+$0xB440];
	[tilespmem:s17+$0x17450] =	vst v1;
	v7 =	vmul.f32 $1.131370830e+01, v7  }
0xe7: {  	v1 =	vld [tilespmem:s16+$0xB450];
	[tilespmem:s17+$0x17460] =	vst v2;
	v2 =	vmul.f32 $1.131370830e+01, v5  }
0xe8: {  	v5 =	vld [tilespmem:s16+$0xB460];
	v6 =	vmul.f32 $1.131370830e+01, v6;
	[tilespmem:s16+$0x17470] =	vst v7  }
0xe9: {  	[tilespmem:s16+$0x17400] =	vst v2;
	v2 =	vmul.f32 $1.131370830e+01, v4  }
0xea: {  	[tilespmem:s16+$0x17410] =	vst v6;
	v3 =	vmul.f32 $1.131370830e+01, v3  }
0xeb: {  	[tilespmem:s16+$0x17420] =	vst v2;
	v0 =	vmul.f32 $1.131370830e+01, v0  }
0xec: {  	[tilespmem:s16+$0x17430] =	vst v3;
	v1 =	vmul.f32 $1.131370830e+01, v1  }
0xed: {  	[tilespmem:s16+$0x17440] =	vst v0;
	v0 =	vmul.f32 $1.131370830e+01, v5  }
0xee: {  	p1 =	seq.s32 s13, $0xF;
	[tilespmem:s16+$0x17450] =	vst v1  }
0xef: {  	s30 =	simm.s32 @!p1 $0xB400;
	s17 =	simm.s32 @!p1 $0x40;
	[tilespmem:s16+$0x17460] =	vst v0;
	s16 =	sadd.s32 @!p1 $0x500, s14  }
0xf0: {  	[tilespmem:s30], [sflag:$0x5] =	stream.indirect.gather @!p1 [hbm4b:s2+s17], $0x80, s16, s17, $0xb8;
	[tilespmem:$0x1B400] =	vst v63  }
0xf1: {  	s17 =	sadd.s32 s10, s15  }
0xf2: {  	s16 =	sshrl.u32 s17, $0x3  }
0xf3: {  	s17 =	simm.s32 $0x17400;
	s16 =	sadd.s32 s3, s16  }
0xf4: {  	[hbm4b:s16+s4] =	stream.linear.scatter [tilespmem:s17], [sflag:$0xB], $0x2000, $0x38;
	[tilespmem:$0x1B400] =	vst v63  }
0xf5: {  	_ =	swait.ge [sflag:s6], $0x2000  }
0xf6: {  	[sflag:s6] =	ssyncset.done $0x0  }
0xf7: {  	s16 =	simm.s32 @!p0 $0xC;
	[sflag:s6] =	ssyncadd.s32 $0xFFFFE000  }
0xf8: {  	_ =	swait.ge @!p0 [sflag:s16], $0x2000  }
0xf9: {  	[sflag:s16] =	ssyncset.done @!p0 $0x0  }
0xfa: {  	s17 =	simm.s32 $0x0;
	[sflag:s16] =	ssyncadd.s32 @!p0 $0xFFFFE000  }
0xfb: {  	v1 =	vld [tilespmem:s17+$0xD470]  }
0xfc: {  	v5 =	vld [tilespmem:s17+$0xD400]  }
0xfd: {  	v6 =	vld [tilespmem:s17+$0xD410]  }
0xfe: {  	v4 =	vld [tilespmem:s17+$0xD420]  }
0xff: {  	v3 =	vld [tilespmem:s17+$0xD430]  }
0x100: {  	v0 =	vld [tilespmem:s17+$0xD440];
	v7 =	vmul.f32 $1.131370830e+01, v1  }
0x101: {  	v1 =	vld [tilespmem:s17+$0xD450];
	v5 =	vmul.f32 $1.131370830e+01, v5  }
0x102: {  	s30 =	simm.s32 $0x400;
	s16 =	simm.s32 $0x80;
	v2 =	vld [tilespmem:s17+$0xD460];
	v6 =	vmul.f32 $1.131370830e+01, v6;
	[tilespmem:s17+$0x19470] =	vst v7  }
.LBB2_13:
0x103: {  	p0 =	sne.s32 s30, $0x7E00;
	v7 =	vld [tilespmem:s16+$0xD470];
	[tilespmem:s17+$0x19400] =	vst v5;
	v4 =	vmul.f32 $1.131370830e+01, v4  }
0x104: {  	v5 =	vld [tilespmem:s16+$0xD400];
	[tilespmem:s17+$0x19410] =	vst v6;
	v3 =	vmul.f32 $1.131370830e+01, v3  }
0x105: {  	v6 =	vld [tilespmem:s16+$0xD410];
	[tilespmem:s17+$0x19420] =	vst v4;
	v0 =	vmul.f32 $1.131370830e+01, v0  }
.Ltmp5:
0x106: {  	v4 =	vld [tilespmem:s16+$0xD420];
	[tilespmem:s17+$0x19430] =	vst v3;
	v1 =	vmul.f32 $1.131370830e+01, v1;
	(pc) =	sbr.rel @p0 .LBB2_13-.Ltmp5, $4  }
0x107: {  	v3 =	vld [tilespmem:s16+$0xD430];
	[tilespmem:s17+$0x19440] =	vst v0;
	v2 =	vmul.f32 $1.131370830e+01, v2  }
0x108: {  	v0 =	vld [tilespmem:s16+$0xD440];
	v7 =	vmul.f32 $1.131370830e+01, v7;
	[tilespmem:s17+$0x19450] =	vst v1  }
0x109: {  	v5 =	vmul.f32 $1.131370830e+01, v5;
	v1 =	vld [tilespmem:s16+$0xD450];
	[tilespmem:s17+$0x19460] =	vst v2;
	s17 =	smov.u32 s16  }
0x10a: {  	s16 =	sshra.s32 s30, $0x2;
	s30 =	sadd.s32 $0x200, s30;
	v6 =	vmul.f32 $1.131370830e+01, v6;
	v2 =	vld [tilespmem:s17+$0xD460];
	[tilespmem:s17+$0x19470] =	vst v7  }
0x10b: {  	v7 =	vld [tilespmem:s16+$0xD470];
	[tilespmem:s17+$0x19400] =	vst v5;
	v4 =	vmul.f32 $1.131370830e+01, v4  }
0x10c: {  	v5 =	vld [tilespmem:s16+$0xD400];
	[tilespmem:s17+$0x19410] =	vst v6;
	v3 =	vmul.f32 $1.131370830e+01, v3  }
0x10d: {  	v6 =	vld [tilespmem:s16+$0xD410];
	[tilespmem:s17+$0x19420] =	vst v4;
	v0 =	vmul.f32 $1.131370830e+01, v0  }
0x10e: {  	v4 =	vld [tilespmem:s16+$0xD420];
	[tilespmem:s17+$0x19430] =	vst v3;
	v1 =	vmul.f32 $1.131370830e+01, v1  }
0x10f: {  	v3 =	vld [tilespmem:s16+$0xD430];
	[tilespmem:s17+$0x19440] =	vst v0;
	v2 =	vmul.f32 $1.131370830e+01, v2  }
0x110: {  	v0 =	vld [tilespmem:s16+$0xD440];
	[tilespmem:s17+$0x19450] =	vst v1;
	v7 =	vmul.f32 $1.131370830e+01, v7  }
0x111: {  	v1 =	vld [tilespmem:s16+$0xD450];
	[tilespmem:s17+$0x19460] =	vst v2;
	v60 =	vmul.f32 $1.131370830e+01, v5  }
0x112: {  	v61 =	vld [tilespmem:s16+$0xD460];
	v6 =	vmul.f32 $1.131370830e+01, v6;
	[tilespmem:s16+$0x19470] =	vst v7  }
0x113: {  	[tilespmem:s16+$0x19400] =	vst v60;
	v62 =	vmul.f32 $1.131370830e+01, v4  }
0x114: {  	[tilespmem:s16+$0x19410] =	vst v6;
	v3 =	vmul.f32 $1.131370830e+01, v3  }
0x115: {  	[tilespmem:s16+$0x19420] =	vst v62;
	v0 =	vmul.f32 $1.131370830e+01, v0  }
0x116: {  	[tilespmem:s16+$0x19430] =	vst v3;
	v1 =	vmul.f32 $1.131370830e+01, v1  }
0x117: {  	s13 =	sadd.s32 $0x1, s13;
	[tilespmem:s16+$0x19440] =	vst v0;
	v63 =	vmul.f32 $1.131370830e+01, v61  }
0x118: {  	s14 =	sadd.s32 @!p1 $0x580, s14;
	s30 =	sadd.s32 s11, s15;
	p0 =	sne.s32 s13, $0x10;
	[tilespmem:s16+$0x19450] =	vst v1  }
.Ltmp6:
0x119: {  	s17 =	simm.s32 @!p1 $0xD400;
	[tilespmem:s16+$0x19460] =	vst v63;
	s16 =	simm.s32 @!p1 $0x40;
	(pc) =	sbr.rel @p0 .LBB2_2-.Ltmp6, $4  }
0x11a: {  	[tilespmem:s17], [sflag:$0x6] =	stream.indirect.gather @!p1 [hbm4b:s2+s16], $0x80, s14, s16, $0xb8;
	[tilespmem:$0x1B400] =	vst v63  }
0x11b: {  	s14 =	sshrl.u32 s30, $0x3  }
0x11c: {  	s14 =	sadd.s32 s3, s14  }
0x11d: {  	[hbm4b:s14+s4] =	stream.linear.scatter [tilespmem:s12], [sflag:$0xC], $0x2000, $0x38;
	[tilespmem:$0x1B400] =	vst v63  }
0x11e: {  	_ =	swait.ge [sflag:s31], $0x2000  }
0x11f: {  	[sflag:s31] =	ssyncset.done $0x0  }
0x120: {  	s16 =	simm.s32 $0x7;
	[sflag:s31] =	ssyncadd.s32 $0xFFFFE000  }
0x121: {  	_ =	swait.ge [sflag:s16], $0x2000  }
0x122: {  	[sflag:s16] =	ssyncset.done $0x0  }
0x123: {  	s14 =	simm.s32 $0x0;
	[sflag:s16] =	ssyncadd.s32 $0xFFFFE000  }
0x124: {  	v1 =	vld [tilespmem:s14+$0x3470]  }
0x125: {  	v5 =	vld [tilespmem:s14+$0x3400]  }
0x126: {  	v6 =	vld [tilespmem:s14+$0x3410]  }
0x127: {  	v4 =	vld [tilespmem:s14+$0x3420]  }
0x128: {  	v3 =	vld [tilespmem:s14+$0x3430]  }
0x129: {  	v0 =	vld [tilespmem:s14+$0x3440];
	v7 =	vmul.f32 $1.131370830e+01, v1  }
0x12a: {  	v1 =	vld [tilespmem:s14+$0x3450];
	v5 =	vmul.f32 $1.131370830e+01, v5  }
0x12b: {  	s13 =	simm.s32 $0x80;
	s15 =	simm.s32 $0x400;
	v2 =	vld [tilespmem:s14+$0x3460];
	v6 =	vmul.f32 $1.131370830e+01, v6;
	[tilespmem:s14+$0xF470] =	vst v7  }
.LBB2_16:
0x12c: {  	p0 =	sne.s32 s15, $0x7E00;
	v7 =	vld [tilespmem:s13+$0x3470];
	[tilespmem:s14+$0xF400] =	vst v5;
	v4 =	vmul.f32 $1.131370830e+01, v4  }
0x12d: {  	v5 =	vld [tilespmem:s13+$0x3400];
	[tilespmem:s14+$0xF410] =	vst v6;
	v3 =	vmul.f32 $1.131370830e+01, v3  }
0x12e: {  	v6 =	vld [tilespmem:s13+$0x3410];
	[tilespmem:s14+$0xF420] =	vst v4;
	v0 =	vmul.f32 $1.131370830e+01, v0  }
.Ltmp7:
0x12f: {  	v4 =	vld [tilespmem:s13+$0x3420];
	[tilespmem:s14+$0xF430] =	vst v3;
	v1 =	vmul.f32 $1.131370830e+01, v1;
	(pc) =	sbr.rel @p0 .LBB2_16-.Ltmp7, $4  }
0x130: {  	v3 =	vld [tilespmem:s13+$0x3430];
	[tilespmem:s14+$0xF440] =	vst v0;
	v2 =	vmul.f32 $1.131370830e+01, v2  }
0x131: {  	v0 =	vld [tilespmem:s13+$0x3440];
	v7 =	vmul.f32 $1.131370830e+01, v7;
	[tilespmem:s14+$0xF450] =	vst v1  }
0x132: {  	v5 =	vmul.f32 $1.131370830e+01, v5;
	v1 =	vld [tilespmem:s13+$0x3450];
	[tilespmem:s14+$0xF460] =	vst v2;
	s14 =	smov.u32 s13  }
0x133: {  	s13 =	sshra.s32 s15, $0x2;
	s15 =	sadd.s32 $0x200, s15;
	v6 =	vmul.f32 $1.131370830e+01, v6;
	v2 =	vld [tilespmem:s14+$0x3460];
	[tilespmem:s14+$0xF470] =	vst v7  }
0x134: {  	v7 =	vld [tilespmem:s13+$0x3470];
	[tilespmem:s14+$0xF400] =	vst v5;
	v4 =	vmul.f32 $1.131370830e+01, v4  }
0x135: {  	v5 =	vld [tilespmem:s13+$0x3400];
	[tilespmem:s14+$0xF410] =	vst v6;
	v3 =	vmul.f32 $1.131370830e+01, v3  }
0x136: {  	v6 =	vld [tilespmem:s13+$0x3410];
	[tilespmem:s14+$0xF420] =	vst v4;
	v0 =	vmul.f32 $1.131370830e+01, v0  }
0x137: {  	v4 =	vld [tilespmem:s13+$0x3420];
	[tilespmem:s14+$0xF430] =	vst v3;
	v1 =	vmul.f32 $1.131370830e+01, v1  }
0x138: {  	v3 =	vld [tilespmem:s13+$0x3430];
	[tilespmem:s14+$0xF440] =	vst v0;
	v2 =	vmul.f32 $1.131370830e+01, v2  }
0x139: {  	v0 =	vld [tilespmem:s13+$0x3440];
	[tilespmem:s14+$0xF450] =	vst v1;
	v7 =	vmul.f32 $1.131370830e+01, v7  }
0x13a: {  	v1 =	vld [tilespmem:s13+$0x3450];
	[tilespmem:s14+$0xF460] =	vst v2;
	v2 =	vmul.f32 $1.131370830e+01, v5  }
0x13b: {  	v5 =	vld [tilespmem:s13+$0x3460];
	v6 =	vmul.f32 $1.131370830e+01, v6;
	[tilespmem:s13+$0xF470] =	vst v7  }
0x13c: {  	[tilespmem:s13+$0xF400] =	vst v2;
	v2 =	vmul.f32 $1.131370830e+01, v4  }
0x13d: {  	[tilespmem:s13+$0xF410] =	vst v6;
	v3 =	vmul.f32 $1.131370830e+01, v3  }
0x13e: {  	[tilespmem:s13+$0xF420] =	vst v2;
	v0 =	vmul.f32 $1.131370830e+01, v0  }
0x13f: {  	[tilespmem:s13+$0xF430] =	vst v3;
	v1 =	vmul.f32 $1.131370830e+01, v1  }
0x140: {  	[tilespmem:s13+$0xF440] =	vst v0;
	v0 =	vmul.f32 $1.131370830e+01, v5  }
0x141: {  	[tilespmem:s13+$0xF450] =	vst v1  }
0x142: {  	s15 =	simm.s32 $0x0;
	s17 =	rddreg [dreg:$0x5];
	[tilespmem:s13+$0xF460] =	vst v0  }
0x143: {  	[hbm4b:s17+s15] =	stream.linear.scatter [tilespmem:s1], [sflag:$0x7], $0x2000, $0x38;
	[tilespmem:$0x1B400] =	vst v63  }
0x144: {  	_ =	swait.ge [sflag:s0], $0x2000  }
0x145: {  	[sflag:s0] =	ssyncset.done $0x0  }
0x146: {  	s17 =	simm.s32 $0x8;
	[sflag:s0] =	ssyncadd.s32 $0xFFFFE000  }
0x147: {  	_ =	swait.ge [sflag:s17], $0x2000  }
0x148: {  	[sflag:s17] =	ssyncset.done $0x0  }
0x149: {  	s14 =	simm.s32 $0x0;
	[sflag:s17] =	ssyncadd.s32 $0xFFFFE000  }
0x14a: {  	v1 =	vld [tilespmem:s14+$0x5470]  }
0x14b: {  	v5 =	vld [tilespmem:s14+$0x5400]  }
0x14c: {  	v6 =	vld [tilespmem:s14+$0x5410]  }
0x14d: {  	v4 =	vld [tilespmem:s14+$0x5420]  }
0x14e: {  	v3 =	vld [tilespmem:s14+$0x5430]  }
0x14f: {  	v0 =	vld [tilespmem:s14+$0x5440];
	v7 =	vmul.f32 $1.131370830e+01, v1  }
0x150: {  	v1 =	vld [tilespmem:s14+$0x5450];
	v5 =	vmul.f32 $1.131370830e+01, v5  }
0x151: {  	s30 =	simm.s32 $0x9;
	s13 =	simm.s32 $0x80;
	s15 =	simm.s32 $0x400;
	v2 =	vld [tilespmem:s14+$0x5460];
	v6 =	vmul.f32 $1.131370830e+01, v6;
	[tilespmem:s14+$0x11470] =	vst v7  }
.LBB2_18:
0x152: {  	p0 =	sne.s32 s15, $0x7E00;
	v7 =	vld [tilespmem:s13+$0x5470];
	[tilespmem:s14+$0x11400] =	vst v5;
	v4 =	vmul.f32 $1.131370830e+01, v4  }
0x153: {  	v5 =	vld [tilespmem:s13+$0x5400];
	[tilespmem:s14+$0x11410] =	vst v6;
	v3 =	vmul.f32 $1.131370830e+01, v3  }
0x154: {  	v6 =	vld [tilespmem:s13+$0x5410];
	[tilespmem:s14+$0x11420] =	vst v4;
	v0 =	vmul.f32 $1.131370830e+01, v0  }
.Ltmp8:
0x155: {  	v4 =	vld [tilespmem:s13+$0x5420];
	[tilespmem:s14+$0x11430] =	vst v3;
	v1 =	vmul.f32 $1.131370830e+01, v1;
	(pc) =	sbr.rel @p0 .LBB2_18-.Ltmp8, $4  }
0x156: {  	v3 =	vld [tilespmem:s13+$0x5430];
	[tilespmem:s14+$0x11440] =	vst v0;
	v2 =	vmul.f32 $1.131370830e+01, v2  }
0x157: {  	v0 =	vld [tilespmem:s13+$0x5440];
	v7 =	vmul.f32 $1.131370830e+01, v7;
	[tilespmem:s14+$0x11450] =	vst v1  }
0x158: {  	v5 =	vmul.f32 $1.131370830e+01, v5;
	v1 =	vld [tilespmem:s13+$0x5450];
	[tilespmem:s14+$0x11460] =	vst v2;
	s14 =	smov.u32 s13  }
0x159: {  	s13 =	sshra.s32 s15, $0x2;
	s15 =	sadd.s32 $0x200, s15;
	v6 =	vmul.f32 $1.131370830e+01, v6;
	v2 =	vld [tilespmem:s14+$0x5460];
	[tilespmem:s14+$0x11470] =	vst v7  }
0x15a: {  	v7 =	vld [tilespmem:s13+$0x5470];
	[tilespmem:s14+$0x11400] =	vst v5;
	v4 =	vmul.f32 $1.131370830e+01, v4  }
0x15b: {  	v5 =	vld [tilespmem:s13+$0x5400];
	[tilespmem:s14+$0x11410] =	vst v6;
	v3 =	vmul.f32 $1.131370830e+01, v3  }
0x15c: {  	v6 =	vld [tilespmem:s13+$0x5410];
	[tilespmem:s14+$0x11420] =	vst v4;
	v0 =	vmul.f32 $1.131370830e+01, v0  }
0x15d: {  	v4 =	vld [tilespmem:s13+$0x5420];
	[tilespmem:s14+$0x11430] =	vst v3;
	v1 =	vmul.f32 $1.131370830e+01, v1  }
0x15e: {  	v3 =	vld [tilespmem:s13+$0x5430];
	[tilespmem:s14+$0x11440] =	vst v0;
	v2 =	vmul.f32 $1.131370830e+01, v2  }
0x15f: {  	v0 =	vld [tilespmem:s13+$0x5440];
	[tilespmem:s14+$0x11450] =	vst v1;
	v7 =	vmul.f32 $1.131370830e+01, v7  }
0x160: {  	v1 =	vld [tilespmem:s13+$0x5450];
	[tilespmem:s14+$0x11460] =	vst v2;
	v2 =	vmul.f32 $1.131370830e+01, v5  }
0x161: {  	v5 =	vld [tilespmem:s13+$0x5460];
	v6 =	vmul.f32 $1.131370830e+01, v6;
	[tilespmem:s13+$0x11470] =	vst v7  }
0x162: {  	[tilespmem:s13+$0x11400] =	vst v2;
	v2 =	vmul.f32 $1.131370830e+01, v4  }
0x163: {  	[tilespmem:s13+$0x11410] =	vst v6;
	v3 =	vmul.f32 $1.131370830e+01, v3  }
0x164: {  	[tilespmem:s13+$0x11420] =	vst v2;
	v0 =	vmul.f32 $1.131370830e+01, v0  }
0x165: {  	[tilespmem:s13+$0x11430] =	vst v3;
	v1 =	vmul.f32 $1.131370830e+01, v1  }
0x166: {  	[tilespmem:s13+$0x11440] =	vst v0;
	v0 =	vmul.f32 $1.131370830e+01, v5  }
0x167: {  	[tilespmem:s13+$0x11450] =	vst v1  }
0x168: {  	s15 =	rddreg [dreg:$0x6];
	s14 =	simm.s32 $0x0;
	[tilespmem:s13+$0x11460] =	vst v0  }
0x169: {  	[hbm4b:s15+s14] =	stream.linear.scatter [tilespmem:s20], [sflag:$0x8], $0x2000, $0x38;
	[tilespmem:$0x1B400] =	vst v63  }
0x16a: {  	_ =	swait.ge [sflag:s22], $0x2000  }
0x16b: {  	[sflag:s22] =	ssyncset.done $0x0  }
0x16c: {  	[sflag:s22] =	ssyncadd.s32 $0xFFFFE000  }
0x16d: {  	_ =	swait.ge [sflag:s30], $0x2000  }
0x16e: {  	[sflag:s30] =	ssyncset.done $0x0  }
0x16f: {  	s14 =	simm.s32 $0x0;
	[sflag:s30] =	ssyncadd.s32 $0xFFFFE000  }
0x170: {  	v1 =	vld [tilespmem:s14+$0x7470]  }
0x171: {  	v5 =	vld [tilespmem:s14+$0x7400]  }
0x172: {  	v6 =	vld [tilespmem:s14+$0x7410]  }
0x173: {  	v4 =	vld [tilespmem:s14+$0x7420]  }
0x174: {  	v3 =	vld [tilespmem:s14+$0x7430]  }
0x175: {  	v0 =	vld [tilespmem:s14+$0x7440];
	v7 =	vmul.f32 $1.131370830e+01, v1  }
0x176: {  	v1 =	vld [tilespmem:s14+$0x7450];
	v5 =	vmul.f32 $1.131370830e+01, v5  }
0x177: {  	s13 =	simm.s32 $0x80;
	s15 =	simm.s32 $0x400;
	v2 =	vld [tilespmem:s14+$0x7460];
	v6 =	vmul.f32 $1.131370830e+01, v6;
	[tilespmem:s14+$0x13470] =	vst v7  }
.LBB2_20:
0x178: {  	p0 =	sne.s32 s15, $0x7E00;
	v7 =	vld [tilespmem:s13+$0x7470];
	[tilespmem:s14+$0x13400] =	vst v5;
	v4 =	vmul.f32 $1.131370830e+01, v4  }
0x179: {  	v5 =	vld [tilespmem:s13+$0x7400];
	[tilespmem:s14+$0x13410] =	vst v6;
	v3 =	vmul.f32 $1.131370830e+01, v3  }
0x17a: {  	v6 =	vld [tilespmem:s13+$0x7410];
	[tilespmem:s14+$0x13420] =	vst v4;
	v0 =	vmul.f32 $1.131370830e+01, v0  }
.Ltmp9:
0x17b: {  	v4 =	vld [tilespmem:s13+$0x7420];
	[tilespmem:s14+$0x13430] =	vst v3;
	v1 =	vmul.f32 $1.131370830e+01, v1;
	(pc) =	sbr.rel @p0 .LBB2_20-.Ltmp9, $4  }
0x17c: {  	v3 =	vld [tilespmem:s13+$0x7430];
	[tilespmem:s14+$0x13440] =	vst v0;
	v2 =	vmul.f32 $1.131370830e+01, v2  }
0x17d: {  	v0 =	vld [tilespmem:s13+$0x7440];
	v7 =	vmul.f32 $1.131370830e+01, v7;
	[tilespmem:s14+$0x13450] =	vst v1  }
0x17e: {  	v5 =	vmul.f32 $1.131370830e+01, v5;
	v1 =	vld [tilespmem:s13+$0x7450];
	[tilespmem:s14+$0x13460] =	vst v2;
	s14 =	smov.u32 s13  }
0x17f: {  	s13 =	sshra.s32 s15, $0x2;
	s15 =	sadd.s32 $0x200, s15;
	v6 =	vmul.f32 $1.131370830e+01, v6;
	v2 =	vld [tilespmem:s14+$0x7460];
	[tilespmem:s14+$0x13470] =	vst v7  }
0x180: {  	v7 =	vld [tilespmem:s13+$0x7470];
	[tilespmem:s14+$0x13400] =	vst v5;
	v4 =	vmul.f32 $1.131370830e+01, v4  }
0x181: {  	v5 =	vld [tilespmem:s13+$0x7400];
	[tilespmem:s14+$0x13410] =	vst v6;
	v3 =	vmul.f32 $1.131370830e+01, v3  }
0x182: {  	v6 =	vld [tilespmem:s13+$0x7410];
	[tilespmem:s14+$0x13420] =	vst v4;
	v0 =	vmul.f32 $1.131370830e+01, v0  }
0x183: {  	v4 =	vld [tilespmem:s13+$0x7420];
	[tilespmem:s14+$0x13430] =	vst v3;
	v1 =	vmul.f32 $1.131370830e+01, v1  }
0x184: {  	v3 =	vld [tilespmem:s13+$0x7430];
	[tilespmem:s14+$0x13440] =	vst v0;
	v2 =	vmul.f32 $1.131370830e+01, v2  }
0x185: {  	v0 =	vld [tilespmem:s13+$0x7440];
	[tilespmem:s14+$0x13450] =	vst v1;
	v7 =	vmul.f32 $1.131370830e+01, v7  }
0x186: {  	v1 =	vld [tilespmem:s13+$0x7450];
	[tilespmem:s14+$0x13460] =	vst v2;
	v2 =	vmul.f32 $1.131370830e+01, v5  }
0x187: {  	v5 =	vld [tilespmem:s13+$0x7460];
	v6 =	vmul.f32 $1.131370830e+01, v6;
	[tilespmem:s13+$0x13470] =	vst v7  }
0x188: {  	[tilespmem:s13+$0x13400] =	vst v2;
	v2 =	vmul.f32 $1.131370830e+01, v4  }
0x189: {  	[tilespmem:s13+$0x13410] =	vst v6;
	v3 =	vmul.f32 $1.131370830e+01, v3  }
0x18a: {  	[tilespmem:s13+$0x13420] =	vst v2;
	v0 =	vmul.f32 $1.131370830e+01, v0  }
0x18b: {  	[tilespmem:s13+$0x13430] =	vst v3;
	v1 =	vmul.f32 $1.131370830e+01, v1  }
0x18c: {  	[tilespmem:s13+$0x13440] =	vst v0;
	v0 =	vmul.f32 $1.131370830e+01, v5  }
0x18d: {  	[tilespmem:s13+$0x13450] =	vst v1  }
0x18e: {  	s15 =	rddreg [dreg:$0x7];
	s14 =	simm.s32 $0x0;
	[tilespmem:s13+$0x13460] =	vst v0  }
0x18f: {  	[hbm4b:s15+s14] =	stream.linear.scatter [tilespmem:s24], [sflag:$0x9], $0x2000, $0x38;
	[tilespmem:$0x1B400] =	vst v63  }
0x190: {  	_ =	swait.ge [sflag:s26], $0x2000  }
0x191: {  	[sflag:s26] =	ssyncset.done $0x0  }
0x192: {  	s15 =	simm.s32 $0xA;
	[sflag:s26] =	ssyncadd.s32 $0xFFFFE000  }
0x193: {  	_ =	swait.ge [sflag:s15], $0x2000  }
0x194: {  	[sflag:s15] =	ssyncset.done $0x0  }
0x195: {  	s14 =	simm.s32 $0x0;
	[sflag:s15] =	ssyncadd.s32 $0xFFFFE000  }
0x196: {  	v1 =	vld [tilespmem:s14+$0x9470]  }
0x197: {  	v5 =	vld [tilespmem:s14+$0x9400]  }
0x198: {  	v6 =	vld [tilespmem:s14+$0x9410]  }
0x199: {  	v4 =	vld [tilespmem:s14+$0x9420]  }
0x19a: {  	v3 =	vld [tilespmem:s14+$0x9430]  }
0x19b: {  	v0 =	vld [tilespmem:s14+$0x9440];
	v7 =	vmul.f32 $1.131370830e+01, v1  }
0x19c: {  	v1 =	vld [tilespmem:s14+$0x9450];
	v5 =	vmul.f32 $1.131370830e+01, v5  }
0x19d: {  	s13 =	simm.s32 $0x80;
	s15 =	simm.s32 $0x400;
	v2 =	vld [tilespmem:s14+$0x9460];
	v6 =	vmul.f32 $1.131370830e+01, v6;
	[tilespmem:s14+$0x15470] =	vst v7  }
.LBB2_22:
0x19e: {  	p0 =	sne.s32 s15, $0x7E00;
	v7 =	vld [tilespmem:s13+$0x9470];
	[tilespmem:s14+$0x15400] =	vst v5;
	v4 =	vmul.f32 $1.131370830e+01, v4  }
0x19f: {  	v5 =	vld [tilespmem:s13+$0x9400];
	[tilespmem:s14+$0x15410] =	vst v6;
	v3 =	vmul.f32 $1.131370830e+01, v3  }
0x1a0: {  	v6 =	vld [tilespmem:s13+$0x9410];
	[tilespmem:s14+$0x15420] =	vst v4;
	v0 =	vmul.f32 $1.131370830e+01, v0  }
.Ltmp10:
0x1a1: {  	v4 =	vld [tilespmem:s13+$0x9420];
	[tilespmem:s14+$0x15430] =	vst v3;
	v1 =	vmul.f32 $1.131370830e+01, v1;
	(pc) =	sbr.rel @p0 .LBB2_22-.Ltmp10, $4  }
0x1a2: {  	v3 =	vld [tilespmem:s13+$0x9430];
	[tilespmem:s14+$0x15440] =	vst v0;
	v2 =	vmul.f32 $1.131370830e+01, v2  }
0x1a3: {  	v0 =	vld [tilespmem:s13+$0x9440];
	v7 =	vmul.f32 $1.131370830e+01, v7;
	[tilespmem:s14+$0x15450] =	vst v1  }
0x1a4: {  	v5 =	vmul.f32 $1.131370830e+01, v5;
	v1 =	vld [tilespmem:s13+$0x9450];
	[tilespmem:s14+$0x15460] =	vst v2;
	s14 =	smov.u32 s13  }
0x1a5: {  	s13 =	sshra.s32 s15, $0x2;
	s15 =	sadd.s32 $0x200, s15;
	v6 =	vmul.f32 $1.131370830e+01, v6;
	v2 =	vld [tilespmem:s14+$0x9460];
	[tilespmem:s14+$0x15470] =	vst v7  }
0x1a6: {  	v7 =	vld [tilespmem:s13+$0x9470];
	[tilespmem:s14+$0x15400] =	vst v5;
	v4 =	vmul.f32 $1.131370830e+01, v4  }
0x1a7: {  	v5 =	vld [tilespmem:s13+$0x9400];
	[tilespmem:s14+$0x15410] =	vst v6;
	v3 =	vmul.f32 $1.131370830e+01, v3  }
0x1a8: {  	v6 =	vld [tilespmem:s13+$0x9410];
	[tilespmem:s14+$0x15420] =	vst v4;
	v0 =	vmul.f32 $1.131370830e+01, v0  }
0x1a9: {  	v4 =	vld [tilespmem:s13+$0x9420];
	[tilespmem:s14+$0x15430] =	vst v3;
	v1 =	vmul.f32 $1.131370830e+01, v1  }
0x1aa: {  	v3 =	vld [tilespmem:s13+$0x9430];
	[tilespmem:s14+$0x15440] =	vst v0;
	v2 =	vmul.f32 $1.131370830e+01, v2  }
0x1ab: {  	v0 =	vld [tilespmem:s13+$0x9440];
	[tilespmem:s14+$0x15450] =	vst v1;
	v7 =	vmul.f32 $1.131370830e+01, v7  }
0x1ac: {  	v1 =	vld [tilespmem:s13+$0x9450];
	[tilespmem:s14+$0x15460] =	vst v2;
	v60 =	vmul.f32 $1.131370830e+01, v5  }
0x1ad: {  	v61 =	vld [tilespmem:s13+$0x9460];
	v6 =	vmul.f32 $1.131370830e+01, v6;
	[tilespmem:s13+$0x15470] =	vst v7  }
0x1ae: {  	[tilespmem:s13+$0x15400] =	vst v60;
	v62 =	vmul.f32 $1.131370830e+01, v4  }
0x1af: {  	[tilespmem:s13+$0x15410] =	vst v6;
	v3 =	vmul.f32 $1.131370830e+01, v3  }
0x1b0: {  	[tilespmem:s13+$0x15420] =	vst v62;
	v0 =	vmul.f32 $1.131370830e+01, v0  }
0x1b1: {  	[tilespmem:s13+$0x15430] =	vst v3;
	v1 =	vmul.f32 $1.131370830e+01, v1  }
0x1b2: {  	[tilespmem:s13+$0x15440] =	vst v0;
	v63 =	vmul.f32 $1.131370830e+01, v61  }
0x1b3: {  	[tilespmem:s13+$0x15450] =	vst v1  }
0x1b4: {  	s15 =	rddreg [dreg:$0x8];
	s14 =	simm.s32 $0xB;
	[tilespmem:s13+$0x15460] =	vst v63  }
0x1b5: {  	[hbm4b:s15+s4] =	stream.linear.scatter [tilespmem:s28], [sflag:$0xA], $0x2000, $0x38;
	[tilespmem:$0x1B400] =	vst v63  }
0x1b6: {  	_ =	swait.ge [sflag:s14], $0x2000  }
0x1b7: {  	[sflag:s14] =	ssyncset.done $0x0  }
0x1b8: {  	s15 =	simm.s32 $0xC;
	[sflag:s14] =	ssyncadd.s32 $0xFFFFE000  }
0x1b9: {  	_ =	swait.ge [sflag:s15], $0x2000  }
0x1ba: {  	[sflag:s15] =	ssyncset.done $0x0  }
0x1bb: {  	[sflag:s15] =	ssyncadd.s32 $0xFFFFE000  }
0x1bc: {  	_ =	swait.ge [sflag:s16], $0x2000  }
0x1bd: {  	[sflag:s16] =	ssyncset.done $0x0  }
0x1be: {  	[sflag:s16] =	ssyncadd.s32 $0xFFFFE000  }
0x1bf: {  	_ =	swait.ge [sflag:s17], $0x2000  }
0x1c0: {  	[sflag:s17] =	ssyncset.done $0x0  }
0x1c1: {  	[sflag:s17] =	ssyncadd.s32 $0xFFFFE000  }
0x1c2: {  	_ =	swait.ge [sflag:s30], $0x2000  }
0x1c3: {  	[sflag:s30] =	ssyncset.done $0x0  }
0x1c4: {  	s17 =	simm.s32 $0xA;
	[sflag:s30] =	ssyncadd.s32 $0xFFFFE000  }
0x1c5: {  	_ =	swait.ge [sflag:s17], $0x2000  }
0x1c6: {  	s15 =	rddreg [dreg:$0xa]  }
0x1c7: {  	s30 =	rddreg [dreg:$0x9];
	s15 =	sadd.s32 $0x1, s15  }
0x1c8: {  	p0 =	sne.s32 s15, s30  }
.Ltmp11:
0x1c9: {  	_ = 	snop;
	(pc) =	sbr.rel @p0 .LBB2_1-.Ltmp11, $3  }
0x1ca: {  	_ =	sdelay $0x1  }
0x1cb: {  	[sflag:s17] =	ssyncset.done $0x0  }
0x1cc: {  	[sflag:s17] =	ssyncadd.s32 $0xFFFFE000  }
0x1cd: {  	_ =	sfence.sel $0x180000  }
0x1ce: {  	[bflag:$0x0] =	sbarrier.arrive $0xFFFF  }
0x1cf: {  	_ =	strace $0x90000047  }
0x1d0: {  	s0 =	stileid.u32;
	[bflag:$0x2] =	sbarrier.arrive $0xFFFF  }
0x1d1: {  	p0 =	sne.s32 s0, $0x0;
	s0 =	rddreg [dreg:$0x3]  }
0x1d2: {  	s0 =	sadd.s32 @!p0 $0x100000, s0  }
0x1d3: {  	[sflag:s0] =	ssyncadd.tile.s32 @!p0 $0x1;
	_ =	shalt  }
.Lfunc_end2:
_tile_overlayer_lowered:
.L_overlay_start_2:
0x1d4: {  	(tag) =	ssettag $0x2  }
0x1d5: {  	s0 =	rddreg [dreg:$0x0];
	s2 =	stileid.u32  }
0x1d6: {  	s1 =	rddreg [dreg:$0x1];
	p0 =	sne.s32 s2, $0x0  }
0x1d7: {  	s3 =	rddreg [dreg:$0x2];
	[bflag:$0x3] =	sbarrier.arrive $0xFFFF;
	s2 =	simm.s32 @!p0 $0x1C0D  }
0x1d8: {  	[timem:s3], [sflag:s2] =	dma.local @!p0 [hbm:s0], s1  }
0x1d9: {  	s0 =	simm.s32 @!p0 $0xD  }
0x1da: {  	_ =	swait.ge @!p0 [sflag:s0], s1  }
0x1db: {  	s1 =	ssub.s32 @!p0 $0x0, s1;
	[sflag:s0] =	ssyncset.done @!p0 $0x0  }
0x1dc: {  	[sflag:s0] =	ssyncadd.s32 @!p0 s1  }
0x1dd: {  	[bflag:$0x3] =	sbarrier.arrive $0xFFFF  }
0x1de: {  	_ =	shalt  }

</sc_bundles>
